<compile_context>
chip_gen: v7x
topology: tpu7x:2x2x1
jax: 0.10.2.dev20260603
libtpu: 0.0.44.dev20260713+nightly
codegen_flags: <defaults>
</compile_context>

<pallas_src>
import functools

import jax
import jax.numpy as jnp
from jax import lax
from jax.experimental import pallas as pl
from jax.experimental.pallas import tpu as pltpu
from jax.experimental.pallas import tpu_sc as plsc


D = 1024
B = 4
_CH = 8
_NW = 32
_LANES = 16


def _make_sc_add(seq_len):
    seq_per_w = seq_len // _NW
    n_chunks = seq_per_w // _CH
    cols = D // _LANES
    mesh = plsc.VectorSubcoreMesh(core_axis_name="c", subcore_axis_name="s")

    @functools.partial(
        pl.kernel,
        out_type=jax.ShapeDtypeStruct((B, seq_len, D), jnp.float32),
        mesh=mesh,
        scratch_types=[
            pltpu.VMEM((B, _CH, D), jnp.float32),
            pltpu.VMEM((B, _CH, D), jnp.float32),
            pltpu.VMEM((B, _CH, D), jnp.float32),
            pltpu.VMEM((_CH, D), jnp.float32),
            pltpu.VMEM((_CH, D), jnp.float32),
            pltpu.VMEM((_CH, D), jnp.float32),
            pltpu.SemaphoreType.DMA,
            pltpu.SemaphoreType.DMA,
            pltpu.SemaphoreType.DMA,
            pltpu.SemaphoreType.DMA,
            pltpu.SemaphoreType.DMA,
            pltpu.SemaphoreType.DMA,
        ],
    )
    def sc_add(x_hbm, pe_hbm, out_hbm,
               xb0, xb1, xb2, pb0, pb1, pb2, ls0, ls1, ls2, os0, os1, os2):
        nc = 2
        wid = lax.axis_index("s") * nc + lax.axis_index("c")
        seq_base = wid * seq_per_w

        def load_copies(c, xb, pb, ls):
            row = seq_base + c * _CH
            cps = [
                pltpu.make_async_copy(
                    x_hbm.at[b, pl.ds(row, _CH)], xb.at[b], ls
                )
                for b in range(B)
            ]
            cps.append(pltpu.make_async_copy(pe_hbm.at[pl.ds(row, _CH)], pb, ls))
            return cps

        def out_copies(c, xb, os):
            row = seq_base + c * _CH
            return [
                pltpu.make_async_copy(
                    xb.at[b], out_hbm.at[b, pl.ds(row, _CH)], os
                )
                for b in range(B)
            ]

        def start(cps):
            for cp in cps:
                cp.start()

        def drain(cps):
            for cp in cps:
                cp.wait()

        def compute(xb, pb):
            def row_body(r, _):
                @plsc.parallel_loop(0, cols, 1, unroll=8)
                def col_body(cc):
                    sl = pl.ds(cc * _LANES, _LANES)
                    pv = pb[r, sl]
                    for b in range(B):
                        plsc.addupdate(xb.at[b, r, sl], pv)

                return 0

            lax.fori_loop(0, _CH, row_body, 0)

        bufs = ((xb0, pb0, ls0, os0), (xb1, pb1, ls1, os1), (xb2, pb2, ls2, os2))

        def chunk_step(c, j):
            xb, pb, ls, os = bufs[j]
            xbn, pbn, lsn, osn = bufs[(j + 2) % 3]
            drain(load_copies(c, xb, pb, ls))

            @pl.when(c > 0)
            def _():
                drain(out_copies(c - 1, xbn, osn))

            @pl.when(c + 2 < n_chunks)
            def _():
                start(load_copies(c + 2, xbn, pbn, lsn))

            compute(xb, pb)
            start(out_copies(c, xb, os))

        start(load_copies(0, xb0, pb0, ls0))
        start(load_copies(1, xb1, pb1, ls1))

        def triple_body(k, _):
            c = 3 * k
            chunk_step(c, 0)
            chunk_step(c + 1, 1)
            chunk_step(c + 2, 2)
            return 0

        lax.fori_loop(0, n_chunks // 3, triple_body, 0)
        chunk_step(n_chunks - 2, 0)
        chunk_step(n_chunks - 1, 1)
        drain(out_copies(n_chunks - 1, xb1, os1))

    return sc_add


def kernel(x, pe_table):
    fn = _make_sc_add(x.shape[1])
    return fn(x, pe_table)

# --- scband reference (transcript-rebuilt; emitter-appended) ---
"""Pipeline reference for scband-positional-encoding-42734924595333 (READ-ONLY COPY).

The authoritative reference and input builder live on the scoring server;
editing this copy changes nothing except your own understanding.
"""

import jax, jax.numpy as jnp
import numpy as np

D_MODEL = 1024
MAX_LEN = 8192
BATCH = 4
SEQ_LEN = 8192

def setup_inputs(seed: int = 0) -> dict:
    key = jax.random.key(seed)
    k1, k2 = jax.random.split(key)
    x = jax.random.normal(k1, (BATCH, SEQ_LEN, D_MODEL), dtype=jnp.float32)
    # learned positional embedding table, nn.Embedding default init ~ N(0,1)
    pe_table = jax.random.normal(k2, (MAX_LEN, D_MODEL), dtype=jnp.float32)
    return {"x": x, "pe_table": pe_table}

def reference(x, pe_table):
    seq_len = x.shape[1]
    max_len = pe_table.shape[0]
    if seq_len <= max_len:
        pos = jnp.arange(seq_len)
        pe = jnp.take(pe_table, pos, axis=0)
        return x + pe
    else:
        remainder = seq_len - max_len
        start_position = max_len - remainder
        while start_position % 7 != max_len % 7:
            start_position -= 1
        pos_full = jnp.arange(max_len)
        pos_rem = jnp.arange(start_position, start_position + remainder)
        pe = jnp.concatenate([jnp.take(pe_table, pos_full, axis=0), jnp.take(pe_table, pos_rem, axis=0)], axis=0)
        return x + pe

if __name__ == "__main__":
    import jax
    _d = setup_inputs()
    print(jax.jit(kernel)(*tuple(_d.values())))

</pallas_src>

<mosaic_0001>
#map = affine_map<(d0, d1) -> (0, 0, 0)>
#map1 = affine_map<(d0, d1) -> (0, 0)>
module attributes {stable_mosaic.version = 14 : i64} {
  func.func @sc_add(%arg0: i32, %arg1: i32, %arg2: memref<4x8192x1024xf32, #tpu.memory_space<hbm>>, %arg3: memref<8192x1024xf32, #tpu.memory_space<hbm>>, %arg4: memref<4x8192x1024xf32, #tpu.memory_space<hbm>>, %arg5: memref<4x8x1024xf32, #tpu.memory_space<vmem>>, %arg6: memref<4x8x1024xf32, #tpu.memory_space<vmem>>, %arg7: memref<4x8x1024xf32, #tpu.memory_space<vmem>>, %arg8: memref<8x1024xf32, #tpu.memory_space<vmem>>, %arg9: memref<8x1024xf32, #tpu.memory_space<vmem>>, %arg10: memref<8x1024xf32, #tpu.memory_space<vmem>>, %arg11: memref<!tpu.dma_semaphore, #tpu.memory_space<semaphore_mem>>, %arg12: memref<!tpu.dma_semaphore, #tpu.memory_space<semaphore_mem>>, %arg13: memref<!tpu.dma_semaphore, #tpu.memory_space<semaphore_mem>>, %arg14: memref<!tpu.dma_semaphore, #tpu.memory_space<semaphore_mem>>, %arg15: memref<!tpu.dma_semaphore, #tpu.memory_space<semaphore_mem>>, %arg16: memref<!tpu.dma_semaphore, #tpu.memory_space<semaphore_mem>>) attributes {dimension_semantics = [#tpu.dimension_semantics<core_parallel>, #tpu.dimension_semantics<subcore_parallel>], iteration_bounds = array<i64: 2, 16>, scalar_prefetch = 0 : i64, scratch_operands = 12 : i64, tpu.core_type = #tpu.core_type<sc_vector_subcore>, window_params = [{transform_indices = #map}, {transform_indices = #map1}, {transform_indices = #map}]} {
    %mul3A = arith.constant 2 : i32
    %mul3A_0 = arith.muli %arg1, %mul3A : i32
    %add3A = arith.addi %mul3A_0, %arg0 : i32
    %mul3A_1 = arith.constant 256 : i32
    %mul3A_2 = arith.muli %add3A, %mul3A_1 : i32
    %add3A_3 = arith.constant 0 : i32
    %add3A_4 = arith.addi %mul3A_2, %add3A_3 : i32
    %dma_start3A = arith.constant 0 : i32
    %dma_start3A_5 = arith.constant 0 : i32
    %dma_start3A_6 = arith.constant 0 : i32
    %dma_start3A_7 = arith.constant 0 : i32
    %dma_start3A_8 = tpu.memref_slice %arg5[%dma_start3A_5, %dma_start3A_6, %dma_start3A_7] : memref<4x8x1024xf32, #tpu.memory_space<vmem>> -> memref<1x8x1024xf32, #tpu.memory_space<vmem>>
    %dma_start3A_9 = tpu.memref_squeeze %dma_start3A_8 : memref<1x8x1024xf32, #tpu.memory_space<vmem>> -> memref<8x1024xf32, #tpu.memory_space<vmem>>
    %dma_start3A_10 = arith.constant 0 : i32
    %dma_start3A_11 = tpu.memref_slice %arg2[%dma_start3A, %add3A_4, %dma_start3A_10] : memref<4x8192x1024xf32, #tpu.memory_space<hbm>> -> memref<1x8x1024xf32, #tpu.memory_space<hbm>>
    %dma_start3A_12 = tpu.memref_squeeze %dma_start3A_11 : memref<1x8x1024xf32, #tpu.memory_space<hbm>> -> memref<8x1024xf32, #tpu.memory_space<hbm>>
    %dma_start3A_13 = arith.constant 0 : i32
    %dma_start3A_14 = arith.constant 0 : i32
    %dma_start3A_15 = tpu.memref_slice %arg5[%dma_start3A_5, %dma_start3A_13, %dma_start3A_14] : memref<4x8x1024xf32, #tpu.memory_space<vmem>> -> memref<1x8x1024xf32, #tpu.memory_space<vmem>>
    %dma_start3A_16 = tpu.memref_squeeze %dma_start3A_15 : memref<1x8x1024xf32, #tpu.memory_space<vmem>> -> memref<8x1024xf32, #tpu.memory_space<vmem>>
    %dma_start3A_17 = arith.constant 0 : i32
    %dma_start3A_18 = tpu.memref_slice %arg2[%dma_start3A, %add3A_4, %dma_start3A_17] : memref<4x8192x1024xf32, #tpu.memory_space<hbm>> -> memref<1x8x1024xf32, #tpu.memory_space<hbm>>
    %dma_start3A_19 = tpu.memref_squeeze %dma_start3A_18 : memref<1x8x1024xf32, #tpu.memory_space<hbm>> -> memref<8x1024xf32, #tpu.memory_space<hbm>>
    tpu.enqueue_dma source(%dma_start3A_19 : memref<8x1024xf32, #tpu.memory_space<hbm>>) target(%dma_start3A_16 : memref<8x1024xf32, #tpu.memory_space<vmem>>) target_semaphore(%arg11 : memref<!tpu.dma_semaphore, #tpu.memory_space<semaphore_mem>>)
    %dma_start3A_20 = arith.constant 1 : i32
    %dma_start3A_21 = arith.constant 1 : i32
    %dma_start3A_22 = arith.constant 0 : i32
    %dma_start3A_23 = arith.constant 0 : i32
    %dma_start3A_24 = tpu.memref_slice %arg5[%dma_start3A_21, %dma_start3A_22, %dma_start3A_23] : memref<4x8x1024xf32, #tpu.memory_space<vmem>> -> memref<1x8x1024xf32, #tpu.memory_space<vmem>>
    %dma_start3A_25 = tpu.memref_squeeze %dma_start3A_24 : memref<1x8x1024xf32, #tpu.memory_space<vmem>> -> memref<8x1024xf32, #tpu.memory_space<vmem>>
    %dma_start3A_26 = arith.constant 0 : i32
    %dma_start3A_27 = tpu.memref_slice %arg2[%dma_start3A_20, %add3A_4, %dma_start3A_26] : memref<4x8192x1024xf32, #tpu.memory_space<hbm>> -> memref<1x8x1024xf32, #tpu.memory_space<hbm>>
    %dma_start3A_28 = tpu.memref_squeeze %dma_start3A_27 : memref<1x8x1024xf32, #tpu.memory_space<hbm>> -> memref<8x1024xf32, #tpu.memory_space<hbm>>
    %dma_start3A_29 = arith.constant 0 : i32
    %dma_start3A_30 = arith.constant 0 : i32
    %dma_start3A_31 = tpu.memref_slice %arg5[%dma_start3A_21, %dma_start3A_29, %dma_start3A_30] : memref<4x8x1024xf32, #tpu.memory_space<vmem>> -> memref<1x8x1024xf32, #tpu.memory_space<vmem>>
    %dma_start3A_32 = tpu.memref_squeeze %dma_start3A_31 : memref<1x8x1024xf32, #tpu.memory_space<vmem>> -> memref<8x1024xf32, #tpu.memory_space<vmem>>
    %dma_start3A_33 = arith.constant 0 : i32
    %dma_start3A_34 = tpu.memref_slice %arg2[%dma_start3A_20, %add3A_4, %dma_start3A_33] : memref<4x8192x1024xf32, #tpu.memory_space<hbm>> -> memref<1x8x1024xf32, #tpu.memory_space<hbm>>
    %dma_start3A_35 = tpu.memref_squeeze %dma_start3A_34 : memref<1x8x1024xf32, #tpu.memory_space<hbm>> -> memref<8x1024xf32, #tpu.memory_space<hbm>>
    tpu.enqueue_dma source(%dma_start3A_35 : memref<8x1024xf32, #tpu.memory_space<hbm>>) target(%dma_start3A_32 : memref<8x1024xf32, #tpu.memory_space<vmem>>) target_semaphore(%arg11 : memref<!tpu.dma_semaphore, #tpu.memory_space<semaphore_mem>>)
    %dma_start3A_36 = arith.constant 2 : i32
    %dma_start3A_37 = arith.constant 2 : i32
    %dma_start3A_38 = arith.constant 0 : i32
    %dma_start3A_39 = arith.constant 0 : i32
    %dma_start3A_40 = tpu.memref_slice %arg5[%dma_start3A_37, %dma_start3A_38, %dma_start3A_39] : memref<4x8x1024xf32, #tpu.memory_space<vmem>> -> memref<1x8x1024xf32, #tpu.memory_space<vmem>>
    %dma_start3A_41 = tpu.memref_squeeze %dma_start3A_40 : memref<1x8x1024xf32, #tpu.memory_space<vmem>> -> memref<8x1024xf32, #tpu.memory_space<vmem>>
    %dma_start3A_42 = arith.constant 0 : i32
    %dma_start3A_43 = tpu.memref_slice %arg2[%dma_start3A_36, %add3A_4, %dma_start3A_42] : memref<4x8192x1024xf32, #tpu.memory_space<hbm>> -> memref<1x8x1024xf32, #tpu.memory_space<hbm>>
    %dma_start3A_44 = tpu.memref_squeeze %dma_start3A_43 : memref<1x8x1024xf32, #tpu.memory_space<hbm>> -> memref<8x1024xf32, #tpu.memory_space<hbm>>
    %dma_start3A_45 = arith.constant 0 : i32
    %dma_start3A_46 = arith.constant 0 : i32
    %dma_start3A_47 = tpu.memref_slice %arg5[%dma_start3A_37, %dma_start3A_45, %dma_start3A_46] : memref<4x8x1024xf32, #tpu.memory_space<vmem>> -> memref<1x8x1024xf32, #tpu.memory_space<vmem>>
    %dma_start3A_48 = tpu.memref_squeeze %dma_start3A_47 : memref<1x8x1024xf32, #tpu.memory_space<vmem>> -> memref<8x1024xf32, #tpu.memory_space<vmem>>
    %dma_start3A_49 = arith.constant 0 : i32
    %dma_start3A_50 = tpu.memref_slice %arg2[%dma_start3A_36, %add3A_4, %dma_start3A_49] : memref<4x8192x1024xf32, #tpu.memory_space<hbm>> -> memref<1x8x1024xf32, #tpu.memory_space<hbm>>
    %dma_start3A_51 = tpu.memref_squeeze %dma_start3A_50 : memref<1x8x1024xf32, #tpu.memory_space<hbm>> -> memref<8x1024xf32, #tpu.memory_space<hbm>>
    tpu.enqueue_dma source(%dma_start3A_51 : memref<8x1024xf32, #tpu.memory_space<hbm>>) target(%dma_start3A_48 : memref<8x1024xf32, #tpu.memory_space<vmem>>) target_semaphore(%arg11 : memref<!tpu.dma_semaphore, #tpu.memory_space<semaphore_mem>>)
    %dma_start3A_52 = arith.constant 3 : i32
    %dma_start3A_53 = arith.constant 3 : i32
    %dma_start3A_54 = arith.constant 0 : i32
    %dma_start3A_55 = arith.constant 0 : i32
    %dma_start3A_56 = tpu.memref_slice %arg5[%dma_start3A_53, %dma_start3A_54, %dma_start3A_55] : memref<4x8x1024xf32, #tpu.memory_space<vmem>> -> memref<1x8x1024xf32, #tpu.memory_space<vmem>>
    %dma_start3A_57 = tpu.memref_squeeze %dma_start3A_56 : memref<1x8x1024xf32, #tpu.memory_space<vmem>> -> memref<8x1024xf32, #tpu.memory_space<vmem>>
    %dma_start3A_58 = arith.constant 0 : i32
    %dma_start3A_59 = tpu.memref_slice %arg2[%dma_start3A_52, %add3A_4, %dma_start3A_58] : memref<4x8192x1024xf32, #tpu.memory_space<hbm>> -> memref<1x8x1024xf32, #tpu.memory_space<hbm>>
    %dma_start3A_60 = tpu.memref_squeeze %dma_start3A_59 : memref<1x8x1024xf32, #tpu.memory_space<hbm>> -> memref<8x1024xf32, #tpu.memory_space<hbm>>
    %dma_start3A_61 = arith.constant 0 : i32
    %dma_start3A_62 = arith.constant 0 : i32
    %dma_start3A_63 = tpu.memref_slice %arg5[%dma_start3A_53, %dma_start3A_61, %dma_start3A_62] : memref<4x8x1024xf32, #tpu.memory_space<vmem>> -> memref<1x8x1024xf32, #tpu.memory_space<vmem>>
    %dma_start3A_64 = tpu.memref_squeeze %dma_start3A_63 : memref<1x8x1024xf32, #tpu.memory_space<vmem>> -> memref<8x1024xf32, #tpu.memory_space<vmem>>
    %dma_start3A_65 = arith.constant 0 : i32
    %dma_start3A_66 = tpu.memref_slice %arg2[%dma_start3A_52, %add3A_4, %dma_start3A_65] : memref<4x8192x1024xf32, #tpu.memory_space<hbm>> -> memref<1x8x1024xf32, #tpu.memory_space<hbm>>
    %dma_start3A_67 = tpu.memref_squeeze %dma_start3A_66 : memref<1x8x1024xf32, #tpu.memory_space<hbm>> -> memref<8x1024xf32, #tpu.memory_space<hbm>>
    tpu.enqueue_dma source(%dma_start3A_67 : memref<8x1024xf32, #tpu.memory_space<hbm>>) target(%dma_start3A_64 : memref<8x1024xf32, #tpu.memory_space<vmem>>) target_semaphore(%arg11 : memref<!tpu.dma_semaphore, #tpu.memory_space<semaphore_mem>>)
    %dma_start3A_68 = arith.constant 0 : i32
    %dma_start3A_69 = tpu.memref_slice %arg3[%add3A_4, %dma_start3A_68] : memref<8192x1024xf32, #tpu.memory_space<hbm>> -> memref<8x1024xf32, #tpu.memory_space<hbm>>
    %dma_start3A_70 = arith.constant 0 : i32
    %dma_start3A_71 = tpu.memref_slice %arg3[%add3A_4, %dma_start3A_70] : memref<8192x1024xf32, #tpu.memory_space<hbm>> -> memref<8x1024xf32, #tpu.memory_space<hbm>>
    tpu.enqueue_dma source(%dma_start3A_71 : memref<8x1024xf32, #tpu.memory_space<hbm>>) target(%arg8 : memref<8x1024xf32, #tpu.memory_space<vmem>>) target_semaphore(%arg11 : memref<!tpu.dma_semaphore, #tpu.memory_space<semaphore_mem>>)
    %add3A_72 = arith.constant 8 : i32
    %add3A_73 = arith.addi %mul3A_2, %add3A_72 : i32
    %dma_start3A_74 = arith.constant 0 : i32
    %dma_start3A_75 = arith.constant 0 : i32
    %dma_start3A_76 = arith.constant 0 : i32
    %dma_start3A_77 = arith.constant 0 : i32
    %dma_start3A_78 = tpu.memref_slice %arg6[%dma_start3A_75, %dma_start3A_76, %dma_start3A_77] : memref<4x8x1024xf32, #tpu.memory_space<vmem>> -> memref<1x8x1024xf32, #tpu.memory_space<vmem>>
    %dma_start3A_79 = tpu.memref_squeeze %dma_start3A_78 : memref<1x8x1024xf32, #tpu.memory_space<vmem>> -> memref<8x1024xf32, #tpu.memory_space<vmem>>
    %dma_start3A_80 = arith.constant 0 : i32
    %dma_start3A_81 = tpu.memref_slice %arg2[%dma_start3A_74, %add3A_73, %dma_start3A_80] : memref<4x8192x1024xf32, #tpu.memory_space<hbm>> -> memref<1x8x1024xf32, #tpu.memory_space<hbm>>
    %dma_start3A_82 = tpu.memref_squeeze %dma_start3A_81 : memref<1x8x1024xf32, #tpu.memory_space<hbm>> -> memref<8x1024xf32, #tpu.memory_space<hbm>>
    %dma_start3A_83 = arith.constant 0 : i32
    %dma_start3A_84 = arith.constant 0 : i32
    %dma_start3A_85 = tpu.memref_slice %arg6[%dma_start3A_75, %dma_start3A_83, %dma_start3A_84] : memref<4x8x1024xf32, #tpu.memory_space<vmem>> -> memref<1x8x1024xf32, #tpu.memory_space<vmem>>
    %dma_start3A_86 = tpu.memref_squeeze %dma_start3A_85 : memref<1x8x1024xf32, #tpu.memory_space<vmem>> -> memref<8x1024xf32, #tpu.memory_space<vmem>>
    %dma_start3A_87 = arith.constant 0 : i32
    %dma_start3A_88 = tpu.memref_slice %arg2[%dma_start3A_74, %add3A_73, %dma_start3A_87] : memref<4x8192x1024xf32, #tpu.memory_space<hbm>> -> memref<1x8x1024xf32, #tpu.memory_space<hbm>>
    %dma_start3A_89 = tpu.memref_squeeze %dma_start3A_88 : memref<1x8x1024xf32, #tpu.memory_space<hbm>> -> memref<8x1024xf32, #tpu.memory_space<hbm>>
    tpu.enqueue_dma source(%dma_start3A_89 : memref<8x1024xf32, #tpu.memory_space<hbm>>) target(%dma_start3A_86 : memref<8x1024xf32, #tpu.memory_space<vmem>>) target_semaphore(%arg12 : memref<!tpu.dma_semaphore, #tpu.memory_space<semaphore_mem>>)
    %dma_start3A_90 = arith.constant 1 : i32
    %dma_start3A_91 = arith.constant 1 : i32
    %dma_start3A_92 = arith.constant 0 : i32
    %dma_start3A_93 = arith.constant 0 : i32
    %dma_start3A_94 = tpu.memref_slice %arg6[%dma_start3A_91, %dma_start3A_92, %dma_start3A_93] : memref<4x8x1024xf32, #tpu.memory_space<vmem>> -> memref<1x8x1024xf32, #tpu.memory_space<vmem>>
    %dma_start3A_95 = tpu.memref_squeeze %dma_start3A_94 : memref<1x8x1024xf32, #tpu.memory_space<vmem>> -> memref<8x1024xf32, #tpu.memory_space<vmem>>
    %dma_start3A_96 = arith.constant 0 : i32
    %dma_start3A_97 = tpu.memref_slice %arg2[%dma_start3A_90, %add3A_73, %dma_start3A_96] : memref<4x8192x1024xf32, #tpu.memory_space<hbm>> -> memref<1x8x1024xf32, #tpu.memory_space<hbm>>
    %dma_start3A_98 = tpu.memref_squeeze %dma_start3A_97 : memref<1x8x1024xf32, #tpu.memory_space<hbm>> -> memref<8x1024xf32, #tpu.memory_space<hbm>>
    %dma_start3A_99 = arith.constant 0 : i32
    %dma_start3A_100 = arith.constant 0 : i32
    %dma_start3A_101 = tpu.memref_slice %arg6[%dma_start3A_91, %dma_start3A_99, %dma_start3A_100] : memref<4x8x1024xf32, #tpu.memory_space<vmem>> -> memref<1x8x1024xf32, #tpu.memory_space<vmem>>
    %dma_start3A_102 = tpu.memref_squeeze %dma_start3A_101 : memref<1x8x1024xf32, #tpu.memory_space<vmem>> -> memref<8x1024xf32, #tpu.memory_space<vmem>>
    %dma_start3A_103 = arith.constant 0 : i32
    %dma_start3A_104 = tpu.memref_slice %arg2[%dma_start3A_90, %add3A_73, %dma_start3A_103] : memref<4x8192x1024xf32, #tpu.memory_space<hbm>> -> memref<1x8x1024xf32, #tpu.memory_space<hbm>>
    %dma_start3A_105 = tpu.memref_squeeze %dma_start3A_104 : memref<1x8x1024xf32, #tpu.memory_space<hbm>> -> memref<8x1024xf32, #tpu.memory_space<hbm>>
    tpu.enqueue_dma source(%dma_start3A_105 : memref<8x1024xf32, #tpu.memory_space<hbm>>) target(%dma_start3A_102 : memref<8x1024xf32, #tpu.memory_space<vmem>>) target_semaphore(%arg12 : memref<!tpu.dma_semaphore, #tpu.memory_space<semaphore_mem>>)
    %dma_start3A_106 = arith.constant 2 : i32
    %dma_start3A_107 = arith.constant 2 : i32
    %dma_start3A_108 = arith.constant 0 : i32
    %dma_start3A_109 = arith.constant 0 : i32
    %dma_start3A_110 = tpu.memref_slice %arg6[%dma_start3A_107, %dma_start3A_108, %dma_start3A_109] : memref<4x8x1024xf32, #tpu.memory_space<vmem>> -> memref<1x8x1024xf32, #tpu.memory_space<vmem>>
    %dma_start3A_111 = tpu.memref_squeeze %dma_start3A_110 : memref<1x8x1024xf32, #tpu.memory_space<vmem>> -> memref<8x1024xf32, #tpu.memory_space<vmem>>
    %dma_start3A_112 = arith.constant 0 : i32
    %dma_start3A_113 = tpu.memref_slice %arg2[%dma_start3A_106, %add3A_73, %dma_start3A_112] : memref<4x8192x1024xf32, #tpu.memory_space<hbm>> -> memref<1x8x1024xf32, #tpu.memory_space<hbm>>
    %dma_start3A_114 = tpu.memref_squeeze %dma_start3A_113 : memref<1x8x1024xf32, #tpu.memory_space<hbm>> -> memref<8x1024xf32, #tpu.memory_space<hbm>>
    %dma_start3A_115 = arith.constant 0 : i32
    %dma_start3A_116 = arith.constant 0 : i32
    %dma_start3A_117 = tpu.memref_slice %arg6[%dma_start3A_107, %dma_start3A_115, %dma_start3A_116] : memref<4x8x1024xf32, #tpu.memory_space<vmem>> -> memref<1x8x1024xf32, #tpu.memory_space<vmem>>
    %dma_start3A_118 = tpu.memref_squeeze %dma_start3A_117 : memref<1x8x1024xf32, #tpu.memory_space<vmem>> -> memref<8x1024xf32, #tpu.memory_space<vmem>>
    %dma_start3A_119 = arith.constant 0 : i32
    %dma_start3A_120 = tpu.memref_slice %arg2[%dma_start3A_106, %add3A_73, %dma_start3A_119] : memref<4x8192x1024xf32, #tpu.memory_space<hbm>> -> memref<1x8x1024xf32, #tpu.memory_space<hbm>>
    %dma_start3A_121 = tpu.memref_squeeze %dma_start3A_120 : memref<1x8x1024xf32, #tpu.memory_space<hbm>> -> memref<8x1024xf32, #tpu.memory_space<hbm>>
    tpu.enqueue_dma source(%dma_start3A_121 : memref<8x1024xf32, #tpu.memory_space<hbm>>) target(%dma_start3A_118 : memref<8x1024xf32, #tpu.memory_space<vmem>>) target_semaphore(%arg12 : memref<!tpu.dma_semaphore, #tpu.memory_space<semaphore_mem>>)
    %dma_start3A_122 = arith.constant 3 : i32
    %dma_start3A_123 = arith.constant 3 : i32
    %dma_start3A_124 = arith.constant 0 : i32
    %dma_start3A_125 = arith.constant 0 : i32
    %dma_start3A_126 = tpu.memref_slice %arg6[%dma_start3A_123, %dma_start3A_124, %dma_start3A_125] : memref<4x8x1024xf32, #tpu.memory_space<vmem>> -> memref<1x8x1024xf32, #tpu.memory_space<vmem>>
    %dma_start3A_127 = tpu.memref_squeeze %dma_start3A_126 : memref<1x8x1024xf32, #tpu.memory_space<vmem>> -> memref<8x1024xf32, #tpu.memory_space<vmem>>
    %dma_start3A_128 = arith.constant 0 : i32
    %dma_start3A_129 = tpu.memref_slice %arg2[%dma_start3A_122, %add3A_73, %dma_start3A_128] : memref<4x8192x1024xf32, #tpu.memory_space<hbm>> -> memref<1x8x1024xf32, #tpu.memory_space<hbm>>
    %dma_start3A_130 = tpu.memref_squeeze %dma_start3A_129 : memref<1x8x1024xf32, #tpu.memory_space<hbm>> -> memref<8x1024xf32, #tpu.memory_space<hbm>>
    %dma_start3A_131 = arith.constant 0 : i32
    %dma_start3A_132 = arith.constant 0 : i32
    %dma_start3A_133 = tpu.memref_slice %arg6[%dma_start3A_123, %dma_start3A_131, %dma_start3A_132] : memref<4x8x1024xf32, #tpu.memory_space<vmem>> -> memref<1x8x1024xf32, #tpu.memory_space<vmem>>
    %dma_start3A_134 = tpu.memref_squeeze %dma_start3A_133 : memref<1x8x1024xf32, #tpu.memory_space<vmem>> -> memref<8x1024xf32, #tpu.memory_space<vmem>>
    %dma_start3A_135 = arith.constant 0 : i32
    %dma_start3A_136 = tpu.memref_slice %arg2[%dma_start3A_122, %add3A_73, %dma_start3A_135] : memref<4x8192x1024xf32, #tpu.memory_space<hbm>> -> memref<1x8x1024xf32, #tpu.memory_space<hbm>>
    %dma_start3A_137 = tpu.memref_squeeze %dma_start3A_136 : memref<1x8x1024xf32, #tpu.memory_space<hbm>> -> memref<8x1024xf32, #tpu.memory_space<hbm>>
    tpu.enqueue_dma source(%dma_start3A_137 : memref<8x1024xf32, #tpu.memory_space<hbm>>) target(%dma_start3A_134 : memref<8x1024xf32, #tpu.memory_space<vmem>>) target_semaphore(%arg12 : memref<!tpu.dma_semaphore, #tpu.memory_space<semaphore_mem>>)
    %dma_start3A_138 = arith.constant 0 : i32
    %dma_start3A_139 = tpu.memref_slice %arg3[%add3A_73, %dma_start3A_138] : memref<8192x1024xf32, #tpu.memory_space<hbm>> -> memref<8x1024xf32, #tpu.memory_space<hbm>>
    %dma_start3A_140 = arith.constant 0 : i32
    %dma_start3A_141 = tpu.memref_slice %arg3[%add3A_73, %dma_start3A_140] : memref<8192x1024xf32, #tpu.memory_space<hbm>> -> memref<8x1024xf32, #tpu.memory_space<hbm>>
    tpu.enqueue_dma source(%dma_start3A_141 : memref<8x1024xf32, #tpu.memory_space<hbm>>) target(%arg9 : memref<8x1024xf32, #tpu.memory_space<vmem>>) target_semaphore(%arg12 : memref<!tpu.dma_semaphore, #tpu.memory_space<semaphore_mem>>)
    %scan3A = arith.constant 0 : i32
    %scan3A_142 = arith.constant 0 : i32
    %scan3A_143 = arith.constant 10 : i32
    %scan3A_144 = arith.addi %scan3A_142, %scan3A_143 : i32
    %scan3A_145 = arith.constant 1 : i32
    %scan3A_146 = scf.for %scan3A_631 = %scan3A_142 to %scan3A_144 step %scan3A_145 iter_args(%scan3A_632 = %scan3A) -> (i32)  : i32 {
      %mul3A_633 = arith.constant 3 : i32
      %mul3A_634 = arith.muli %mul3A_633, %scan3A_631 : i32
      %mul3A_635 = arith.constant 8 : i32
      %mul3A_636 = arith.muli %mul3A_634, %mul3A_635 : i32
      %add3A_637 = arith.addi %mul3A_2, %mul3A_636 : i32
      %dma_wait3A_638 = arith.constant 0 : i32
      %dma_wait3A_639 = arith.constant 0 : i32
      %dma_wait3A_640 = arith.constant 0 : i32
      %dma_wait3A_641 = arith.constant 0 : i32
      %dma_wait3A_642 = tpu.memref_slice %arg5[%dma_wait3A_639, %dma_wait3A_640, %dma_wait3A_641] : memref<4x8x1024xf32, #tpu.memory_space<vmem>> -> memref<1x8x1024xf32, #tpu.memory_space<vmem>>
      %dma_wait3A_643 = tpu.memref_squeeze %dma_wait3A_642 : memref<1x8x1024xf32, #tpu.memory_space<vmem>> -> memref<8x1024xf32, #tpu.memory_space<vmem>>
      %dma_wait3A_644 = arith.constant 0 : i32
      %dma_wait3A_645 = tpu.memref_slice %arg2[%dma_wait3A_638, %add3A_637, %dma_wait3A_644] : memref<4x8192x1024xf32, #tpu.memory_space<hbm>> -> memref<1x8x1024xf32, #tpu.memory_space<hbm>>
      %dma_wait3A_646 = tpu.memref_squeeze %dma_wait3A_645 : memref<1x8x1024xf32, #tpu.memory_space<hbm>> -> memref<8x1024xf32, #tpu.memory_space<hbm>>
      %dma_wait3A_647 = arith.constant 0 : i32
      %dma_wait3A_648 = arith.constant 0 : i32
      %dma_wait3A_649 = tpu.memref_slice %arg5[%dma_wait3A_639, %dma_wait3A_647, %dma_wait3A_648] : memref<4x8x1024xf32, #tpu.memory_space<vmem>> -> memref<1x8x1024xf32, #tpu.memory_space<vmem>>
      %dma_wait3A_650 = tpu.memref_squeeze %dma_wait3A_649 : memref<1x8x1024xf32, #tpu.memory_space<vmem>> -> memref<8x1024xf32, #tpu.memory_space<vmem>>
      %dma_wait3A_651 = arith.constant 0 : i32
      %dma_wait3A_652 = tpu.memref_slice %arg2[%dma_wait3A_638, %add3A_637, %dma_wait3A_651] : memref<4x8192x1024xf32, #tpu.memory_space<hbm>> -> memref<1x8x1024xf32, #tpu.memory_space<hbm>>
      %dma_wait3A_653 = tpu.memref_squeeze %dma_wait3A_652 : memref<1x8x1024xf32, #tpu.memory_space<hbm>> -> memref<8x1024xf32, #tpu.memory_space<hbm>>
      tpu.wait_dma2 semaphore(%arg11 : memref<!tpu.dma_semaphore, #tpu.memory_space<semaphore_mem>>) src(%dma_wait3A_653 : memref<8x1024xf32, #tpu.memory_space<hbm>>) dst(%dma_wait3A_650 : memref<8x1024xf32, #tpu.memory_space<vmem>>)
      %dma_wait3A_654 = arith.constant 1 : i32
      %dma_wait3A_655 = arith.constant 1 : i32
      %dma_wait3A_656 = arith.constant 0 : i32
      %dma_wait3A_657 = arith.constant 0 : i32
      %dma_wait3A_658 = tpu.memref_slice %arg5[%dma_wait3A_655, %dma_wait3A_656, %dma_wait3A_657] : memref<4x8x1024xf32, #tpu.memory_space<vmem>> -> memref<1x8x1024xf32, #tpu.memory_space<vmem>>
      %dma_wait3A_659 = tpu.memref_squeeze %dma_wait3A_658 : memref<1x8x1024xf32, #tpu.memory_space<vmem>> -> memref<8x1024xf32, #tpu.memory_space<vmem>>
      %dma_wait3A_660 = arith.constant 0 : i32
      %dma_wait3A_661 = tpu.memref_slice %arg2[%dma_wait3A_654, %add3A_637, %dma_wait3A_660] : memref<4x8192x1024xf32, #tpu.memory_space<hbm>> -> memref<1x8x1024xf32, #tpu.memory_space<hbm>>
      %dma_wait3A_662 = tpu.memref_squeeze %dma_wait3A_661 : memref<1x8x1024xf32, #tpu.memory_space<hbm>> -> memref<8x1024xf32, #tpu.memory_space<hbm>>
      %dma_wait3A_663 = arith.constant 0 : i32
      %dma_wait3A_664 = arith.constant 0 : i32
      %dma_wait3A_665 = tpu.memref_slice %arg5[%dma_wait3A_655, %dma_wait3A_663, %dma_wait3A_664] : memref<4x8x1024xf32, #tpu.memory_space<vmem>> -> memref<1x8x1024xf32, #tpu.memory_space<vmem>>
      %dma_wait3A_666 = tpu.memref_squeeze %dma_wait3A_665 : memref<1x8x1024xf32, #tpu.memory_space<vmem>> -> memref<8x1024xf32, #tpu.memory_space<vmem>>
      %dma_wait3A_667 = arith.constant 0 : i32
      %dma_wait3A_668 = tpu.memref_slice %arg2[%dma_wait3A_654, %add3A_637, %dma_wait3A_667] : memref<4x8192x1024xf32, #tpu.memory_space<hbm>> -> memref<1x8x1024xf32, #tpu.memory_space<hbm>>
      %dma_wait3A_669 = tpu.memref_squeeze %dma_wait3A_668 : memref<1x8x1024xf32, #tpu.memory_space<hbm>> -> memref<8x1024xf32, #tpu.memory_space<hbm>>
      tpu.wait_dma2 semaphore(%arg11 : memref<!tpu.dma_semaphore, #tpu.memory_space<semaphore_mem>>) src(%dma_wait3A_669 : memref<8x1024xf32, #tpu.memory_space<hbm>>) dst(%dma_wait3A_666 : memref<8x1024xf32, #tpu.memory_space<vmem>>)
      %dma_wait3A_670 = arith.constant 2 : i32
      %dma_wait3A_671 = arith.constant 2 : i32
      %dma_wait3A_672 = arith.constant 0 : i32
      %dma_wait3A_673 = arith.constant 0 : i32
      %dma_wait3A_674 = tpu.memref_slice %arg5[%dma_wait3A_671, %dma_wait3A_672, %dma_wait3A_673] : memref<4x8x1024xf32, #tpu.memory_space<vmem>> -> memref<1x8x1024xf32, #tpu.memory_space<vmem>>
      %dma_wait3A_675 = tpu.memref_squeeze %dma_wait3A_674 : memref<1x8x1024xf32, #tpu.memory_space<vmem>> -> memref<8x1024xf32, #tpu.memory_space<vmem>>
      %dma_wait3A_676 = arith.constant 0 : i32
      %dma_wait3A_677 = tpu.memref_slice %arg2[%dma_wait3A_670, %add3A_637, %dma_wait3A_676] : memref<4x8192x1024xf32, #tpu.memory_space<hbm>> -> memref<1x8x1024xf32, #tpu.memory_space<hbm>>
      %dma_wait3A_678 = tpu.memref_squeeze %dma_wait3A_677 : memref<1x8x1024xf32, #tpu.memory_space<hbm>> -> memref<8x1024xf32, #tpu.memory_space<hbm>>
      %dma_wait3A_679 = arith.constant 0 : i32
      %dma_wait3A_680 = arith.constant 0 : i32
      %dma_wait3A_681 = tpu.memref_slice %arg5[%dma_wait3A_671, %dma_wait3A_679, %dma_wait3A_680] : memref<4x8x1024xf32, #tpu.memory_space<vmem>> -> memref<1x8x1024xf32, #tpu.memory_space<vmem>>
      %dma_wait3A_682 = tpu.memref_squeeze %dma_wait3A_681 : memref<1x8x1024xf32, #tpu.memory_space<vmem>> -> memref<8x1024xf32, #tpu.memory_space<vmem>>
      %dma_wait3A_683 = arith.constant 0 : i32
      %dma_wait3A_684 = tpu.memref_slice %arg2[%dma_wait3A_670, %add3A_637, %dma_wait3A_683] : memref<4x8192x1024xf32, #tpu.memory_space<hbm>> -> memref<1x8x1024xf32, #tpu.memory_space<hbm>>
      %dma_wait3A_685 = tpu.memref_squeeze %dma_wait3A_684 : memref<1x8x1024xf32, #tpu.memory_space<hbm>> -> memref<8x1024xf32, #tpu.memory_space<hbm>>
      tpu.wait_dma2 semaphore(%arg11 : memref<!tpu.dma_semaphore, #tpu.memory_space<semaphore_mem>>) src(%dma_wait3A_685 : memref<8x1024xf32, #tpu.memory_space<hbm>>) dst(%dma_wait3A_682 : memref<8x1024xf32, #tpu.memory_space<vmem>>)
      %dma_wait3A_686 = arith.constant 3 : i32
      %dma_wait3A_687 = arith.constant 3 : i32
      %dma_wait3A_688 = arith.constant 0 : i32
      %dma_wait3A_689 = arith.constant 0 : i32
      %dma_wait3A_690 = tpu.memref_slice %arg5[%dma_wait3A_687, %dma_wait3A_688, %dma_wait3A_689] : memref<4x8x1024xf32, #tpu.memory_space<vmem>> -> memref<1x8x1024xf32, #tpu.memory_space<vmem>>
      %dma_wait3A_691 = tpu.memref_squeeze %dma_wait3A_690 : memref<1x8x1024xf32, #tpu.memory_space<vmem>> -> memref<8x1024xf32, #tpu.memory_space<vmem>>
      %dma_wait3A_692 = arith.constant 0 : i32
      %dma_wait3A_693 = tpu.memref_slice %arg2[%dma_wait3A_686, %add3A_637, %dma_wait3A_692] : memref<4x8192x1024xf32, #tpu.memory_space<hbm>> -> memref<1x8x1024xf32, #tpu.memory_space<hbm>>
      %dma_wait3A_694 = tpu.memref_squeeze %dma_wait3A_693 : memref<1x8x1024xf32, #tpu.memory_space<hbm>> -> memref<8x1024xf32, #tpu.memory_space<hbm>>
      %dma_wait3A_695 = arith.constant 0 : i32
      %dma_wait3A_696 = arith.constant 0 : i32
      %dma_wait3A_697 = tpu.memref_slice %arg5[%dma_wait3A_687, %dma_wait3A_695, %dma_wait3A_696] : memref<4x8x1024xf32, #tpu.memory_space<vmem>> -> memref<1x8x1024xf32, #tpu.memory_space<vmem>>
      %dma_wait3A_698 = tpu.memref_squeeze %dma_wait3A_697 : memref<1x8x1024xf32, #tpu.memory_space<vmem>> -> memref<8x1024xf32, #tpu.memory_space<vmem>>
      %dma_wait3A_699 = arith.constant 0 : i32
      %dma_wait3A_700 = tpu.memref_slice %arg2[%dma_wait3A_686, %add3A_637, %dma_wait3A_699] : memref<4x8192x1024xf32, #tpu.memory_space<hbm>> -> memref<1x8x1024xf32, #tpu.memory_space<hbm>>
      %dma_wait3A_701 = tpu.memref_squeeze %dma_wait3A_700 : memref<1x8x1024xf32, #tpu.memory_space<hbm>> -> memref<8x1024xf32, #tpu.memory_space<hbm>>
      tpu.wait_dma2 semaphore(%arg11 : memref<!tpu.dma_semaphore, #tpu.memory_space<semaphore_mem>>) src(%dma_wait3A_701 : memref<8x1024xf32, #tpu.memory_space<hbm>>) dst(%dma_wait3A_698 : memref<8x1024xf32, #tpu.memory_space<vmem>>)
      %dma_wait3A_702 = arith.constant 0 : i32
      %dma_wait3A_703 = tpu.memref_slice %arg3[%add3A_637, %dma_wait3A_702] : memref<8192x1024xf32, #tpu.memory_space<hbm>> -> memref<8x1024xf32, #tpu.memory_space<hbm>>
      %dma_wait3A_704 = arith.constant 0 : i32
      %dma_wait3A_705 = tpu.memref_slice %arg3[%add3A_637, %dma_wait3A_704] : memref<8192x1024xf32, #tpu.memory_space<hbm>> -> memref<8x1024xf32, #tpu.memory_space<hbm>>
      tpu.wait_dma2 semaphore(%arg11 : memref<!tpu.dma_semaphore, #tpu.memory_space<semaphore_mem>>) src(%dma_wait3A_705 : memref<8x1024xf32, #tpu.memory_space<hbm>>) dst(%arg8 : memref<8x1024xf32, #tpu.memory_space<vmem>>)
      %gt3A = arith.constant 0 : i32
      %gt3A_706 = arith.cmpi sgt, %mul3A_634, %gt3A : i32
      %convert_element_type3A = arith.extui %gt3A_706 : i1 to i32
      %cond3A = arith.constant 0 : i32
      %cond3A_707 = arith.cmpi ne, %convert_element_type3A, %cond3A : i32
      scf.if %cond3A_707 {
        %sub3A = arith.constant 1 : i32
        %sub3A_1107 = arith.subi %mul3A_634, %sub3A : i32
        %mul3A_1108 = arith.constant 8 : i32
        %mul3A_1109 = arith.muli %sub3A_1107, %mul3A_1108 : i32
        %add3A_1110 = arith.addi %mul3A_2, %mul3A_1109 : i32
        %dma_wait3A_1111 = arith.constant 0 : i32
        %dma_wait3A_1112 = arith.constant 0 : i32
        %dma_wait3A_1113 = arith.constant 0 : i32
        %dma_wait3A_1114 = arith.constant 0 : i32
        %dma_wait3A_1115 = tpu.memref_slice %arg7[%dma_wait3A_1111, %dma_wait3A_1113, %dma_wait3A_1114] : memref<4x8x1024xf32, #tpu.memory_space<vmem>> -> memref<1x8x1024xf32, #tpu.memory_space<vmem>>
        %dma_wait3A_1116 = tpu.memref_squeeze %dma_wait3A_1115 : memref<1x8x1024xf32, #tpu.memory_space<vmem>> -> memref<8x1024xf32, #tpu.memory_space<vmem>>
        %dma_wait3A_1117 = arith.constant 0 : i32
        %dma_wait3A_1118 = tpu.memref_slice %arg4[%dma_wait3A_1112, %add3A_1110, %dma_wait3A_1117] : memref<4x8192x1024xf32, #tpu.memory_space<hbm>> -> memref<1x8x1024xf32, #tpu.memory_space<hbm>>
        %dma_wait3A_1119 = tpu.memref_squeeze %dma_wait3A_1118 : memref<1x8x1024xf32, #tpu.memory_space<hbm>> -> memref<8x1024xf32, #tpu.memory_space<hbm>>
        %dma_wait3A_1120 = arith.constant 0 : i32
        %dma_wait3A_1121 = tpu.memref_slice %arg4[%dma_wait3A_1112, %add3A_1110, %dma_wait3A_1120] : memref<4x8192x1024xf32, #tpu.memory_space<hbm>> -> memref<1x8x1024xf32, #tpu.memory_space<hbm>>
        %dma_wait3A_1122 = tpu.memref_squeeze %dma_wait3A_1121 : memref<1x8x1024xf32, #tpu.memory_space<hbm>> -> memref<8x1024xf32, #tpu.memory_space<hbm>>
        %dma_wait3A_1123 = arith.constant 0 : i32
        %dma_wait3A_1124 = arith.constant 0 : i32
        %dma_wait3A_1125 = tpu.memref_slice %arg7[%dma_wait3A_1111, %dma_wait3A_1123, %dma_wait3A_1124] : memref<4x8x1024xf32, #tpu.memory_space<vmem>> -> memref<1x8x1024xf32, #tpu.memory_space<vmem>>
        %dma_wait3A_1126 = tpu.memref_squeeze %dma_wait3A_1125 : memref<1x8x1024xf32, #tpu.memory_space<vmem>> -> memref<8x1024xf32, #tpu.memory_space<vmem>>
        tpu.wait_dma2 semaphore(%arg16 : memref<!tpu.dma_semaphore, #tpu.memory_space<semaphore_mem>>) src(%dma_wait3A_1126 : memref<8x1024xf32, #tpu.memory_space<vmem>>) dst(%dma_wait3A_1122 : memref<8x1024xf32, #tpu.memory_space<hbm>>)
        %dma_wait3A_1127 = arith.constant 1 : i32
        %dma_wait3A_1128 = arith.constant 1 : i32
        %dma_wait3A_1129 = arith.constant 0 : i32
        %dma_wait3A_1130 = arith.constant 0 : i32
        %dma_wait3A_1131 = tpu.memref_slice %arg7[%dma_wait3A_1127, %dma_wait3A_1129, %dma_wait3A_1130] : memref<4x8x1024xf32, #tpu.memory_space<vmem>> -> memref<1x8x1024xf32, #tpu.memory_space<vmem>>
        %dma_wait3A_1132 = tpu.memref_squeeze %dma_wait3A_1131 : memref<1x8x1024xf32, #tpu.memory_space<vmem>> -> memref<8x1024xf32, #tpu.memory_space<vmem>>
        %dma_wait3A_1133 = arith.constant 0 : i32
        %dma_wait3A_1134 = tpu.memref_slice %arg4[%dma_wait3A_1128, %add3A_1110, %dma_wait3A_1133] : memref<4x8192x1024xf32, #tpu.memory_space<hbm>> -> memref<1x8x1024xf32, #tpu.memory_space<hbm>>
        %dma_wait3A_1135 = tpu.memref_squeeze %dma_wait3A_1134 : memref<1x8x1024xf32, #tpu.memory_space<hbm>> -> memref<8x1024xf32, #tpu.memory_space<hbm>>
        %dma_wait3A_1136 = arith.constant 0 : i32
        %dma_wait3A_1137 = tpu.memref_slice %arg4[%dma_wait3A_1128, %add3A_1110, %dma_wait3A_1136] : memref<4x8192x1024xf32, #tpu.memory_space<hbm>> -> memref<1x8x1024xf32, #tpu.memory_space<hbm>>
        %dma_wait3A_1138 = tpu.memref_squeeze %dma_wait3A_1137 : memref<1x8x1024xf32, #tpu.memory_space<hbm>> -> memref<8x1024xf32, #tpu.memory_space<hbm>>
        %dma_wait3A_1139 = arith.constant 0 : i32
        %dma_wait3A_1140 = arith.constant 0 : i32
        %dma_wait3A_1141 = tpu.memref_slice %arg7[%dma_wait3A_1127, %dma_wait3A_1139, %dma_wait3A_1140] : memref<4x8x1024xf32, #tpu.memory_space<vmem>> -> memref<1x8x1024xf32, #tpu.memory_space<vmem>>
        %dma_wait3A_1142 = tpu.memref_squeeze %dma_wait3A_1141 : memref<1x8x1024xf32, #tpu.memory_space<vmem>> -> memref<8x1024xf32, #tpu.memory_space<vmem>>
        tpu.wait_dma2 semaphore(%arg16 : memref<!tpu.dma_semaphore, #tpu.memory_space<semaphore_mem>>) src(%dma_wait3A_1142 : memref<8x1024xf32, #tpu.memory_space<vmem>>) dst(%dma_wait3A_1138 : memref<8x1024xf32, #tpu.memory_space<hbm>>)
        %dma_wait3A_1143 = arith.constant 2 : i32
        %dma_wait3A_1144 = arith.constant 2 : i32
        %dma_wait3A_1145 = arith.constant 0 : i32
        %dma_wait3A_1146 = arith.constant 0 : i32
        %dma_wait3A_1147 = tpu.memref_slice %arg7[%dma_wait3A_1143, %dma_wait3A_1145, %dma_wait3A_1146] : memref<4x8x1024xf32, #tpu.memory_space<vmem>> -> memref<1x8x1024xf32, #tpu.memory_space<vmem>>
        %dma_wait3A_1148 = tpu.memref_squeeze %dma_wait3A_1147 : memref<1x8x1024xf32, #tpu.memory_space<vmem>> -> memref<8x1024xf32, #tpu.memory_space<vmem>>
        %dma_wait3A_1149 = arith.constant 0 : i32
        %dma_wait3A_1150 = tpu.memref_slice %arg4[%dma_wait3A_1144, %add3A_1110, %dma_wait3A_1149] : memref<4x8192x1024xf32, #tpu.memory_space<hbm>> -> memref<1x8x1024xf32, #tpu.memory_space<hbm>>
        %dma_wait3A_1151 = tpu.memref_squeeze %dma_wait3A_1150 : memref<1x8x1024xf32, #tpu.memory_space<hbm>> -> memref<8x1024xf32, #tpu.memory_space<hbm>>
        %dma_wait3A_1152 = arith.constant 0 : i32
        %dma_wait3A_1153 = tpu.memref_slice %arg4[%dma_wait3A_1144, %add3A_1110, %dma_wait3A_1152] : memref<4x8192x1024xf32, #tpu.memory_space<hbm>> -> memref<1x8x1024xf32, #tpu.memory_space<hbm>>
        %dma_wait3A_1154 = tpu.memref_squeeze %dma_wait3A_1153 : memref<1x8x1024xf32, #tpu.memory_space<hbm>> -> memref<8x1024xf32, #tpu.memory_space<hbm>>
        %dma_wait3A_1155 = arith.constant 0 : i32
        %dma_wait3A_1156 = arith.constant 0 : i32
        %dma_wait3A_1157 = tpu.memref_slice %arg7[%dma_wait3A_1143, %dma_wait3A_1155, %dma_wait3A_1156] : memref<4x8x1024xf32, #tpu.memory_space<vmem>> -> memref<1x8x1024xf32, #tpu.memory_space<vmem>>
        %dma_wait3A_1158 = tpu.memref_squeeze %dma_wait3A_1157 : memref<1x8x1024xf32, #tpu.memory_space<vmem>> -> memref<8x1024xf32, #tpu.memory_space<vmem>>
        tpu.wait_dma2 semaphore(%arg16 : memref<!tpu.dma_semaphore, #tpu.memory_space<semaphore_mem>>) src(%dma_wait3A_1158 : memref<8x1024xf32, #tpu.memory_space<vmem>>) dst(%dma_wait3A_1154 : memref<8x1024xf32, #tpu.memory_space<hbm>>)
        %dma_wait3A_1159 = arith.constant 3 : i32
        %dma_wait3A_1160 = arith.constant 3 : i32
        %dma_wait3A_1161 = arith.constant 0 : i32
        %dma_wait3A_1162 = arith.constant 0 : i32
        %dma_wait3A_1163 = tpu.memref_slice %arg7[%dma_wait3A_1159, %dma_wait3A_1161, %dma_wait3A_1162] : memref<4x8x1024xf32, #tpu.memory_space<vmem>> -> memref<1x8x1024xf32, #tpu.memory_space<vmem>>
        %dma_wait3A_1164 = tpu.memref_squeeze %dma_wait3A_1163 : memref<1x8x1024xf32, #tpu.memory_space<vmem>> -> memref<8x1024xf32, #tpu.memory_space<vmem>>
        %dma_wait3A_1165 = arith.constant 0 : i32
        %dma_wait3A_1166 = tpu.memref_slice %arg4[%dma_wait3A_1160, %add3A_1110, %dma_wait3A_1165] : memref<4x8192x1024xf32, #tpu.memory_space<hbm>> -> memref<1x8x1024xf32, #tpu.memory_space<hbm>>
        %dma_wait3A_1167 = tpu.memref_squeeze %dma_wait3A_1166 : memref<1x8x1024xf32, #tpu.memory_space<hbm>> -> memref<8x1024xf32, #tpu.memory_space<hbm>>
        %dma_wait3A_1168 = arith.constant 0 : i32
        %dma_wait3A_1169 = tpu.memref_slice %arg4[%dma_wait3A_1160, %add3A_1110, %dma_wait3A_1168] : memref<4x8192x1024xf32, #tpu.memory_space<hbm>> -> memref<1x8x1024xf32, #tpu.memory_space<hbm>>
        %dma_wait3A_1170 = tpu.memref_squeeze %dma_wait3A_1169 : memref<1x8x1024xf32, #tpu.memory_space<hbm>> -> memref<8x1024xf32, #tpu.memory_space<hbm>>
        %dma_wait3A_1171 = arith.constant 0 : i32
        %dma_wait3A_1172 = arith.constant 0 : i32
        %dma_wait3A_1173 = tpu.memref_slice %arg7[%dma_wait3A_1159, %dma_wait3A_1171, %dma_wait3A_1172] : memref<4x8x1024xf32, #tpu.memory_space<vmem>> -> memref<1x8x1024xf32, #tpu.memory_space<vmem>>
        %dma_wait3A_1174 = tpu.memref_squeeze %dma_wait3A_1173 : memref<1x8x1024xf32, #tpu.memory_space<vmem>> -> memref<8x1024xf32, #tpu.memory_space<vmem>>
        tpu.wait_dma2 semaphore(%arg16 : memref<!tpu.dma_semaphore, #tpu.memory_space<semaphore_mem>>) src(%dma_wait3A_1174 : memref<8x1024xf32, #tpu.memory_space<vmem>>) dst(%dma_wait3A_1170 : memref<8x1024xf32, #tpu.memory_space<hbm>>)
      } else {
      }
      %add3A_708 = arith.constant 2 : i32
      %add3A_709 = arith.addi %mul3A_634, %add3A_708 : i32
      %lt3A = arith.constant 32 : i32
      %lt3A_710 = arith.cmpi slt, %add3A_709, %lt3A : i32
      %convert_element_type3A_711 = arith.extui %lt3A_710 : i1 to i32
      %cond3A_712 = arith.constant 0 : i32
      %cond3A_713 = arith.cmpi ne, %convert_element_type3A_711, %cond3A_712 : i32
      scf.if %cond3A_713 {
        %add3A_1107 = arith.constant 2 : i32
        %add3A_1108 = arith.addi %mul3A_634, %add3A_1107 : i32
        %mul3A_1109 = arith.constant 8 : i32
        %mul3A_1110 = arith.muli %add3A_1108, %mul3A_1109 : i32
        %add3A_1111 = arith.addi %mul3A_2, %mul3A_1110 : i32
        %dma_start3A_1112 = arith.constant 0 : i32
        %dma_start3A_1113 = arith.constant 0 : i32
        %dma_start3A_1114 = arith.constant 0 : i32
        %dma_start3A_1115 = arith.constant 0 : i32
        %dma_start3A_1116 = tpu.memref_slice %arg7[%dma_start3A_1113, %dma_start3A_1114, %dma_start3A_1115] : memref<4x8x1024xf32, #tpu.memory_space<vmem>> -> memref<1x8x1024xf32, #tpu.memory_space<vmem>>
        %dma_start3A_1117 = tpu.memref_squeeze %dma_start3A_1116 : memref<1x8x1024xf32, #tpu.memory_space<vmem>> -> memref<8x1024xf32, #tpu.memory_space<vmem>>
        %dma_start3A_1118 = arith.constant 0 : i32
        %dma_start3A_1119 = tpu.memref_slice %arg2[%dma_start3A_1112, %add3A_1111, %dma_start3A_1118] : memref<4x8192x1024xf32, #tpu.memory_space<hbm>> -> memref<1x8x1024xf32, #tpu.memory_space<hbm>>
        %dma_start3A_1120 = tpu.memref_squeeze %dma_start3A_1119 : memref<1x8x1024xf32, #tpu.memory_space<hbm>> -> memref<8x1024xf32, #tpu.memory_space<hbm>>
        %dma_start3A_1121 = arith.constant 0 : i32
        %dma_start3A_1122 = arith.constant 0 : i32
        %dma_start3A_1123 = tpu.memref_slice %arg7[%dma_start3A_1113, %dma_start3A_1121, %dma_start3A_1122] : memref<4x8x1024xf32, #tpu.memory_space<vmem>> -> memref<1x8x1024xf32, #tpu.memory_space<vmem>>
        %dma_start3A_1124 = tpu.memref_squeeze %dma_start3A_1123 : memref<1x8x1024xf32, #tpu.memory_space<vmem>> -> memref<8x1024xf32, #tpu.memory_space<vmem>>
        %dma_start3A_1125 = arith.constant 0 : i32
        %dma_start3A_1126 = tpu.memref_slice %arg2[%dma_start3A_1112, %add3A_1111, %dma_start3A_1125] : memref<4x8192x1024xf32, #tpu.memory_space<hbm>> -> memref<1x8x1024xf32, #tpu.memory_space<hbm>>
        %dma_start3A_1127 = tpu.memref_squeeze %dma_start3A_1126 : memref<1x8x1024xf32, #tpu.memory_space<hbm>> -> memref<8x1024xf32, #tpu.memory_space<hbm>>
        tpu.enqueue_dma source(%dma_start3A_1127 : memref<8x1024xf32, #tpu.memory_space<hbm>>) target(%dma_start3A_1124 : memref<8x1024xf32, #tpu.memory_space<vmem>>) target_semaphore(%arg13 : memref<!tpu.dma_semaphore, #tpu.memory_space<semaphore_mem>>)
        %dma_start3A_1128 = arith.constant 1 : i32
        %dma_start3A_1129 = arith.constant 1 : i32
        %dma_start3A_1130 = arith.constant 0 : i32
        %dma_start3A_1131 = arith.constant 0 : i32
        %dma_start3A_1132 = tpu.memref_slice %arg7[%dma_start3A_1129, %dma_start3A_1130, %dma_start3A_1131] : memref<4x8x1024xf32, #tpu.memory_space<vmem>> -> memref<1x8x1024xf32, #tpu.memory_space<vmem>>
        %dma_start3A_1133 = tpu.memref_squeeze %dma_start3A_1132 : memref<1x8x1024xf32, #tpu.memory_space<vmem>> -> memref<8x1024xf32, #tpu.memory_space<vmem>>
        %dma_start3A_1134 = arith.constant 0 : i32
        %dma_start3A_1135 = tpu.memref_slice %arg2[%dma_start3A_1128, %add3A_1111, %dma_start3A_1134] : memref<4x8192x1024xf32, #tpu.memory_space<hbm>> -> memref<1x8x1024xf32, #tpu.memory_space<hbm>>
        %dma_start3A_1136 = tpu.memref_squeeze %dma_start3A_1135 : memref<1x8x1024xf32, #tpu.memory_space<hbm>> -> memref<8x1024xf32, #tpu.memory_space<hbm>>
        %dma_start3A_1137 = arith.constant 0 : i32
        %dma_start3A_1138 = arith.constant 0 : i32
        %dma_start3A_1139 = tpu.memref_slice %arg7[%dma_start3A_1129, %dma_start3A_1137, %dma_start3A_1138] : memref<4x8x1024xf32, #tpu.memory_space<vmem>> -> memref<1x8x1024xf32, #tpu.memory_space<vmem>>
        %dma_start3A_1140 = tpu.memref_squeeze %dma_start3A_1139 : memref<1x8x1024xf32, #tpu.memory_space<vmem>> -> memref<8x1024xf32, #tpu.memory_space<vmem>>
        %dma_start3A_1141 = arith.constant 0 : i32
        %dma_start3A_1142 = tpu.memref_slice %arg2[%dma_start3A_1128, %add3A_1111, %dma_start3A_1141] : memref<4x8192x1024xf32, #tpu.memory_space<hbm>> -> memref<1x8x1024xf32, #tpu.memory_space<hbm>>
        %dma_start3A_1143 = tpu.memref_squeeze %dma_start3A_1142 : memref<1x8x1024xf32, #tpu.memory_space<hbm>> -> memref<8x1024xf32, #tpu.memory_space<hbm>>
        tpu.enqueue_dma source(%dma_start3A_1143 : memref<8x1024xf32, #tpu.memory_space<hbm>>) target(%dma_start3A_1140 : memref<8x1024xf32, #tpu.memory_space<vmem>>) target_semaphore(%arg13 : memref<!tpu.dma_semaphore, #tpu.memory_space<semaphore_mem>>)
        %dma_start3A_1144 = arith.constant 2 : i32
        %dma_start3A_1145 = arith.constant 2 : i32
        %dma_start3A_1146 = arith.constant 0 : i32
        %dma_start3A_1147 = arith.constant 0 : i32
        %dma_start3A_1148 = tpu.memref_slice %arg7[%dma_start3A_1145, %dma_start3A_1146, %dma_start3A_1147] : memref<4x8x1024xf32, #tpu.memory_space<vmem>> -> memref<1x8x1024xf32, #tpu.memory_space<vmem>>
        %dma_start3A_1149 = tpu.memref_squeeze %dma_start3A_1148 : memref<1x8x1024xf32, #tpu.memory_space<vmem>> -> memref<8x1024xf32, #tpu.memory_space<vmem>>
        %dma_start3A_1150 = arith.constant 0 : i32
        %dma_start3A_1151 = tpu.memref_slice %arg2[%dma_start3A_1144, %add3A_1111, %dma_start3A_1150] : memref<4x8192x1024xf32, #tpu.memory_space<hbm>> -> memref<1x8x1024xf32, #tpu.memory_space<hbm>>
        %dma_start3A_1152 = tpu.memref_squeeze %dma_start3A_1151 : memref<1x8x1024xf32, #tpu.memory_space<hbm>> -> memref<8x1024xf32, #tpu.memory_space<hbm>>
        %dma_start3A_1153 = arith.constant 0 : i32
        %dma_start3A_1154 = arith.constant 0 : i32
        %dma_start3A_1155 = tpu.memref_slice %arg7[%dma_start3A_1145, %dma_start3A_1153, %dma_start3A_1154] : memref<4x8x1024xf32, #tpu.memory_space<vmem>> -> memref<1x8x1024xf32, #tpu.memory_space<vmem>>
        %dma_start3A_1156 = tpu.memref_squeeze %dma_start3A_1155 : memref<1x8x1024xf32, #tpu.memory_space<vmem>> -> memref<8x1024xf32, #tpu.memory_space<vmem>>
        %dma_start3A_1157 = arith.constant 0 : i32
        %dma_start3A_1158 = tpu.memref_slice %arg2[%dma_start3A_1144, %add3A_1111, %dma_start3A_1157] : memref<4x8192x1024xf32, #tpu.memory_space<hbm>> -> memref<1x8x1024xf32, #tpu.memory_space<hbm>>
        %dma_start3A_1159 = tpu.memref_squeeze %dma_start3A_1158 : memref<1x8x1024xf32, #tpu.memory_space<hbm>> -> memref<8x1024xf32, #tpu.memory_space<hbm>>
        tpu.enqueue_dma source(%dma_start3A_1159 : memref<8x1024xf32, #tpu.memory_space<hbm>>) target(%dma_start3A_1156 : memref<8x1024xf32, #tpu.memory_space<vmem>>) target_semaphore(%arg13 : memref<!tpu.dma_semaphore, #tpu.memory_space<semaphore_mem>>)
        %dma_start3A_1160 = arith.constant 3 : i32
        %dma_start3A_1161 = arith.constant 3 : i32
        %dma_start3A_1162 = arith.constant 0 : i32
        %dma_start3A_1163 = arith.constant 0 : i32
        %dma_start3A_1164 = tpu.memref_slice %arg7[%dma_start3A_1161, %dma_start3A_1162, %dma_start3A_1163] : memref<4x8x1024xf32, #tpu.memory_space<vmem>> -> memref<1x8x1024xf32, #tpu.memory_space<vmem>>
        %dma_start3A_1165 = tpu.memref_squeeze %dma_start3A_1164 : memref<1x8x1024xf32, #tpu.memory_space<vmem>> -> memref<8x1024xf32, #tpu.memory_space<vmem>>
        %dma_start3A_1166 = arith.constant 0 : i32
        %dma_start3A_1167 = tpu.memref_slice %arg2[%dma_start3A_1160, %add3A_1111, %dma_start3A_1166] : memref<4x8192x1024xf32, #tpu.memory_space<hbm>> -> memref<1x8x1024xf32, #tpu.memory_space<hbm>>
        %dma_start3A_1168 = tpu.memref_squeeze %dma_start3A_1167 : memref<1x8x1024xf32, #tpu.memory_space<hbm>> -> memref<8x1024xf32, #tpu.memory_space<hbm>>
        %dma_start3A_1169 = arith.constant 0 : i32
        %dma_start3A_1170 = arith.constant 0 : i32
        %dma_start3A_1171 = tpu.memref_slice %arg7[%dma_start3A_1161, %dma_start3A_1169, %dma_start3A_1170] : memref<4x8x1024xf32, #tpu.memory_space<vmem>> -> memref<1x8x1024xf32, #tpu.memory_space<vmem>>
        %dma_start3A_1172 = tpu.memref_squeeze %dma_start3A_1171 : memref<1x8x1024xf32, #tpu.memory_space<vmem>> -> memref<8x1024xf32, #tpu.memory_space<vmem>>
        %dma_start3A_1173 = arith.constant 0 : i32
        %dma_start3A_1174 = tpu.memref_slice %arg2[%dma_start3A_1160, %add3A_1111, %dma_start3A_1173] : memref<4x8192x1024xf32, #tpu.memory_space<hbm>> -> memref<1x8x1024xf32, #tpu.memory_space<hbm>>
        %dma_start3A_1175 = tpu.memref_squeeze %dma_start3A_1174 : memref<1x8x1024xf32, #tpu.memory_space<hbm>> -> memref<8x1024xf32, #tpu.memory_space<hbm>>
        tpu.enqueue_dma source(%dma_start3A_1175 : memref<8x1024xf32, #tpu.memory_space<hbm>>) target(%dma_start3A_1172 : memref<8x1024xf32, #tpu.memory_space<vmem>>) target_semaphore(%arg13 : memref<!tpu.dma_semaphore, #tpu.memory_space<semaphore_mem>>)
        %dma_start3A_1176 = arith.constant 0 : i32
        %dma_start3A_1177 = tpu.memref_slice %arg3[%add3A_1111, %dma_start3A_1176] : memref<8192x1024xf32, #tpu.memory_space<hbm>> -> memref<8x1024xf32, #tpu.memory_space<hbm>>
        %dma_start3A_1178 = arith.constant 0 : i32
        %dma_start3A_1179 = tpu.memref_slice %arg3[%add3A_1111, %dma_start3A_1178] : memref<8192x1024xf32, #tpu.memory_space<hbm>> -> memref<8x1024xf32, #tpu.memory_space<hbm>>
        tpu.enqueue_dma source(%dma_start3A_1179 : memref<8x1024xf32, #tpu.memory_space<hbm>>) target(%arg10 : memref<8x1024xf32, #tpu.memory_space<vmem>>) target_semaphore(%arg13 : memref<!tpu.dma_semaphore, #tpu.memory_space<semaphore_mem>>)
      } else {
      }
      %scan3A_714 = arith.constant 0 : i32
      %scan3A_715 = arith.constant 0 : i32
      %scan3A_716 = arith.constant 8 : i32
      %scan3A_717 = arith.addi %scan3A_715, %scan3A_716 : i32
      %scan3A_718 = arith.constant 1 : i32
      %scan3A_719 = scf.for %scan3A_1107 = %scan3A_715 to %scan3A_717 step %scan3A_718 iter_args(%scan3A_1108 = %scan3A_714) -> (i32)  : i32 {
        %parallel_loop3A = arith.constant 0 : i32
        %parallel_loop3A_1109 = arith.constant 64 : i32
        %parallel_loop3A_1110 = arith.constant 1 : i32
        scf.for %parallel_loop3A_1112 = %parallel_loop3A to %parallel_loop3A_1109 step %parallel_loop3A_1110  : i32 {
          %parallel_loop3A_1113 = arith.constant 16 : i32
          %parallel_loop3A_1114 = arith.muli %parallel_loop3A_1112, %parallel_loop3A_1113 : i32
          %parallel_loop3A_1115 = arith.index_cast %scan3A_1107 : i32 to index
          %parallel_loop3A_1116 = arith.index_cast %parallel_loop3A_1114 : i32 to index
          %parallel_loop3A_1117 = tpu.vector_load %arg8[%parallel_loop3A_1115, %parallel_loop3A_1116] {strides = array<i32>} : memref<8x1024xf32, #tpu.memory_space<vmem>>, vector<1x16xf32>,
          %parallel_loop3A_1118 = vector.shape_cast %parallel_loop3A_1117 : vector<1x16xf32> to vector<16xf32>
          %parallel_loop3A_1119 = arith.constant 0 : i32
          %parallel_loop3A_1120 = arith.index_cast %parallel_loop3A_1119 : i32 to index
          %parallel_loop3A_1121 = arith.index_cast %scan3A_1107 : i32 to index
          %parallel_loop3A_1122 = arith.index_cast %parallel_loop3A_1114 : i32 to index
          %parallel_loop3A_1123 = tpu.vector_load %arg5[%parallel_loop3A_1120, %parallel_loop3A_1121, %parallel_loop3A_1122] {strides = array<i32>} : memref<4x8x1024xf32, #tpu.memory_space<vmem>>, vector<1x1x16xf32>,
          %parallel_loop3A_1124 = vector.shape_cast %parallel_loop3A_1123 : vector<1x1x16xf32> to vector<16xf32>
          %parallel_loop3A_1125 = vector.shape_cast %parallel_loop3A_1118 : vector<16xf32> to vector<1x1x16xf32>
          tpu.vector_store %arg5[%parallel_loop3A_1120, %parallel_loop3A_1121, %parallel_loop3A_1122], %parallel_loop3A_1125 {add = true, strides = array<i32>} : memref<4x8x1024xf32, #tpu.memory_space<vmem>>, vector<1x1x16xf32>,
          %parallel_loop3A_1126 = arith.constant 1 : i32
          %parallel_loop3A_1127 = arith.index_cast %parallel_loop3A_1126 : i32 to index
          %parallel_loop3A_1128 = arith.index_cast %scan3A_1107 : i32 to index
          %parallel_loop3A_1129 = arith.index_cast %parallel_loop3A_1114 : i32 to index
          %parallel_loop3A_1130 = tpu.vector_load %arg5[%parallel_loop3A_1127, %parallel_loop3A_1128, %parallel_loop3A_1129] {strides = array<i32>} : memref<4x8x1024xf32, #tpu.memory_space<vmem>>, vector<1x1x16xf32>,
          %parallel_loop3A_1131 = vector.shape_cast %parallel_loop3A_1130 : vector<1x1x16xf32> to vector<16xf32>
          %parallel_loop3A_1132 = vector.shape_cast %parallel_loop3A_1118 : vector<16xf32> to vector<1x1x16xf32>
          tpu.vector_store %arg5[%parallel_loop3A_1127, %parallel_loop3A_1128, %parallel_loop3A_1129], %parallel_loop3A_1132 {add = true, strides = array<i32>} : memref<4x8x1024xf32, #tpu.memory_space<vmem>>, vector<1x1x16xf32>,
          %parallel_loop3A_1133 = arith.constant 2 : i32
          %parallel_loop3A_1134 = arith.index_cast %parallel_loop3A_1133 : i32 to index
          %parallel_loop3A_1135 = arith.index_cast %scan3A_1107 : i32 to index
          %parallel_loop3A_1136 = arith.index_cast %parallel_loop3A_1114 : i32 to index
          %parallel_loop3A_1137 = tpu.vector_load %arg5[%parallel_loop3A_1134, %parallel_loop3A_1135, %parallel_loop3A_1136] {strides = array<i32>} : memref<4x8x1024xf32, #tpu.memory_space<vmem>>, vector<1x1x16xf32>,
          %parallel_loop3A_1138 = vector.shape_cast %parallel_loop3A_1137 : vector<1x1x16xf32> to vector<16xf32>
          %parallel_loop3A_1139 = vector.shape_cast %parallel_loop3A_1118 : vector<16xf32> to vector<1x1x16xf32>
          tpu.vector_store %arg5[%parallel_loop3A_1134, %parallel_loop3A_1135, %parallel_loop3A_1136], %parallel_loop3A_1139 {add = true, strides = array<i32>} : memref<4x8x1024xf32, #tpu.memory_space<vmem>>, vector<1x1x16xf32>,
          %parallel_loop3A_1140 = arith.constant 3 : i32
          %parallel_loop3A_1141 = arith.index_cast %parallel_loop3A_1140 : i32 to index
          %parallel_loop3A_1142 = arith.index_cast %scan3A_1107 : i32 to index
          %parallel_loop3A_1143 = arith.index_cast %parallel_loop3A_1114 : i32 to index
          %parallel_loop3A_1144 = tpu.vector_load %arg5[%parallel_loop3A_1141, %parallel_loop3A_1142, %parallel_loop3A_1143] {strides = array<i32>} : memref<4x8x1024xf32, #tpu.memory_space<vmem>>, vector<1x1x16xf32>,
          %parallel_loop3A_1145 = vector.shape_cast %parallel_loop3A_1144 : vector<1x1x16xf32> to vector<16xf32>
          %parallel_loop3A_1146 = vector.shape_cast %parallel_loop3A_1118 : vector<16xf32> to vector<1x1x16xf32>
          tpu.vector_store %arg5[%parallel_loop3A_1141, %parallel_loop3A_1142, %parallel_loop3A_1143], %parallel_loop3A_1146 {add = true, strides = array<i32>} : memref<4x8x1024xf32, #tpu.memory_space<vmem>>, vector<1x1x16xf32>,
        } {sc.loop_unroll_factor = 8 : i64, sc.parallel_access}
        %scan3A_1111 = arith.constant 0 : i32
        scf.yield %scan3A_1111 : i32
      }
      %scan3A_720 = arith.constant 8 : i32
      %mul3A_721 = arith.constant 8 : i32
      %mul3A_722 = arith.muli %mul3A_634, %mul3A_721 : i32
      %add3A_723 = arith.addi %mul3A_2, %mul3A_722 : i32
      %dma_start3A_724 = arith.constant 0 : i32
      %dma_start3A_725 = arith.constant 0 : i32
      %dma_start3A_726 = arith.constant 0 : i32
      %dma_start3A_727 = arith.constant 0 : i32
      %dma_start3A_728 = tpu.memref_slice %arg5[%dma_start3A_724, %dma_start3A_726, %dma_start3A_727] : memref<4x8x1024xf32, #tpu.memory_space<vmem>> -> memref<1x8x1024xf32, #tpu.memory_space<vmem>>
      %dma_start3A_729 = tpu.memref_squeeze %dma_start3A_728 : memref<1x8x1024xf32, #tpu.memory_space<vmem>> -> memref<8x1024xf32, #tpu.memory_space<vmem>>
      %dma_start3A_730 = arith.constant 0 : i32
      %dma_start3A_731 = tpu.memref_slice %arg4[%dma_start3A_725, %add3A_723, %dma_start3A_730] : memref<4x8192x1024xf32, #tpu.memory_space<hbm>> -> memref<1x8x1024xf32, #tpu.memory_space<hbm>>
      %dma_start3A_732 = tpu.memref_squeeze %dma_start3A_731 : memref<1x8x1024xf32, #tpu.memory_space<hbm>> -> memref<8x1024xf32, #tpu.memory_space<hbm>>
      %dma_start3A_733 = arith.constant 0 : i32
      %dma_start3A_734 = tpu.memref_slice %arg4[%dma_start3A_725, %add3A_723, %dma_start3A_733] : memref<4x8192x1024xf32, #tpu.memory_space<hbm>> -> memref<1x8x1024xf32, #tpu.memory_space<hbm>>
      %dma_start3A_735 = tpu.memref_squeeze %dma_start3A_734 : memref<1x8x1024xf32, #tpu.memory_space<hbm>> -> memref<8x1024xf32, #tpu.memory_space<hbm>>
      %dma_start3A_736 = arith.constant 0 : i32
      %dma_start3A_737 = arith.constant 0 : i32
      %dma_start3A_738 = tpu.memref_slice %arg5[%dma_start3A_724, %dma_start3A_736, %dma_start3A_737] : memref<4x8x1024xf32, #tpu.memory_space<vmem>> -> memref<1x8x1024xf32, #tpu.memory_space<vmem>>
      %dma_start3A_739 = tpu.memref_squeeze %dma_start3A_738 : memref<1x8x1024xf32, #tpu.memory_space<vmem>> -> memref<8x1024xf32, #tpu.memory_space<vmem>>
      tpu.enqueue_dma source(%dma_start3A_739 : memref<8x1024xf32, #tpu.memory_space<vmem>>) target(%dma_start3A_735 : memref<8x1024xf32, #tpu.memory_space<hbm>>) target_semaphore(%arg14 : memref<!tpu.dma_semaphore, #tpu.memory_space<semaphore_mem>>)
      %dma_start3A_740 = arith.constant 1 : i32
      %dma_start3A_741 = arith.constant 1 : i32
      %dma_start3A_742 = arith.constant 0 : i32
      %dma_start3A_743 = arith.constant 0 : i32
      %dma_start3A_744 = tpu.memref_slice %arg5[%dma_start3A_740, %dma_start3A_742, %dma_start3A_743] : memref<4x8x1024xf32, #tpu.memory_space<vmem>> -> memref<1x8x1024xf32, #tpu.memory_space<vmem>>
      %dma_start3A_745 = tpu.memref_squeeze %dma_start3A_744 : memref<1x8x1024xf32, #tpu.memory_space<vmem>> -> memref<8x1024xf32, #tpu.memory_space<vmem>>
      %dma_start3A_746 = arith.constant 0 : i32
      %dma_start3A_747 = tpu.memref_slice %arg4[%dma_start3A_741, %add3A_723, %dma_start3A_746] : memref<4x8192x1024xf32, #tpu.memory_space<hbm>> -> memref<1x8x1024xf32, #tpu.memory_space<hbm>>
      %dma_start3A_748 = tpu.memref_squeeze %dma_start3A_747 : memref<1x8x1024xf32, #tpu.memory_space<hbm>> -> memref<8x1024xf32, #tpu.memory_space<hbm>>
      %dma_start3A_749 = arith.constant 0 : i32
      %dma_start3A_750 = tpu.memref_slice %arg4[%dma_start3A_741, %add3A_723, %dma_start3A_749] : memref<4x8192x1024xf32, #tpu.memory_space<hbm>> -> memref<1x8x1024xf32, #tpu.memory_space<hbm>>
      %dma_start3A_751 = tpu.memref_squeeze %dma_start3A_750 : memref<1x8x1024xf32, #tpu.memory_space<hbm>> -> memref<8x1024xf32, #tpu.memory_space<hbm>>
      %dma_start3A_752 = arith.constant 0 : i32
      %dma_start3A_753 = arith.constant 0 : i32
      %dma_start3A_754 = tpu.memref_slice %arg5[%dma_start3A_740, %dma_start3A_752, %dma_start3A_753] : memref<4x8x1024xf32, #tpu.memory_space<vmem>> -> memref<1x8x1024xf32, #tpu.memory_space<vmem>>
      %dma_start3A_755 = tpu.memref_squeeze %dma_start3A_754 : memref<1x8x1024xf32, #tpu.memory_space<vmem>> -> memref<8x1024xf32, #tpu.memory_space<vmem>>
      tpu.enqueue_dma source(%dma_start3A_755 : memref<8x1024xf32, #tpu.memory_space<vmem>>) target(%dma_start3A_751 : memref<8x1024xf32, #tpu.memory_space<hbm>>) target_semaphore(%arg14 : memref<!tpu.dma_semaphore, #tpu.memory_space<semaphore_mem>>)
      %dma_start3A_756 = arith.constant 2 : i32
      %dma_start3A_757 = arith.constant 2 : i32
      %dma_start3A_758 = arith.constant 0 : i32
      %dma_start3A_759 = arith.constant 0 : i32
      %dma_start3A_760 = tpu.memref_slice %arg5[%dma_start3A_756, %dma_start3A_758, %dma_start3A_759] : memref<4x8x1024xf32, #tpu.memory_space<vmem>> -> memref<1x8x1024xf32, #tpu.memory_space<vmem>>
      %dma_start3A_761 = tpu.memref_squeeze %dma_start3A_760 : memref<1x8x1024xf32, #tpu.memory_space<vmem>> -> memref<8x1024xf32, #tpu.memory_space<vmem>>
      %dma_start3A_762 = arith.constant 0 : i32
      %dma_start3A_763 = tpu.memref_slice %arg4[%dma_start3A_757, %add3A_723, %dma_start3A_762] : memref<4x8192x1024xf32, #tpu.memory_space<hbm>> -> memref<1x8x1024xf32, #tpu.memory_space<hbm>>
      %dma_start3A_764 = tpu.memref_squeeze %dma_start3A_763 : memref<1x8x1024xf32, #tpu.memory_space<hbm>> -> memref<8x1024xf32, #tpu.memory_space<hbm>>
      %dma_start3A_765 = arith.constant 0 : i32
      %dma_start3A_766 = tpu.memref_slice %arg4[%dma_start3A_757, %add3A_723, %dma_start3A_765] : memref<4x8192x1024xf32, #tpu.memory_space<hbm>> -> memref<1x8x1024xf32, #tpu.memory_space<hbm>>
      %dma_start3A_767 = tpu.memref_squeeze %dma_start3A_766 : memref<1x8x1024xf32, #tpu.memory_space<hbm>> -> memref<8x1024xf32, #tpu.memory_space<hbm>>
      %dma_start3A_768 = arith.constant 0 : i32
      %dma_start3A_769 = arith.constant 0 : i32
      %dma_start3A_770 = tpu.memref_slice %arg5[%dma_start3A_756, %dma_start3A_768, %dma_start3A_769] : memref<4x8x1024xf32, #tpu.memory_space<vmem>> -> memref<1x8x1024xf32, #tpu.memory_space<vmem>>
      %dma_start3A_771 = tpu.memref_squeeze %dma_start3A_770 : memref<1x8x1024xf32, #tpu.memory_space<vmem>> -> memref<8x1024xf32, #tpu.memory_space<vmem>>
      tpu.enqueue_dma source(%dma_start3A_771 : memref<8x1024xf32, #tpu.memory_space<vmem>>) target(%dma_start3A_767 : memref<8x1024xf32, #tpu.memory_space<hbm>>) target_semaphore(%arg14 : memref<!tpu.dma_semaphore, #tpu.memory_space<semaphore_mem>>)
      %dma_start3A_772 = arith.constant 3 : i32
      %dma_start3A_773 = arith.constant 3 : i32
      %dma_start3A_774 = arith.constant 0 : i32
      %dma_start3A_775 = arith.constant 0 : i32
      %dma_start3A_776 = tpu.memref_slice %arg5[%dma_start3A_772, %dma_start3A_774, %dma_start3A_775] : memref<4x8x1024xf32, #tpu.memory_space<vmem>> -> memref<1x8x1024xf32, #tpu.memory_space<vmem>>
      %dma_start3A_777 = tpu.memref_squeeze %dma_start3A_776 : memref<1x8x1024xf32, #tpu.memory_space<vmem>> -> memref<8x1024xf32, #tpu.memory_space<vmem>>
      %dma_start3A_778 = arith.constant 0 : i32
      %dma_start3A_779 = tpu.memref_slice %arg4[%dma_start3A_773, %add3A_723, %dma_start3A_778] : memref<4x8192x1024xf32, #tpu.memory_space<hbm>> -> memref<1x8x1024xf32, #tpu.memory_space<hbm>>
      %dma_start3A_780 = tpu.memref_squeeze %dma_start3A_779 : memref<1x8x1024xf32, #tpu.memory_space<hbm>> -> memref<8x1024xf32, #tpu.memory_space<hbm>>
      %dma_start3A_781 = arith.constant 0 : i32
      %dma_start3A_782 = tpu.memref_slice %arg4[%dma_start3A_773, %add3A_723, %dma_start3A_781] : memref<4x8192x1024xf32, #tpu.memory_space<hbm>> -> memref<1x8x1024xf32, #tpu.memory_space<hbm>>
      %dma_start3A_783 = tpu.memref_squeeze %dma_start3A_782 : memref<1x8x1024xf32, #tpu.memory_space<hbm>> -> memref<8x1024xf32, #tpu.memory_space<hbm>>
      %dma_start3A_784 = arith.constant 0 : i32
      %dma_start3A_785 = arith.constant 0 : i32
      %dma_start3A_786 = tpu.memref_slice %arg5[%dma_start3A_772, %dma_start3A_784, %dma_start3A_785] : memref<4x8x1024xf32, #tpu.memory_space<vmem>> -> memref<1x8x1024xf32, #tpu.memory_space<vmem>>
      %dma_start3A_787 = tpu.memref_squeeze %dma_start3A_786 : memref<1x8x1024xf32, #tpu.memory_space<vmem>> -> memref<8x1024xf32, #tpu.memory_space<vmem>>
      tpu.enqueue_dma source(%dma_start3A_787 : memref<8x1024xf32, #tpu.memory_space<vmem>>) target(%dma_start3A_783 : memref<8x1024xf32, #tpu.memory_space<hbm>>) target_semaphore(%arg14 : memref<!tpu.dma_semaphore, #tpu.memory_space<semaphore_mem>>)
      %add3A_788 = arith.constant 1 : i32
      %add3A_789 = arith.addi %mul3A_634, %add3A_788 : i32
      %mul3A_790 = arith.constant 8 : i32
      %mul3A_791 = arith.muli %add3A_789, %mul3A_790 : i32
      %add3A_792 = arith.addi %mul3A_2, %mul3A_791 : i32
      %dma_wait3A_793 = arith.constant 0 : i32
      %dma_wait3A_794 = arith.constant 0 : i32
      %dma_wait3A_795 = arith.constant 0 : i32
      %dma_wait3A_796 = arith.constant 0 : i32
      %dma_wait3A_797 = tpu.memref_slice %arg6[%dma_wait3A_794, %dma_wait3A_795, %dma_wait3A_796] : memref<4x8x1024xf32, #tpu.memory_space<vmem>> -> memref<1x8x1024xf32, #tpu.memory_space<vmem>>
      %dma_wait3A_798 = tpu.memref_squeeze %dma_wait3A_797 : memref<1x8x1024xf32, #tpu.memory_space<vmem>> -> memref<8x1024xf32, #tpu.memory_space<vmem>>
      %dma_wait3A_799 = arith.constant 0 : i32
      %dma_wait3A_800 = tpu.memref_slice %arg2[%dma_wait3A_793, %add3A_792, %dma_wait3A_799] : memref<4x8192x1024xf32, #tpu.memory_space<hbm>> -> memref<1x8x1024xf32, #tpu.memory_space<hbm>>
      %dma_wait3A_801 = tpu.memref_squeeze %dma_wait3A_800 : memref<1x8x1024xf32, #tpu.memory_space<hbm>> -> memref<8x1024xf32, #tpu.memory_space<hbm>>
      %dma_wait3A_802 = arith.constant 0 : i32
      %dma_wait3A_803 = arith.constant 0 : i32
      %dma_wait3A_804 = tpu.memref_slice %arg6[%dma_wait3A_794, %dma_wait3A_802, %dma_wait3A_803] : memref<4x8x1024xf32, #tpu.memory_space<vmem>> -> memref<1x8x1024xf32, #tpu.memory_space<vmem>>
      %dma_wait3A_805 = tpu.memref_squeeze %dma_wait3A_804 : memref<1x8x1024xf32, #tpu.memory_space<vmem>> -> memref<8x1024xf32, #tpu.memory_space<vmem>>
      %dma_wait3A_806 = arith.constant 0 : i32
      %dma_wait3A_807 = tpu.memref_slice %arg2[%dma_wait3A_793, %add3A_792, %dma_wait3A_806] : memref<4x8192x1024xf32, #tpu.memory_space<hbm>> -> memref<1x8x1024xf32, #tpu.memory_space<hbm>>
      %dma_wait3A_808 = tpu.memref_squeeze %dma_wait3A_807 : memref<1x8x1024xf32, #tpu.memory_space<hbm>> -> memref<8x1024xf32, #tpu.memory_space<hbm>>
      tpu.wait_dma2 semaphore(%arg12 : memref<!tpu.dma_semaphore, #tpu.memory_space<semaphore_mem>>) src(%dma_wait3A_808 : memref<8x1024xf32, #tpu.memory_space<hbm>>) dst(%dma_wait3A_805 : memref<8x1024xf32, #tpu.memory_space<vmem>>)
      %dma_wait3A_809 = arith.constant 1 : i32
      %dma_wait3A_810 = arith.constant 1 : i32
      %dma_wait3A_811 = arith.constant 0 : i32
      %dma_wait3A_812 = arith.constant 0 : i32
      %dma_wait3A_813 = tpu.memref_slice %arg6[%dma_wait3A_810, %dma_wait3A_811, %dma_wait3A_812] : memref<4x8x1024xf32, #tpu.memory_space<vmem>> -> memref<1x8x1024xf32, #tpu.memory_space<vmem>>
      %dma_wait3A_814 = tpu.memref_squeeze %dma_wait3A_813 : memref<1x8x1024xf32, #tpu.memory_space<vmem>> -> memref<8x1024xf32, #tpu.memory_space<vmem>>
      %dma_wait3A_815 = arith.constant 0 : i32
      %dma_wait3A_816 = tpu.memref_slice %arg2[%dma_wait3A_809, %add3A_792, %dma_wait3A_815] : memref<4x8192x1024xf32, #tpu.memory_space<hbm>> -> memref<1x8x1024xf32, #tpu.memory_space<hbm>>
      %dma_wait3A_817 = tpu.memref_squeeze %dma_wait3A_816 : memref<1x8x1024xf32, #tpu.memory_space<hbm>> -> memref<8x1024xf32, #tpu.memory_space<hbm>>
      %dma_wait3A_818 = arith.constant 0 : i32
      %dma_wait3A_819 = arith.constant 0 : i32
      %dma_wait3A_820 = tpu.memref_slice %arg6[%dma_wait3A_810, %dma_wait3A_818, %dma_wait3A_819] : memref<4x8x1024xf32, #tpu.memory_space<vmem>> -> memref<1x8x1024xf32, #tpu.memory_space<vmem>>
      %dma_wait3A_821 = tpu.memref_squeeze %dma_wait3A_820 : memref<1x8x1024xf32, #tpu.memory_space<vmem>> -> memref<8x1024xf32, #tpu.memory_space<vmem>>
      %dma_wait3A_822 = arith.constant 0 : i32
      %dma_wait3A_823 = tpu.memref_slice %arg2[%dma_wait3A_809, %add3A_792, %dma_wait3A_822] : memref<4x8192x1024xf32, #tpu.memory_space<hbm>> -> memref<1x8x1024xf32, #tpu.memory_space<hbm>>
      %dma_wait3A_824 = tpu.memref_squeeze %dma_wait3A_823 : memref<1x8x1024xf32, #tpu.memory_space<hbm>> -> memref<8x1024xf32, #tpu.memory_space<hbm>>
      tpu.wait_dma2 semaphore(%arg12 : memref<!tpu.dma_semaphore, #tpu.memory_space<semaphore_mem>>) src(%dma_wait3A_824 : memref<8x1024xf32, #tpu.memory_space<hbm>>) dst(%dma_wait3A_821 : memref<8x1024xf32, #tpu.memory_space<vmem>>)
      %dma_wait3A_825 = arith.constant 2 : i32
      %dma_wait3A_826 = arith.constant 2 : i32
      %dma_wait3A_827 = arith.constant 0 : i32
      %dma_wait3A_828 = arith.constant 0 : i32
      %dma_wait3A_829 = tpu.memref_slice %arg6[%dma_wait3A_826, %dma_wait3A_827, %dma_wait3A_828] : memref<4x8x1024xf32, #tpu.memory_space<vmem>> -> memref<1x8x1024xf32, #tpu.memory_space<vmem>>
      %dma_wait3A_830 = tpu.memref_squeeze %dma_wait3A_829 : memref<1x8x1024xf32, #tpu.memory_space<vmem>> -> memref<8x1024xf32, #tpu.memory_space<vmem>>
      %dma_wait3A_831 = arith.constant 0 : i32
      %dma_wait3A_832 = tpu.memref_slice %arg2[%dma_wait3A_825, %add3A_792, %dma_wait3A_831] : memref<4x8192x1024xf32, #tpu.memory_space<hbm>> -> memref<1x8x1024xf32, #tpu.memory_space<hbm>>
      %dma_wait3A_833 = tpu.memref_squeeze %dma_wait3A_832 : memref<1x8x1024xf32, #tpu.memory_space<hbm>> -> memref<8x1024xf32, #tpu.memory_space<hbm>>
      %dma_wait3A_834 = arith.constant 0 : i32
      %dma_wait3A_835 = arith.constant 0 : i32
      %dma_wait3A_836 = tpu.memref_slice %arg6[%dma_wait3A_826, %dma_wait3A_834, %dma_wait3A_835] : memref<4x8x1024xf32, #tpu.memory_space<vmem>> -> memref<1x8x1024xf32, #tpu.memory_space<vmem>>
      %dma_wait3A_837 = tpu.memref_squeeze %dma_wait3A_836 : memref<1x8x1024xf32, #tpu.memory_space<vmem>> -> memref<8x1024xf32, #tpu.memory_space<vmem>>
      %dma_wait3A_838 = arith.constant 0 : i32
      %dma_wait3A_839 = tpu.memref_slice %arg2[%dma_wait3A_825, %add3A_792, %dma_wait3A_838] : memref<4x8192x1024xf32, #tpu.memory_space<hbm>> -> memref<1x8x1024xf32, #tpu.memory_space<hbm>>
      %dma_wait3A_840 = tpu.memref_squeeze %dma_wait3A_839 : memref<1x8x1024xf32, #tpu.memory_space<hbm>> -> memref<8x1024xf32, #tpu.memory_space<hbm>>
      tpu.wait_dma2 semaphore(%arg12 : memref<!tpu.dma_semaphore, #tpu.memory_space<semaphore_mem>>) src(%dma_wait3A_840 : memref<8x1024xf32, #tpu.memory_space<hbm>>) dst(%dma_wait3A_837 : memref<8x1024xf32, #tpu.memory_space<vmem>>)
      %dma_wait3A_841 = arith.constant 3 : i32
      %dma_wait3A_842 = arith.constant 3 : i32
      %dma_wait3A_843 = arith.constant 0 : i32
      %dma_wait3A_844 = arith.constant 0 : i32
      %dma_wait3A_845 = tpu.memref_slice %arg6[%dma_wait3A_842, %dma_wait3A_843, %dma_wait3A_844] : memref<4x8x1024xf32, #tpu.memory_space<vmem>> -> memref<1x8x1024xf32, #tpu.memory_space<vmem>>
      %dma_wait3A_846 = tpu.memref_squeeze %dma_wait3A_845 : memref<1x8x1024xf32, #tpu.memory_space<vmem>> -> memref<8x1024xf32, #tpu.memory_space<vmem>>
      %dma_wait3A_847 = arith.constant 0 : i32
      %dma_wait3A_848 = tpu.memref_slice %arg2[%dma_wait3A_841, %add3A_792, %dma_wait3A_847] : memref<4x8192x1024xf32, #tpu.memory_space<hbm>> -> memref<1x8x1024xf32, #tpu.memory_space<hbm>>
      %dma_wait3A_849 = tpu.memref_squeeze %dma_wait3A_848 : memref<1x8x1024xf32, #tpu.memory_space<hbm>> -> memref<8x1024xf32, #tpu.memory_space<hbm>>
      %dma_wait3A_850 = arith.constant 0 : i32
      %dma_wait3A_851 = arith.constant 0 : i32
      %dma_wait3A_852 = tpu.memref_slice %arg6[%dma_wait3A_842, %dma_wait3A_850, %dma_wait3A_851] : memref<4x8x1024xf32, #tpu.memory_space<vmem>> -> memref<1x8x1024xf32, #tpu.memory_space<vmem>>
      %dma_wait3A_853 = tpu.memref_squeeze %dma_wait3A_852 : memref<1x8x1024xf32, #tpu.memory_space<vmem>> -> memref<8x1024xf32, #tpu.memory_space<vmem>>
      %dma_wait3A_854 = arith.constant 0 : i32
      %dma_wait3A_855 = tpu.memref_slice %arg2[%dma_wait3A_841, %add3A_792, %dma_wait3A_854] : memref<4x8192x1024xf32, #tpu.memory_space<hbm>> -> memref<1x8x1024xf32, #tpu.memory_space<hbm>>
      %dma_wait3A_856 = tpu.memref_squeeze %dma_wait3A_855 : memref<1x8x1024xf32, #tpu.memory_space<hbm>> -> memref<8x1024xf32, #tpu.memory_space<hbm>>
      tpu.wait_dma2 semaphore(%arg12 : memref<!tpu.dma_semaphore, #tpu.memory_space<semaphore_mem>>) src(%dma_wait3A_856 : memref<8x1024xf32, #tpu.memory_space<hbm>>) dst(%dma_wait3A_853 : memref<8x1024xf32, #tpu.memory_space<vmem>>)
      %dma_wait3A_857 = arith.constant 0 : i32
      %dma_wait3A_858 = tpu.memref_slice %arg3[%add3A_792, %dma_wait3A_857] : memref<8192x1024xf32, #tpu.memory_space<hbm>> -> memref<8x1024xf32, #tpu.memory_space<hbm>>
      %dma_wait3A_859 = arith.constant 0 : i32
      %dma_wait3A_860 = tpu.memref_slice %arg3[%add3A_792, %dma_wait3A_859] : memref<8192x1024xf32, #tpu.memory_space<hbm>> -> memref<8x1024xf32, #tpu.memory_space<hbm>>
      tpu.wait_dma2 semaphore(%arg12 : memref<!tpu.dma_semaphore, #tpu.memory_space<semaphore_mem>>) src(%dma_wait3A_860 : memref<8x1024xf32, #tpu.memory_space<hbm>>) dst(%arg9 : memref<8x1024xf32, #tpu.memory_space<vmem>>)
      %gt3A_861 = arith.constant 0 : i32
      %gt3A_862 = arith.cmpi sgt, %add3A_789, %gt3A_861 : i32
      %convert_element_type3A_863 = arith.extui %gt3A_862 : i1 to i32
      %cond3A_864 = arith.constant 0 : i32
      %cond3A_865 = arith.cmpi ne, %convert_element_type3A_863, %cond3A_864 : i32
      scf.if %cond3A_865 {
        %sub3A = arith.constant 1 : i32
        %sub3A_1107 = arith.subi %add3A_789, %sub3A : i32
        %mul3A_1108 = arith.constant 8 : i32
        %mul3A_1109 = arith.muli %sub3A_1107, %mul3A_1108 : i32
        %add3A_1110 = arith.addi %mul3A_2, %mul3A_1109 : i32
        %dma_wait3A_1111 = arith.constant 0 : i32
        %dma_wait3A_1112 = arith.constant 0 : i32
        %dma_wait3A_1113 = arith.constant 0 : i32
        %dma_wait3A_1114 = arith.constant 0 : i32
        %dma_wait3A_1115 = tpu.memref_slice %arg5[%dma_wait3A_1111, %dma_wait3A_1113, %dma_wait3A_1114] : memref<4x8x1024xf32, #tpu.memory_space<vmem>> -> memref<1x8x1024xf32, #tpu.memory_space<vmem>>
        %dma_wait3A_1116 = tpu.memref_squeeze %dma_wait3A_1115 : memref<1x8x1024xf32, #tpu.memory_space<vmem>> -> memref<8x1024xf32, #tpu.memory_space<vmem>>
        %dma_wait3A_1117 = arith.constant 0 : i32
        %dma_wait3A_1118 = tpu.memref_slice %arg4[%dma_wait3A_1112, %add3A_1110, %dma_wait3A_1117] : memref<4x8192x1024xf32, #tpu.memory_space<hbm>> -> memref<1x8x1024xf32, #tpu.memory_space<hbm>>
        %dma_wait3A_1119 = tpu.memref_squeeze %dma_wait3A_1118 : memref<1x8x1024xf32, #tpu.memory_space<hbm>> -> memref<8x1024xf32, #tpu.memory_space<hbm>>
        %dma_wait3A_1120 = arith.constant 0 : i32
        %dma_wait3A_1121 = tpu.memref_slice %arg4[%dma_wait3A_1112, %add3A_1110, %dma_wait3A_1120] : memref<4x8192x1024xf32, #tpu.memory_space<hbm>> -> memref<1x8x1024xf32, #tpu.memory_space<hbm>>
        %dma_wait3A_1122 = tpu.memref_squeeze %dma_wait3A_1121 : memref<1x8x1024xf32, #tpu.memory_space<hbm>> -> memref<8x1024xf32, #tpu.memory_space<hbm>>
        %dma_wait3A_1123 = arith.constant 0 : i32
        %dma_wait3A_1124 = arith.constant 0 : i32
        %dma_wait3A_1125 = tpu.memref_slice %arg5[%dma_wait3A_1111, %dma_wait3A_1123, %dma_wait3A_1124] : memref<4x8x1024xf32, #tpu.memory_space<vmem>> -> memref<1x8x1024xf32, #tpu.memory_space<vmem>>
        %dma_wait3A_1126 = tpu.memref_squeeze %dma_wait3A_1125 : memref<1x8x1024xf32, #tpu.memory_space<vmem>> -> memref<8x1024xf32, #tpu.memory_space<vmem>>
        tpu.wait_dma2 semaphore(%arg14 : memref<!tpu.dma_semaphore, #tpu.memory_space<semaphore_mem>>) src(%dma_wait3A_1126 : memref<8x1024xf32, #tpu.memory_space<vmem>>) dst(%dma_wait3A_1122 : memref<8x1024xf32, #tpu.memory_space<hbm>>)
        %dma_wait3A_1127 = arith.constant 1 : i32
        %dma_wait3A_1128 = arith.constant 1 : i32
        %dma_wait3A_1129 = arith.constant 0 : i32
        %dma_wait3A_1130 = arith.constant 0 : i32
        %dma_wait3A_1131 = tpu.memref_slice %arg5[%dma_wait3A_1127, %dma_wait3A_1129, %dma_wait3A_1130] : memref<4x8x1024xf32, #tpu.memory_space<vmem>> -> memref<1x8x1024xf32, #tpu.memory_space<vmem>>
        %dma_wait3A_1132 = tpu.memref_squeeze %dma_wait3A_1131 : memref<1x8x1024xf32, #tpu.memory_space<vmem>> -> memref<8x1024xf32, #tpu.memory_space<vmem>>
        %dma_wait3A_1133 = arith.constant 0 : i32
        %dma_wait3A_1134 = tpu.memref_slice %arg4[%dma_wait3A_1128, %add3A_1110, %dma_wait3A_1133] : memref<4x8192x1024xf32, #tpu.memory_space<hbm>> -> memref<1x8x1024xf32, #tpu.memory_space<hbm>>
        %dma_wait3A_1135 = tpu.memref_squeeze %dma_wait3A_1134 : memref<1x8x1024xf32, #tpu.memory_space<hbm>> -> memref<8x1024xf32, #tpu.memory_space<hbm>>
        %dma_wait3A_1136 = arith.constant 0 : i32
        %dma_wait3A_1137 = tpu.memref_slice %arg4[%dma_wait3A_1128, %add3A_1110, %dma_wait3A_1136] : memref<4x8192x1024xf32, #tpu.memory_space<hbm>> -> memref<1x8x1024xf32, #tpu.memory_space<hbm>>
        %dma_wait3A_1138 = tpu.memref_squeeze %dma_wait3A_1137 : memref<1x8x1024xf32, #tpu.memory_space<hbm>> -> memref<8x1024xf32, #tpu.memory_space<hbm>>
        %dma_wait3A_1139 = arith.constant 0 : i32
        %dma_wait3A_1140 = arith.constant 0 : i32
        %dma_wait3A_1141 = tpu.memref_slice %arg5[%dma_wait3A_1127, %dma_wait3A_1139, %dma_wait3A_1140] : memref<4x8x1024xf32, #tpu.memory_space<vmem>> -> memref<1x8x1024xf32, #tpu.memory_space<vmem>>
        %dma_wait3A_1142 = tpu.memref_squeeze %dma_wait3A_1141 : memref<1x8x1024xf32, #tpu.memory_space<vmem>> -> memref<8x1024xf32, #tpu.memory_space<vmem>>
        tpu.wait_dma2 semaphore(%arg14 : memref<!tpu.dma_semaphore, #tpu.memory_space<semaphore_mem>>) src(%dma_wait3A_1142 : memref<8x1024xf32, #tpu.memory_space<vmem>>) dst(%dma_wait3A_1138 : memref<8x1024xf32, #tpu.memory_space<hbm>>)
        %dma_wait3A_1143 = arith.constant 2 : i32
        %dma_wait3A_1144 = arith.constant 2 : i32
        %dma_wait3A_1145 = arith.constant 0 : i32
        %dma_wait3A_1146 = arith.constant 0 : i32
        %dma_wait3A_1147 = tpu.memref_slice %arg5[%dma_wait3A_1143, %dma_wait3A_1145, %dma_wait3A_1146] : memref<4x8x1024xf32, #tpu.memory_space<vmem>> -> memref<1x8x1024xf32, #tpu.memory_space<vmem>>
        %dma_wait3A_1148 = tpu.memref_squeeze %dma_wait3A_1147 : memref<1x8x1024xf32, #tpu.memory_space<vmem>> -> memref<8x1024xf32, #tpu.memory_space<vmem>>
        %dma_wait3A_1149 = arith.constant 0 : i32
        %dma_wait3A_1150 = tpu.memref_slice %arg4[%dma_wait3A_1144, %add3A_1110, %dma_wait3A_1149] : memref<4x8192x1024xf32, #tpu.memory_space<hbm>> -> memref<1x8x1024xf32, #tpu.memory_space<hbm>>
        %dma_wait3A_1151 = tpu.memref_squeeze %dma_wait3A_1150 : memref<1x8x1024xf32, #tpu.memory_space<hbm>> -> memref<8x1024xf32, #tpu.memory_space<hbm>>
        %dma_wait3A_1152 = arith.constant 0 : i32
        %dma_wait3A_1153 = tpu.memref_slice %arg4[%dma_wait3A_1144, %add3A_1110, %dma_wait3A_1152] : memref<4x8192x1024xf32, #tpu.memory_space<hbm>> -> memref<1x8x1024xf32, #tpu.memory_space<hbm>>
        %dma_wait3A_1154 = tpu.memref_squeeze %dma_wait3A_1153 : memref<1x8x1024xf32, #tpu.memory_space<hbm>> -> memref<8x1024xf32, #tpu.memory_space<hbm>>
        %dma_wait3A_1155 = arith.constant 0 : i32
        %dma_wait3A_1156 = arith.constant 0 : i32
        %dma_wait3A_1157 = tpu.memref_slice %arg5[%dma_wait3A_1143, %dma_wait3A_1155, %dma_wait3A_1156] : memref<4x8x1024xf32, #tpu.memory_space<vmem>> -> memref<1x8x1024xf32, #tpu.memory_space<vmem>>
        %dma_wait3A_1158 = tpu.memref_squeeze %dma_wait3A_1157 : memref<1x8x1024xf32, #tpu.memory_space<vmem>> -> memref<8x1024xf32, #tpu.memory_space<vmem>>
        tpu.wait_dma2 semaphore(%arg14 : memref<!tpu.dma_semaphore, #tpu.memory_space<semaphore_mem>>) src(%dma_wait3A_1158 : memref<8x1024xf32, #tpu.memory_space<vmem>>) dst(%dma_wait3A_1154 : memref<8x1024xf32, #tpu.memory_space<hbm>>)
        %dma_wait3A_1159 = arith.constant 3 : i32
        %dma_wait3A_1160 = arith.constant 3 : i32
        %dma_wait3A_1161 = arith.constant 0 : i32
        %dma_wait3A_1162 = arith.constant 0 : i32
        %dma_wait3A_1163 = tpu.memref_slice %arg5[%dma_wait3A_1159, %dma_wait3A_1161, %dma_wait3A_1162] : memref<4x8x1024xf32, #tpu.memory_space<vmem>> -> memref<1x8x1024xf32, #tpu.memory_space<vmem>>
        %dma_wait3A_1164 = tpu.memref_squeeze %dma_wait3A_1163 : memref<1x8x1024xf32, #tpu.memory_space<vmem>> -> memref<8x1024xf32, #tpu.memory_space<vmem>>
        %dma_wait3A_1165 = arith.constant 0 : i32
        %dma_wait3A_1166 = tpu.memref_slice %arg4[%dma_wait3A_1160, %add3A_1110, %dma_wait3A_1165] : memref<4x8192x1024xf32, #tpu.memory_space<hbm>> -> memref<1x8x1024xf32, #tpu.memory_space<hbm>>
        %dma_wait3A_1167 = tpu.memref_squeeze %dma_wait3A_1166 : memref<1x8x1024xf32, #tpu.memory_space<hbm>> -> memref<8x1024xf32, #tpu.memory_space<hbm>>
        %dma_wait3A_1168 = arith.constant 0 : i32
        %dma_wait3A_1169 = tpu.memref_slice %arg4[%dma_wait3A_1160, %add3A_1110, %dma_wait3A_1168] : memref<4x8192x1024xf32, #tpu.memory_space<hbm>> -> memref<1x8x1024xf32, #tpu.memory_space<hbm>>
        %dma_wait3A_1170 = tpu.memref_squeeze %dma_wait3A_1169 : memref<1x8x1024xf32, #tpu.memory_space<hbm>> -> memref<8x1024xf32, #tpu.memory_space<hbm>>
        %dma_wait3A_1171 = arith.constant 0 : i32
        %dma_wait3A_1172 = arith.constant 0 : i32
        %dma_wait3A_1173 = tpu.memref_slice %arg5[%dma_wait3A_1159, %dma_wait3A_1171, %dma_wait3A_1172] : memref<4x8x1024xf32, #tpu.memory_space<vmem>> -> memref<1x8x1024xf32, #tpu.memory_space<vmem>>
        %dma_wait3A_1174 = tpu.memref_squeeze %dma_wait3A_1173 : memref<1x8x1024xf32, #tpu.memory_space<vmem>> -> memref<8x1024xf32, #tpu.memory_space<vmem>>
        tpu.wait_dma2 semaphore(%arg14 : memref<!tpu.dma_semaphore, #tpu.memory_space<semaphore_mem>>) src(%dma_wait3A_1174 : memref<8x1024xf32, #tpu.memory_space<vmem>>) dst(%dma_wait3A_1170 : memref<8x1024xf32, #tpu.memory_space<hbm>>)
      } else {
      }
      %add3A_866 = arith.constant 2 : i32
      %add3A_867 = arith.addi %add3A_789, %add3A_866 : i32
      %lt3A_868 = arith.constant 32 : i32
      %lt3A_869 = arith.cmpi slt, %add3A_867, %lt3A_868 : i32
      %convert_element_type3A_870 = arith.extui %lt3A_869 : i1 to i32
      %cond3A_871 = arith.constant 0 : i32
      %cond3A_872 = arith.cmpi ne, %convert_element_type3A_870, %cond3A_871 : i32
      scf.if %cond3A_872 {
        %add3A_1107 = arith.constant 2 : i32
        %add3A_1108 = arith.addi %add3A_789, %add3A_1107 : i32
        %mul3A_1109 = arith.constant 8 : i32
        %mul3A_1110 = arith.muli %add3A_1108, %mul3A_1109 : i32
        %add3A_1111 = arith.addi %mul3A_2, %mul3A_1110 : i32
        %dma_start3A_1112 = arith.constant 0 : i32
        %dma_start3A_1113 = arith.constant 0 : i32
        %dma_start3A_1114 = arith.constant 0 : i32
        %dma_start3A_1115 = arith.constant 0 : i32
        %dma_start3A_1116 = tpu.memref_slice %arg5[%dma_start3A_1113, %dma_start3A_1114, %dma_start3A_1115] : memref<4x8x1024xf32, #tpu.memory_space<vmem>> -> memref<1x8x1024xf32, #tpu.memory_space<vmem>>
        %dma_start3A_1117 = tpu.memref_squeeze %dma_start3A_1116 : memref<1x8x1024xf32, #tpu.memory_space<vmem>> -> memref<8x1024xf32, #tpu.memory_space<vmem>>
        %dma_start3A_1118 = arith.constant 0 : i32
        %dma_start3A_1119 = tpu.memref_slice %arg2[%dma_start3A_1112, %add3A_1111, %dma_start3A_1118] : memref<4x8192x1024xf32, #tpu.memory_space<hbm>> -> memref<1x8x1024xf32, #tpu.memory_space<hbm>>
        %dma_start3A_1120 = tpu.memref_squeeze %dma_start3A_1119 : memref<1x8x1024xf32, #tpu.memory_space<hbm>> -> memref<8x1024xf32, #tpu.memory_space<hbm>>
        %dma_start3A_1121 = arith.constant 0 : i32
        %dma_start3A_1122 = arith.constant 0 : i32
        %dma_start3A_1123 = tpu.memref_slice %arg5[%dma_start3A_1113, %dma_start3A_1121, %dma_start3A_1122] : memref<4x8x1024xf32, #tpu.memory_space<vmem>> -> memref<1x8x1024xf32, #tpu.memory_space<vmem>>
        %dma_start3A_1124 = tpu.memref_squeeze %dma_start3A_1123 : memref<1x8x1024xf32, #tpu.memory_space<vmem>> -> memref<8x1024xf32, #tpu.memory_space<vmem>>
        %dma_start3A_1125 = arith.constant 0 : i32
        %dma_start3A_1126 = tpu.memref_slice %arg2[%dma_start3A_1112, %add3A_1111, %dma_start3A_1125] : memref<4x8192x1024xf32, #tpu.memory_space<hbm>> -> memref<1x8x1024xf32, #tpu.memory_space<hbm>>
        %dma_start3A_1127 = tpu.memref_squeeze %dma_start3A_1126 : memref<1x8x1024xf32, #tpu.memory_space<hbm>> -> memref<8x1024xf32, #tpu.memory_space<hbm>>
        tpu.enqueue_dma source(%dma_start3A_1127 : memref<8x1024xf32, #tpu.memory_space<hbm>>) target(%dma_start3A_1124 : memref<8x1024xf32, #tpu.memory_space<vmem>>) target_semaphore(%arg11 : memref<!tpu.dma_semaphore, #tpu.memory_space<semaphore_mem>>)
        %dma_start3A_1128 = arith.constant 1 : i32
        %dma_start3A_1129 = arith.constant 1 : i32
        %dma_start3A_1130 = arith.constant 0 : i32
        %dma_start3A_1131 = arith.constant 0 : i32
        %dma_start3A_1132 = tpu.memref_slice %arg5[%dma_start3A_1129, %dma_start3A_1130, %dma_start3A_1131] : memref<4x8x1024xf32, #tpu.memory_space<vmem>> -> memref<1x8x1024xf32, #tpu.memory_space<vmem>>
        %dma_start3A_1133 = tpu.memref_squeeze %dma_start3A_1132 : memref<1x8x1024xf32, #tpu.memory_space<vmem>> -> memref<8x1024xf32, #tpu.memory_space<vmem>>
        %dma_start3A_1134 = arith.constant 0 : i32
        %dma_start3A_1135 = tpu.memref_slice %arg2[%dma_start3A_1128, %add3A_1111, %dma_start3A_1134] : memref<4x8192x1024xf32, #tpu.memory_space<hbm>> -> memref<1x8x1024xf32, #tpu.memory_space<hbm>>
        %dma_start3A_1136 = tpu.memref_squeeze %dma_start3A_1135 : memref<1x8x1024xf32, #tpu.memory_space<hbm>> -> memref<8x1024xf32, #tpu.memory_space<hbm>>
        %dma_start3A_1137 = arith.constant 0 : i32
        %dma_start3A_1138 = arith.constant 0 : i32
        %dma_start3A_1139 = tpu.memref_slice %arg5[%dma_start3A_1129, %dma_start3A_1137, %dma_start3A_1138] : memref<4x8x1024xf32, #tpu.memory_space<vmem>> -> memref<1x8x1024xf32, #tpu.memory_space<vmem>>
        %dma_start3A_1140 = tpu.memref_squeeze %dma_start3A_1139 : memref<1x8x1024xf32, #tpu.memory_space<vmem>> -> memref<8x1024xf32, #tpu.memory_space<vmem>>
        %dma_start3A_1141 = arith.constant 0 : i32
        %dma_start3A_1142 = tpu.memref_slice %arg2[%dma_start3A_1128, %add3A_1111, %dma_start3A_1141] : memref<4x8192x1024xf32, #tpu.memory_space<hbm>> -> memref<1x8x1024xf32, #tpu.memory_space<hbm>>
        %dma_start3A_1143 = tpu.memref_squeeze %dma_start3A_1142 : memref<1x8x1024xf32, #tpu.memory_space<hbm>> -> memref<8x1024xf32, #tpu.memory_space<hbm>>
        tpu.enqueue_dma source(%dma_start3A_1143 : memref<8x1024xf32, #tpu.memory_space<hbm>>) target(%dma_start3A_1140 : memref<8x1024xf32, #tpu.memory_space<vmem>>) target_semaphore(%arg11 : memref<!tpu.dma_semaphore, #tpu.memory_space<semaphore_mem>>)
        %dma_start3A_1144 = arith.constant 2 : i32
        %dma_start3A_1145 = arith.constant 2 : i32
        %dma_start3A_1146 = arith.constant 0 : i32
        %dma_start3A_1147 = arith.constant 0 : i32
        %dma_start3A_1148 = tpu.memref_slice %arg5[%dma_start3A_1145, %dma_start3A_1146, %dma_start3A_1147] : memref<4x8x1024xf32, #tpu.memory_space<vmem>> -> memref<1x8x1024xf32, #tpu.memory_space<vmem>>
        %dma_start3A_1149 = tpu.memref_squeeze %dma_start3A_1148 : memref<1x8x1024xf32, #tpu.memory_space<vmem>> -> memref<8x1024xf32, #tpu.memory_space<vmem>>
        %dma_start3A_1150 = arith.constant 0 : i32
        %dma_start3A_1151 = tpu.memref_slice %arg2[%dma_start3A_1144, %add3A_1111, %dma_start3A_1150] : memref<4x8192x1024xf32, #tpu.memory_space<hbm>> -> memref<1x8x1024xf32, #tpu.memory_space<hbm>>
        %dma_start3A_1152 = tpu.memref_squeeze %dma_start3A_1151 : memref<1x8x1024xf32, #tpu.memory_space<hbm>> -> memref<8x1024xf32, #tpu.memory_space<hbm>>
        %dma_start3A_1153 = arith.constant 0 : i32
        %dma_start3A_1154 = arith.constant 0 : i32
        %dma_start3A_1155 = tpu.memref_slice %arg5[%dma_start3A_1145, %dma_start3A_1153, %dma_start3A_1154] : memref<4x8x1024xf32, #tpu.memory_space<vmem>> -> memref<1x8x1024xf32, #tpu.memory_space<vmem>>
        %dma_start3A_1156 = tpu.memref_squeeze %dma_start3A_1155 : memref<1x8x1024xf32, #tpu.memory_space<vmem>> -> memref<8x1024xf32, #tpu.memory_space<vmem>>
        %dma_start3A_1157 = arith.constant 0 : i32
        %dma_start3A_1158 = tpu.memref_slice %arg2[%dma_start3A_1144, %add3A_1111, %dma_start3A_1157] : memref<4x8192x1024xf32, #tpu.memory_space<hbm>> -> memref<1x8x1024xf32, #tpu.memory_space<hbm>>
        %dma_start3A_1159 = tpu.memref_squeeze %dma_start3A_1158 : memref<1x8x1024xf32, #tpu.memory_space<hbm>> -> memref<8x1024xf32, #tpu.memory_space<hbm>>
        tpu.enqueue_dma source(%dma_start3A_1159 : memref<8x1024xf32, #tpu.memory_space<hbm>>) target(%dma_start3A_1156 : memref<8x1024xf32, #tpu.memory_space<vmem>>) target_semaphore(%arg11 : memref<!tpu.dma_semaphore, #tpu.memory_space<semaphore_mem>>)
        %dma_start3A_1160 = arith.constant 3 : i32
        %dma_start3A_1161 = arith.constant 3 : i32
        %dma_start3A_1162 = arith.constant 0 : i32
        %dma_start3A_1163 = arith.constant 0 : i32
        %dma_start3A_1164 = tpu.memref_slice %arg5[%dma_start3A_1161, %dma_start3A_1162, %dma_start3A_1163] : memref<4x8x1024xf32, #tpu.memory_space<vmem>> -> memref<1x8x1024xf32, #tpu.memory_space<vmem>>
        %dma_start3A_1165 = tpu.memref_squeeze %dma_start3A_1164 : memref<1x8x1024xf32, #tpu.memory_space<vmem>> -> memref<8x1024xf32, #tpu.memory_space<vmem>>
        %dma_start3A_1166 = arith.constant 0 : i32
        %dma_start3A_1167 = tpu.memref_slice %arg2[%dma_start3A_1160, %add3A_1111, %dma_start3A_1166] : memref<4x8192x1024xf32, #tpu.memory_space<hbm>> -> memref<1x8x1024xf32, #tpu.memory_space<hbm>>
        %dma_start3A_1168 = tpu.memref_squeeze %dma_start3A_1167 : memref<1x8x1024xf32, #tpu.memory_space<hbm>> -> memref<8x1024xf32, #tpu.memory_space<hbm>>
        %dma_start3A_1169 = arith.constant 0 : i32
        %dma_start3A_1170 = arith.constant 0 : i32
        %dma_start3A_1171 = tpu.memref_slice %arg5[%dma_start3A_1161, %dma_start3A_1169, %dma_start3A_1170] : memref<4x8x1024xf32, #tpu.memory_space<vmem>> -> memref<1x8x1024xf32, #tpu.memory_space<vmem>>
        %dma_start3A_1172 = tpu.memref_squeeze %dma_start3A_1171 : memref<1x8x1024xf32, #tpu.memory_space<vmem>> -> memref<8x1024xf32, #tpu.memory_space<vmem>>
        %dma_start3A_1173 = arith.constant 0 : i32
        %dma_start3A_1174 = tpu.memref_slice %arg2[%dma_start3A_1160, %add3A_1111, %dma_start3A_1173] : memref<4x8192x1024xf32, #tpu.memory_space<hbm>> -> memref<1x8x1024xf32, #tpu.memory_space<hbm>>
        %dma_start3A_1175 = tpu.memref_squeeze %dma_start3A_1174 : memref<1x8x1024xf32, #tpu.memory_space<hbm>> -> memref<8x1024xf32, #tpu.memory_space<hbm>>
        tpu.enqueue_dma source(%dma_start3A_1175 : memref<8x1024xf32, #tpu.memory_space<hbm>>) target(%dma_start3A_1172 : memref<8x1024xf32, #tpu.memory_space<vmem>>) target_semaphore(%arg11 : memref<!tpu.dma_semaphore, #tpu.memory_space<semaphore_mem>>)
        %dma_start3A_1176 = arith.constant 0 : i32
        %dma_start3A_1177 = tpu.memref_slice %arg3[%add3A_1111, %dma_start3A_1176] : memref<8192x1024xf32, #tpu.memory_space<hbm>> -> memref<8x1024xf32, #tpu.memory_space<hbm>>
        %dma_start3A_1178 = arith.constant 0 : i32
        %dma_start3A_1179 = tpu.memref_slice %arg3[%add3A_1111, %dma_start3A_1178] : memref<8192x1024xf32, #tpu.memory_space<hbm>> -> memref<8x1024xf32, #tpu.memory_space<hbm>>
        tpu.enqueue_dma source(%dma_start3A_1179 : memref<8x1024xf32, #tpu.memory_space<hbm>>) target(%arg8 : memref<8x1024xf32, #tpu.memory_space<vmem>>) target_semaphore(%arg11 : memref<!tpu.dma_semaphore, #tpu.memory_space<semaphore_mem>>)
      } else {
      }
      %scan3A_873 = arith.constant 0 : i32
      %scan3A_874 = arith.constant 0 : i32
      %scan3A_875 = arith.constant 8 : i32
      %scan3A_876 = arith.addi %scan3A_874, %scan3A_875 : i32
      %scan3A_877 = arith.constant 1 : i32
      %scan3A_878 = scf.for %scan3A_1107 = %scan3A_874 to %scan3A_876 step %scan3A_877 iter_args(%scan3A_1108 = %scan3A_873) -> (i32)  : i32 {
        %parallel_loop3A = arith.constant 0 : i32
        %parallel_loop3A_1109 = arith.constant 64 : i32
        %parallel_loop3A_1110 = arith.constant 1 : i32
        scf.for %parallel_loop3A_1112 = %parallel_loop3A to %parallel_loop3A_1109 step %parallel_loop3A_1110  : i32 {
          %parallel_loop3A_1113 = arith.constant 16 : i32
          %parallel_loop3A_1114 = arith.muli %parallel_loop3A_1112, %parallel_loop3A_1113 : i32
          %parallel_loop3A_1115 = arith.index_cast %scan3A_1107 : i32 to index
          %parallel_loop3A_1116 = arith.index_cast %parallel_loop3A_1114 : i32 to index
          %parallel_loop3A_1117 = tpu.vector_load %arg9[%parallel_loop3A_1115, %parallel_loop3A_1116] {strides = array<i32>} : memref<8x1024xf32, #tpu.memory_space<vmem>>, vector<1x16xf32>,
          %parallel_loop3A_1118 = vector.shape_cast %parallel_loop3A_1117 : vector<1x16xf32> to vector<16xf32>
          %parallel_loop3A_1119 = arith.constant 0 : i32
          %parallel_loop3A_1120 = arith.index_cast %parallel_loop3A_1119 : i32 to index
          %parallel_loop3A_1121 = arith.index_cast %scan3A_1107 : i32 to index
          %parallel_loop3A_1122 = arith.index_cast %parallel_loop3A_1114 : i32 to index
          %parallel_loop3A_1123 = tpu.vector_load %arg6[%parallel_loop3A_1120, %parallel_loop3A_1121, %parallel_loop3A_1122] {strides = array<i32>} : memref<4x8x1024xf32, #tpu.memory_space<vmem>>, vector<1x1x16xf32>,
          %parallel_loop3A_1124 = vector.shape_cast %parallel_loop3A_1123 : vector<1x1x16xf32> to vector<16xf32>
          %parallel_loop3A_1125 = vector.shape_cast %parallel_loop3A_1118 : vector<16xf32> to vector<1x1x16xf32>
          tpu.vector_store %arg6[%parallel_loop3A_1120, %parallel_loop3A_1121, %parallel_loop3A_1122], %parallel_loop3A_1125 {add = true, strides = array<i32>} : memref<4x8x1024xf32, #tpu.memory_space<vmem>>, vector<1x1x16xf32>,
          %parallel_loop3A_1126 = arith.constant 1 : i32
          %parallel_loop3A_1127 = arith.index_cast %parallel_loop3A_1126 : i32 to index
          %parallel_loop3A_1128 = arith.index_cast %scan3A_1107 : i32 to index
          %parallel_loop3A_1129 = arith.index_cast %parallel_loop3A_1114 : i32 to index
          %parallel_loop3A_1130 = tpu.vector_load %arg6[%parallel_loop3A_1127, %parallel_loop3A_1128, %parallel_loop3A_1129] {strides = array<i32>} : memref<4x8x1024xf32, #tpu.memory_space<vmem>>, vector<1x1x16xf32>,
          %parallel_loop3A_1131 = vector.shape_cast %parallel_loop3A_1130 : vector<1x1x16xf32> to vector<16xf32>
          %parallel_loop3A_1132 = vector.shape_cast %parallel_loop3A_1118 : vector<16xf32> to vector<1x1x16xf32>
          tpu.vector_store %arg6[%parallel_loop3A_1127, %parallel_loop3A_1128, %parallel_loop3A_1129], %parallel_loop3A_1132 {add = true, strides = array<i32>} : memref<4x8x1024xf32, #tpu.memory_space<vmem>>, vector<1x1x16xf32>,
          %parallel_loop3A_1133 = arith.constant 2 : i32
          %parallel_loop3A_1134 = arith.index_cast %parallel_loop3A_1133 : i32 to index
          %parallel_loop3A_1135 = arith.index_cast %scan3A_1107 : i32 to index
          %parallel_loop3A_1136 = arith.index_cast %parallel_loop3A_1114 : i32 to index
          %parallel_loop3A_1137 = tpu.vector_load %arg6[%parallel_loop3A_1134, %parallel_loop3A_1135, %parallel_loop3A_1136] {strides = array<i32>} : memref<4x8x1024xf32, #tpu.memory_space<vmem>>, vector<1x1x16xf32>,
          %parallel_loop3A_1138 = vector.shape_cast %parallel_loop3A_1137 : vector<1x1x16xf32> to vector<16xf32>
          %parallel_loop3A_1139 = vector.shape_cast %parallel_loop3A_1118 : vector<16xf32> to vector<1x1x16xf32>
          tpu.vector_store %arg6[%parallel_loop3A_1134, %parallel_loop3A_1135, %parallel_loop3A_1136], %parallel_loop3A_1139 {add = true, strides = array<i32>} : memref<4x8x1024xf32, #tpu.memory_space<vmem>>, vector<1x1x16xf32>,
          %parallel_loop3A_1140 = arith.constant 3 : i32
          %parallel_loop3A_1141 = arith.index_cast %parallel_loop3A_1140 : i32 to index
          %parallel_loop3A_1142 = arith.index_cast %scan3A_1107 : i32 to index
          %parallel_loop3A_1143 = arith.index_cast %parallel_loop3A_1114 : i32 to index
          %parallel_loop3A_1144 = tpu.vector_load %arg6[%parallel_loop3A_1141, %parallel_loop3A_1142, %parallel_loop3A_1143] {strides = array<i32>} : memref<4x8x1024xf32, #tpu.memory_space<vmem>>, vector<1x1x16xf32>,
          %parallel_loop3A_1145 = vector.shape_cast %parallel_loop3A_1144 : vector<1x1x16xf32> to vector<16xf32>
          %parallel_loop3A_1146 = vector.shape_cast %parallel_loop3A_1118 : vector<16xf32> to vector<1x1x16xf32>
          tpu.vector_store %arg6[%parallel_loop3A_1141, %parallel_loop3A_1142, %parallel_loop3A_1143], %parallel_loop3A_1146 {add = true, strides = array<i32>} : memref<4x8x1024xf32, #tpu.memory_space<vmem>>, vector<1x1x16xf32>,
        } {sc.loop_unroll_factor = 8 : i64, sc.parallel_access}
        %scan3A_1111 = arith.constant 0 : i32
        scf.yield %scan3A_1111 : i32
      }
      %scan3A_879 = arith.constant 8 : i32
      %mul3A_880 = arith.constant 8 : i32
      %mul3A_881 = arith.muli %add3A_789, %mul3A_880 : i32
      %add3A_882 = arith.addi %mul3A_2, %mul3A_881 : i32
      %dma_start3A_883 = arith.constant 0 : i32
      %dma_start3A_884 = arith.constant 0 : i32
      %dma_start3A_885 = arith.constant 0 : i32
      %dma_start3A_886 = arith.constant 0 : i32
      %dma_start3A_887 = tpu.memref_slice %arg6[%dma_start3A_883, %dma_start3A_885, %dma_start3A_886] : memref<4x8x1024xf32, #tpu.memory_space<vmem>> -> memref<1x8x1024xf32, #tpu.memory_space<vmem>>
      %dma_start3A_888 = tpu.memref_squeeze %dma_start3A_887 : memref<1x8x1024xf32, #tpu.memory_space<vmem>> -> memref<8x1024xf32, #tpu.memory_space<vmem>>
      %dma_start3A_889 = arith.constant 0 : i32
      %dma_start3A_890 = tpu.memref_slice %arg4[%dma_start3A_884, %add3A_882, %dma_start3A_889] : memref<4x8192x1024xf32, #tpu.memory_space<hbm>> -> memref<1x8x1024xf32, #tpu.memory_space<hbm>>
      %dma_start3A_891 = tpu.memref_squeeze %dma_start3A_890 : memref<1x8x1024xf32, #tpu.memory_space<hbm>> -> memref<8x1024xf32, #tpu.memory_space<hbm>>
      %dma_start3A_892 = arith.constant 0 : i32
      %dma_start3A_893 = tpu.memref_slice %arg4[%dma_start3A_884, %add3A_882, %dma_start3A_892] : memref<4x8192x1024xf32, #tpu.memory_space<hbm>> -> memref<1x8x1024xf32, #tpu.memory_space<hbm>>
      %dma_start3A_894 = tpu.memref_squeeze %dma_start3A_893 : memref<1x8x1024xf32, #tpu.memory_space<hbm>> -> memref<8x1024xf32, #tpu.memory_space<hbm>>
      %dma_start3A_895 = arith.constant 0 : i32
      %dma_start3A_896 = arith.constant 0 : i32
      %dma_start3A_897 = tpu.memref_slice %arg6[%dma_start3A_883, %dma_start3A_895, %dma_start3A_896] : memref<4x8x1024xf32, #tpu.memory_space<vmem>> -> memref<1x8x1024xf32, #tpu.memory_space<vmem>>
      %dma_start3A_898 = tpu.memref_squeeze %dma_start3A_897 : memref<1x8x1024xf32, #tpu.memory_space<vmem>> -> memref<8x1024xf32, #tpu.memory_space<vmem>>
      tpu.enqueue_dma source(%dma_start3A_898 : memref<8x1024xf32, #tpu.memory_space<vmem>>) target(%dma_start3A_894 : memref<8x1024xf32, #tpu.memory_space<hbm>>) target_semaphore(%arg15 : memref<!tpu.dma_semaphore, #tpu.memory_space<semaphore_mem>>)
      %dma_start3A_899 = arith.constant 1 : i32
      %dma_start3A_900 = arith.constant 1 : i32
      %dma_start3A_901 = arith.constant 0 : i32
      %dma_start3A_902 = arith.constant 0 : i32
      %dma_start3A_903 = tpu.memref_slice %arg6[%dma_start3A_899, %dma_start3A_901, %dma_start3A_902] : memref<4x8x1024xf32, #tpu.memory_space<vmem>> -> memref<1x8x1024xf32, #tpu.memory_space<vmem>>
      %dma_start3A_904 = tpu.memref_squeeze %dma_start3A_903 : memref<1x8x1024xf32, #tpu.memory_space<vmem>> -> memref<8x1024xf32, #tpu.memory_space<vmem>>
      %dma_start3A_905 = arith.constant 0 : i32
      %dma_start3A_906 = tpu.memref_slice %arg4[%dma_start3A_900, %add3A_882, %dma_start3A_905] : memref<4x8192x1024xf32, #tpu.memory_space<hbm>> -> memref<1x8x1024xf32, #tpu.memory_space<hbm>>
      %dma_start3A_907 = tpu.memref_squeeze %dma_start3A_906 : memref<1x8x1024xf32, #tpu.memory_space<hbm>> -> memref<8x1024xf32, #tpu.memory_space<hbm>>
      %dma_start3A_908 = arith.constant 0 : i32
      %dma_start3A_909 = tpu.memref_slice %arg4[%dma_start3A_900, %add3A_882, %dma_start3A_908] : memref<4x8192x1024xf32, #tpu.memory_space<hbm>> -> memref<1x8x1024xf32, #tpu.memory_space<hbm>>
      %dma_start3A_910 = tpu.memref_squeeze %dma_start3A_909 : memref<1x8x1024xf32, #tpu.memory_space<hbm>> -> memref<8x1024xf32, #tpu.memory_space<hbm>>
      %dma_start3A_911 = arith.constant 0 : i32
      %dma_start3A_912 = arith.constant 0 : i32
      %dma_start3A_913 = tpu.memref_slice %arg6[%dma_start3A_899, %dma_start3A_911, %dma_start3A_912] : memref<4x8x1024xf32, #tpu.memory_space<vmem>> -> memref<1x8x1024xf32, #tpu.memory_space<vmem>>
      %dma_start3A_914 = tpu.memref_squeeze %dma_start3A_913 : memref<1x8x1024xf32, #tpu.memory_space<vmem>> -> memref<8x1024xf32, #tpu.memory_space<vmem>>
      tpu.enqueue_dma source(%dma_start3A_914 : memref<8x1024xf32, #tpu.memory_space<vmem>>) target(%dma_start3A_910 : memref<8x1024xf32, #tpu.memory_space<hbm>>) target_semaphore(%arg15 : memref<!tpu.dma_semaphore, #tpu.memory_space<semaphore_mem>>)
      %dma_start3A_915 = arith.constant 2 : i32
      %dma_start3A_916 = arith.constant 2 : i32
      %dma_start3A_917 = arith.constant 0 : i32
      %dma_start3A_918 = arith.constant 0 : i32
      %dma_start3A_919 = tpu.memref_slice %arg6[%dma_start3A_915, %dma_start3A_917, %dma_start3A_918] : memref<4x8x1024xf32, #tpu.memory_space<vmem>> -> memref<1x8x1024xf32, #tpu.memory_space<vmem>>
      %dma_start3A_920 = tpu.memref_squeeze %dma_start3A_919 : memref<1x8x1024xf32, #tpu.memory_space<vmem>> -> memref<8x1024xf32, #tpu.memory_space<vmem>>
      %dma_start3A_921 = arith.constant 0 : i32
      %dma_start3A_922 = tpu.memref_slice %arg4[%dma_start3A_916, %add3A_882, %dma_start3A_921] : memref<4x8192x1024xf32, #tpu.memory_space<hbm>> -> memref<1x8x1024xf32, #tpu.memory_space<hbm>>
      %dma_start3A_923 = tpu.memref_squeeze %dma_start3A_922 : memref<1x8x1024xf32, #tpu.memory_space<hbm>> -> memref<8x1024xf32, #tpu.memory_space<hbm>>
      %dma_start3A_924 = arith.constant 0 : i32
      %dma_start3A_925 = tpu.memref_slice %arg4[%dma_start3A_916, %add3A_882, %dma_start3A_924] : memref<4x8192x1024xf32, #tpu.memory_space<hbm>> -> memref<1x8x1024xf32, #tpu.memory_space<hbm>>
      %dma_start3A_926 = tpu.memref_squeeze %dma_start3A_925 : memref<1x8x1024xf32, #tpu.memory_space<hbm>> -> memref<8x1024xf32, #tpu.memory_space<hbm>>
      %dma_start3A_927 = arith.constant 0 : i32
      %dma_start3A_928 = arith.constant 0 : i32
      %dma_start3A_929 = tpu.memref_slice %arg6[%dma_start3A_915, %dma_start3A_927, %dma_start3A_928] : memref<4x8x1024xf32, #tpu.memory_space<vmem>> -> memref<1x8x1024xf32, #tpu.memory_space<vmem>>
      %dma_start3A_930 = tpu.memref_squeeze %dma_start3A_929 : memref<1x8x1024xf32, #tpu.memory_space<vmem>> -> memref<8x1024xf32, #tpu.memory_space<vmem>>
      tpu.enqueue_dma source(%dma_start3A_930 : memref<8x1024xf32, #tpu.memory_space<vmem>>) target(%dma_start3A_926 : memref<8x1024xf32, #tpu.memory_space<hbm>>) target_semaphore(%arg15 : memref<!tpu.dma_semaphore, #tpu.memory_space<semaphore_mem>>)
      %dma_start3A_931 = arith.constant 3 : i32
      %dma_start3A_932 = arith.constant 3 : i32
      %dma_start3A_933 = arith.constant 0 : i32
      %dma_start3A_934 = arith.constant 0 : i32
      %dma_start3A_935 = tpu.memref_slice %arg6[%dma_start3A_931, %dma_start3A_933, %dma_start3A_934] : memref<4x8x1024xf32, #tpu.memory_space<vmem>> -> memref<1x8x1024xf32, #tpu.memory_space<vmem>>
      %dma_start3A_936 = tpu.memref_squeeze %dma_start3A_935 : memref<1x8x1024xf32, #tpu.memory_space<vmem>> -> memref<8x1024xf32, #tpu.memory_space<vmem>>
      %dma_start3A_937 = arith.constant 0 : i32
      %dma_start3A_938 = tpu.memref_slice %arg4[%dma_start3A_932, %add3A_882, %dma_start3A_937] : memref<4x8192x1024xf32, #tpu.memory_space<hbm>> -> memref<1x8x1024xf32, #tpu.memory_space<hbm>>
      %dma_start3A_939 = tpu.memref_squeeze %dma_start3A_938 : memref<1x8x1024xf32, #tpu.memory_space<hbm>> -> memref<8x1024xf32, #tpu.memory_space<hbm>>
      %dma_start3A_940 = arith.constant 0 : i32
      %dma_start3A_941 = tpu.memref_slice %arg4[%dma_start3A_932, %add3A_882, %dma_start3A_940] : memref<4x8192x1024xf32, #tpu.memory_space<hbm>> -> memref<1x8x1024xf32, #tpu.memory_space<hbm>>
      %dma_start3A_942 = tpu.memref_squeeze %dma_start3A_941 : memref<1x8x1024xf32, #tpu.memory_space<hbm>> -> memref<8x1024xf32, #tpu.memory_space<hbm>>
      %dma_start3A_943 = arith.constant 0 : i32
      %dma_start3A_944 = arith.constant 0 : i32
      %dma_start3A_945 = tpu.memref_slice %arg6[%dma_start3A_931, %dma_start3A_943, %dma_start3A_944] : memref<4x8x1024xf32, #tpu.memory_space<vmem>> -> memref<1x8x1024xf32, #tpu.memory_space<vmem>>
      %dma_start3A_946 = tpu.memref_squeeze %dma_start3A_945 : memref<1x8x1024xf32, #tpu.memory_space<vmem>> -> memref<8x1024xf32, #tpu.memory_space<vmem>>
      tpu.enqueue_dma source(%dma_start3A_946 : memref<8x1024xf32, #tpu.memory_space<vmem>>) target(%dma_start3A_942 : memref<8x1024xf32, #tpu.memory_space<hbm>>) target_semaphore(%arg15 : memref<!tpu.dma_semaphore, #tpu.memory_space<semaphore_mem>>)
      %add3A_947 = arith.constant 2 : i32
      %add3A_948 = arith.addi %mul3A_634, %add3A_947 : i32
      %mul3A_949 = arith.constant 8 : i32
      %mul3A_950 = arith.muli %add3A_948, %mul3A_949 : i32
      %add3A_951 = arith.addi %mul3A_2, %mul3A_950 : i32
      %dma_wait3A_952 = arith.constant 0 : i32
      %dma_wait3A_953 = arith.constant 0 : i32
      %dma_wait3A_954 = arith.constant 0 : i32
      %dma_wait3A_955 = arith.constant 0 : i32
      %dma_wait3A_956 = tpu.memref_slice %arg7[%dma_wait3A_953, %dma_wait3A_954, %dma_wait3A_955] : memref<4x8x1024xf32, #tpu.memory_space<vmem>> -> memref<1x8x1024xf32, #tpu.memory_space<vmem>>
      %dma_wait3A_957 = tpu.memref_squeeze %dma_wait3A_956 : memref<1x8x1024xf32, #tpu.memory_space<vmem>> -> memref<8x1024xf32, #tpu.memory_space<vmem>>
      %dma_wait3A_958 = arith.constant 0 : i32
      %dma_wait3A_959 = tpu.memref_slice %arg2[%dma_wait3A_952, %add3A_951, %dma_wait3A_958] : memref<4x8192x1024xf32, #tpu.memory_space<hbm>> -> memref<1x8x1024xf32, #tpu.memory_space<hbm>>
      %dma_wait3A_960 = tpu.memref_squeeze %dma_wait3A_959 : memref<1x8x1024xf32, #tpu.memory_space<hbm>> -> memref<8x1024xf32, #tpu.memory_space<hbm>>
      %dma_wait3A_961 = arith.constant 0 : i32
      %dma_wait3A_962 = arith.constant 0 : i32
      %dma_wait3A_963 = tpu.memref_slice %arg7[%dma_wait3A_953, %dma_wait3A_961, %dma_wait3A_962] : memref<4x8x1024xf32, #tpu.memory_space<vmem>> -> memref<1x8x1024xf32, #tpu.memory_space<vmem>>
      %dma_wait3A_964 = tpu.memref_squeeze %dma_wait3A_963 : memref<1x8x1024xf32, #tpu.memory_space<vmem>> -> memref<8x1024xf32, #tpu.memory_space<vmem>>
      %dma_wait3A_965 = arith.constant 0 : i32
      %dma_wait3A_966 = tpu.memref_slice %arg2[%dma_wait3A_952, %add3A_951, %dma_wait3A_965] : memref<4x8192x1024xf32, #tpu.memory_space<hbm>> -> memref<1x8x1024xf32, #tpu.memory_space<hbm>>
      %dma_wait3A_967 = tpu.memref_squeeze %dma_wait3A_966 : memref<1x8x1024xf32, #tpu.memory_space<hbm>> -> memref<8x1024xf32, #tpu.memory_space<hbm>>
      tpu.wait_dma2 semaphore(%arg13 : memref<!tpu.dma_semaphore, #tpu.memory_space<semaphore_mem>>) src(%dma_wait3A_967 : memref<8x1024xf32, #tpu.memory_space<hbm>>) dst(%dma_wait3A_964 : memref<8x1024xf32, #tpu.memory_space<vmem>>)
      %dma_wait3A_968 = arith.constant 1 : i32
      %dma_wait3A_969 = arith.constant 1 : i32
      %dma_wait3A_970 = arith.constant 0 : i32
      %dma_wait3A_971 = arith.constant 0 : i32
      %dma_wait3A_972 = tpu.memref_slice %arg7[%dma_wait3A_969, %dma_wait3A_970, %dma_wait3A_971] : memref<4x8x1024xf32, #tpu.memory_space<vmem>> -> memref<1x8x1024xf32, #tpu.memory_space<vmem>>
      %dma_wait3A_973 = tpu.memref_squeeze %dma_wait3A_972 : memref<1x8x1024xf32, #tpu.memory_space<vmem>> -> memref<8x1024xf32, #tpu.memory_space<vmem>>
      %dma_wait3A_974 = arith.constant 0 : i32
      %dma_wait3A_975 = tpu.memref_slice %arg2[%dma_wait3A_968, %add3A_951, %dma_wait3A_974] : memref<4x8192x1024xf32, #tpu.memory_space<hbm>> -> memref<1x8x1024xf32, #tpu.memory_space<hbm>>
      %dma_wait3A_976 = tpu.memref_squeeze %dma_wait3A_975 : memref<1x8x1024xf32, #tpu.memory_space<hbm>> -> memref<8x1024xf32, #tpu.memory_space<hbm>>
      %dma_wait3A_977 = arith.constant 0 : i32
      %dma_wait3A_978 = arith.constant 0 : i32
      %dma_wait3A_979 = tpu.memref_slice %arg7[%dma_wait3A_969, %dma_wait3A_977, %dma_wait3A_978] : memref<4x8x1024xf32, #tpu.memory_space<vmem>> -> memref<1x8x1024xf32, #tpu.memory_space<vmem>>
      %dma_wait3A_980 = tpu.memref_squeeze %dma_wait3A_979 : memref<1x8x1024xf32, #tpu.memory_space<vmem>> -> memref<8x1024xf32, #tpu.memory_space<vmem>>
      %dma_wait3A_981 = arith.constant 0 : i32
      %dma_wait3A_982 = tpu.memref_slice %arg2[%dma_wait3A_968, %add3A_951, %dma_wait3A_981] : memref<4x8192x1024xf32, #tpu.memory_space<hbm>> -> memref<1x8x1024xf32, #tpu.memory_space<hbm>>
      %dma_wait3A_983 = tpu.memref_squeeze %dma_wait3A_982 : memref<1x8x1024xf32, #tpu.memory_space<hbm>> -> memref<8x1024xf32, #tpu.memory_space<hbm>>
      tpu.wait_dma2 semaphore(%arg13 : memref<!tpu.dma_semaphore, #tpu.memory_space<semaphore_mem>>) src(%dma_wait3A_983 : memref<8x1024xf32, #tpu.memory_space<hbm>>) dst(%dma_wait3A_980 : memref<8x1024xf32, #tpu.memory_space<vmem>>)
      %dma_wait3A_984 = arith.constant 2 : i32
      %dma_wait3A_985 = arith.constant 2 : i32
      %dma_wait3A_986 = arith.constant 0 : i32
      %dma_wait3A_987 = arith.constant 0 : i32
      %dma_wait3A_988 = tpu.memref_slice %arg7[%dma_wait3A_985, %dma_wait3A_986, %dma_wait3A_987] : memref<4x8x1024xf32, #tpu.memory_space<vmem>> -> memref<1x8x1024xf32, #tpu.memory_space<vmem>>
      %dma_wait3A_989 = tpu.memref_squeeze %dma_wait3A_988 : memref<1x8x1024xf32, #tpu.memory_space<vmem>> -> memref<8x1024xf32, #tpu.memory_space<vmem>>
      %dma_wait3A_990 = arith.constant 0 : i32
      %dma_wait3A_991 = tpu.memref_slice %arg2[%dma_wait3A_984, %add3A_951, %dma_wait3A_990] : memref<4x8192x1024xf32, #tpu.memory_space<hbm>> -> memref<1x8x1024xf32, #tpu.memory_space<hbm>>
      %dma_wait3A_992 = tpu.memref_squeeze %dma_wait3A_991 : memref<1x8x1024xf32, #tpu.memory_space<hbm>> -> memref<8x1024xf32, #tpu.memory_space<hbm>>
      %dma_wait3A_993 = arith.constant 0 : i32
      %dma_wait3A_994 = arith.constant 0 : i32
      %dma_wait3A_995 = tpu.memref_slice %arg7[%dma_wait3A_985, %dma_wait3A_993, %dma_wait3A_994] : memref<4x8x1024xf32, #tpu.memory_space<vmem>> -> memref<1x8x1024xf32, #tpu.memory_space<vmem>>
      %dma_wait3A_996 = tpu.memref_squeeze %dma_wait3A_995 : memref<1x8x1024xf32, #tpu.memory_space<vmem>> -> memref<8x1024xf32, #tpu.memory_space<vmem>>
      %dma_wait3A_997 = arith.constant 0 : i32
      %dma_wait3A_998 = tpu.memref_slice %arg2[%dma_wait3A_984, %add3A_951, %dma_wait3A_997] : memref<4x8192x1024xf32, #tpu.memory_space<hbm>> -> memref<1x8x1024xf32, #tpu.memory_space<hbm>>
      %dma_wait3A_999 = tpu.memref_squeeze %dma_wait3A_998 : memref<1x8x1024xf32, #tpu.memory_space<hbm>> -> memref<8x1024xf32, #tpu.memory_space<hbm>>
      tpu.wait_dma2 semaphore(%arg13 : memref<!tpu.dma_semaphore, #tpu.memory_space<semaphore_mem>>) src(%dma_wait3A_999 : memref<8x1024xf32, #tpu.memory_space<hbm>>) dst(%dma_wait3A_996 : memref<8x1024xf32, #tpu.memory_space<vmem>>)
      %dma_wait3A_1000 = arith.constant 3 : i32
      %dma_wait3A_1001 = arith.constant 3 : i32
      %dma_wait3A_1002 = arith.constant 0 : i32
      %dma_wait3A_1003 = arith.constant 0 : i32
      %dma_wait3A_1004 = tpu.memref_slice %arg7[%dma_wait3A_1001, %dma_wait3A_1002, %dma_wait3A_1003] : memref<4x8x1024xf32, #tpu.memory_space<vmem>> -> memref<1x8x1024xf32, #tpu.memory_space<vmem>>
      %dma_wait3A_1005 = tpu.memref_squeeze %dma_wait3A_1004 : memref<1x8x1024xf32, #tpu.memory_space<vmem>> -> memref<8x1024xf32, #tpu.memory_space<vmem>>
      %dma_wait3A_1006 = arith.constant 0 : i32
      %dma_wait3A_1007 = tpu.memref_slice %arg2[%dma_wait3A_1000, %add3A_951, %dma_wait3A_1006] : memref<4x8192x1024xf32, #tpu.memory_space<hbm>> -> memref<1x8x1024xf32, #tpu.memory_space<hbm>>
      %dma_wait3A_1008 = tpu.memref_squeeze %dma_wait3A_1007 : memref<1x8x1024xf32, #tpu.memory_space<hbm>> -> memref<8x1024xf32, #tpu.memory_space<hbm>>
      %dma_wait3A_1009 = arith.constant 0 : i32
      %dma_wait3A_1010 = arith.constant 0 : i32
      %dma_wait3A_1011 = tpu.memref_slice %arg7[%dma_wait3A_1001, %dma_wait3A_1009, %dma_wait3A_1010] : memref<4x8x1024xf32, #tpu.memory_space<vmem>> -> memref<1x8x1024xf32, #tpu.memory_space<vmem>>
      %dma_wait3A_1012 = tpu.memref_squeeze %dma_wait3A_1011 : memref<1x8x1024xf32, #tpu.memory_space<vmem>> -> memref<8x1024xf32, #tpu.memory_space<vmem>>
      %dma_wait3A_1013 = arith.constant 0 : i32
      %dma_wait3A_1014 = tpu.memref_slice %arg2[%dma_wait3A_1000, %add3A_951, %dma_wait3A_1013] : memref<4x8192x1024xf32, #tpu.memory_space<hbm>> -> memref<1x8x1024xf32, #tpu.memory_space<hbm>>
      %dma_wait3A_1015 = tpu.memref_squeeze %dma_wait3A_1014 : memref<1x8x1024xf32, #tpu.memory_space<hbm>> -> memref<8x1024xf32, #tpu.memory_space<hbm>>
      tpu.wait_dma2 semaphore(%arg13 : memref<!tpu.dma_semaphore, #tpu.memory_space<semaphore_mem>>) src(%dma_wait3A_1015 : memref<8x1024xf32, #tpu.memory_space<hbm>>) dst(%dma_wait3A_1012 : memref<8x1024xf32, #tpu.memory_space<vmem>>)
      %dma_wait3A_1016 = arith.constant 0 : i32
      %dma_wait3A_1017 = tpu.memref_slice %arg3[%add3A_951, %dma_wait3A_1016] : memref<8192x1024xf32, #tpu.memory_space<hbm>> -> memref<8x1024xf32, #tpu.memory_space<hbm>>
      %dma_wait3A_1018 = arith.constant 0 : i32
      %dma_wait3A_1019 = tpu.memref_slice %arg3[%add3A_951, %dma_wait3A_1018] : memref<8192x1024xf32, #tpu.memory_space<hbm>> -> memref<8x1024xf32, #tpu.memory_space<hbm>>
      tpu.wait_dma2 semaphore(%arg13 : memref<!tpu.dma_semaphore, #tpu.memory_space<semaphore_mem>>) src(%dma_wait3A_1019 : memref<8x1024xf32, #tpu.memory_space<hbm>>) dst(%arg10 : memref<8x1024xf32, #tpu.memory_space<vmem>>)
      %gt3A_1020 = arith.constant 0 : i32
      %gt3A_1021 = arith.cmpi sgt, %add3A_948, %gt3A_1020 : i32
      %convert_element_type3A_1022 = arith.extui %gt3A_1021 : i1 to i32
      %cond3A_1023 = arith.constant 0 : i32
      %cond3A_1024 = arith.cmpi ne, %convert_element_type3A_1022, %cond3A_1023 : i32
      scf.if %cond3A_1024 {
        %sub3A = arith.constant 1 : i32
        %sub3A_1107 = arith.subi %add3A_948, %sub3A : i32
        %mul3A_1108 = arith.constant 8 : i32
        %mul3A_1109 = arith.muli %sub3A_1107, %mul3A_1108 : i32
        %add3A_1110 = arith.addi %mul3A_2, %mul3A_1109 : i32
        %dma_wait3A_1111 = arith.constant 0 : i32
        %dma_wait3A_1112 = arith.constant 0 : i32
        %dma_wait3A_1113 = arith.constant 0 : i32
        %dma_wait3A_1114 = arith.constant 0 : i32
        %dma_wait3A_1115 = tpu.memref_slice %arg6[%dma_wait3A_1111, %dma_wait3A_1113, %dma_wait3A_1114] : memref<4x8x1024xf32, #tpu.memory_space<vmem>> -> memref<1x8x1024xf32, #tpu.memory_space<vmem>>
        %dma_wait3A_1116 = tpu.memref_squeeze %dma_wait3A_1115 : memref<1x8x1024xf32, #tpu.memory_space<vmem>> -> memref<8x1024xf32, #tpu.memory_space<vmem>>
        %dma_wait3A_1117 = arith.constant 0 : i32
        %dma_wait3A_1118 = tpu.memref_slice %arg4[%dma_wait3A_1112, %add3A_1110, %dma_wait3A_1117] : memref<4x8192x1024xf32, #tpu.memory_space<hbm>> -> memref<1x8x1024xf32, #tpu.memory_space<hbm>>
        %dma_wait3A_1119 = tpu.memref_squeeze %dma_wait3A_1118 : memref<1x8x1024xf32, #tpu.memory_space<hbm>> -> memref<8x1024xf32, #tpu.memory_space<hbm>>
        %dma_wait3A_1120 = arith.constant 0 : i32
        %dma_wait3A_1121 = tpu.memref_slice %arg4[%dma_wait3A_1112, %add3A_1110, %dma_wait3A_1120] : memref<4x8192x1024xf32, #tpu.memory_space<hbm>> -> memref<1x8x1024xf32, #tpu.memory_space<hbm>>
        %dma_wait3A_1122 = tpu.memref_squeeze %dma_wait3A_1121 : memref<1x8x1024xf32, #tpu.memory_space<hbm>> -> memref<8x1024xf32, #tpu.memory_space<hbm>>
        %dma_wait3A_1123 = arith.constant 0 : i32
        %dma_wait3A_1124 = arith.constant 0 : i32
        %dma_wait3A_1125 = tpu.memref_slice %arg6[%dma_wait3A_1111, %dma_wait3A_1123, %dma_wait3A_1124] : memref<4x8x1024xf32, #tpu.memory_space<vmem>> -> memref<1x8x1024xf32, #tpu.memory_space<vmem>>
        %dma_wait3A_1126 = tpu.memref_squeeze %dma_wait3A_1125 : memref<1x8x1024xf32, #tpu.memory_space<vmem>> -> memref<8x1024xf32, #tpu.memory_space<vmem>>
        tpu.wait_dma2 semaphore(%arg15 : memref<!tpu.dma_semaphore, #tpu.memory_space<semaphore_mem>>) src(%dma_wait3A_1126 : memref<8x1024xf32, #tpu.memory_space<vmem>>) dst(%dma_wait3A_1122 : memref<8x1024xf32, #tpu.memory_space<hbm>>)
        %dma_wait3A_1127 = arith.constant 1 : i32
        %dma_wait3A_1128 = arith.constant 1 : i32
        %dma_wait3A_1129 = arith.constant 0 : i32
        %dma_wait3A_1130 = arith.constant 0 : i32
        %dma_wait3A_1131 = tpu.memref_slice %arg6[%dma_wait3A_1127, %dma_wait3A_1129, %dma_wait3A_1130] : memref<4x8x1024xf32, #tpu.memory_space<vmem>> -> memref<1x8x1024xf32, #tpu.memory_space<vmem>>
        %dma_wait3A_1132 = tpu.memref_squeeze %dma_wait3A_1131 : memref<1x8x1024xf32, #tpu.memory_space<vmem>> -> memref<8x1024xf32, #tpu.memory_space<vmem>>
        %dma_wait3A_1133 = arith.constant 0 : i32
        %dma_wait3A_1134 = tpu.memref_slice %arg4[%dma_wait3A_1128, %add3A_1110, %dma_wait3A_1133] : memref<4x8192x1024xf32, #tpu.memory_space<hbm>> -> memref<1x8x1024xf32, #tpu.memory_space<hbm>>
        %dma_wait3A_1135 = tpu.memref_squeeze %dma_wait3A_1134 : memref<1x8x1024xf32, #tpu.memory_space<hbm>> -> memref<8x1024xf32, #tpu.memory_space<hbm>>
        %dma_wait3A_1136 = arith.constant 0 : i32
        %dma_wait3A_1137 = tpu.memref_slice %arg4[%dma_wait3A_1128, %add3A_1110, %dma_wait3A_1136] : memref<4x8192x1024xf32, #tpu.memory_space<hbm>> -> memref<1x8x1024xf32, #tpu.memory_space<hbm>>
        %dma_wait3A_1138 = tpu.memref_squeeze %dma_wait3A_1137 : memref<1x8x1024xf32, #tpu.memory_space<hbm>> -> memref<8x1024xf32, #tpu.memory_space<hbm>>
        %dma_wait3A_1139 = arith.constant 0 : i32
        %dma_wait3A_1140 = arith.constant 0 : i32
        %dma_wait3A_1141 = tpu.memref_slice %arg6[%dma_wait3A_1127, %dma_wait3A_1139, %dma_wait3A_1140] : memref<4x8x1024xf32, #tpu.memory_space<vmem>> -> memref<1x8x1024xf32, #tpu.memory_space<vmem>>
        %dma_wait3A_1142 = tpu.memref_squeeze %dma_wait3A_1141 : memref<1x8x1024xf32, #tpu.memory_space<vmem>> -> memref<8x1024xf32, #tpu.memory_space<vmem>>
        tpu.wait_dma2 semaphore(%arg15 : memref<!tpu.dma_semaphore, #tpu.memory_space<semaphore_mem>>) src(%dma_wait3A_1142 : memref<8x1024xf32, #tpu.memory_space<vmem>>) dst(%dma_wait3A_1138 : memref<8x1024xf32, #tpu.memory_space<hbm>>)
        %dma_wait3A_1143 = arith.constant 2 : i32
        %dma_wait3A_1144 = arith.constant 2 : i32
        %dma_wait3A_1145 = arith.constant 0 : i32
        %dma_wait3A_1146 = arith.constant 0 : i32
        %dma_wait3A_1147 = tpu.memref_slice %arg6[%dma_wait3A_1143, %dma_wait3A_1145, %dma_wait3A_1146] : memref<4x8x1024xf32, #tpu.memory_space<vmem>> -> memref<1x8x1024xf32, #tpu.memory_space<vmem>>
        %dma_wait3A_1148 = tpu.memref_squeeze %dma_wait3A_1147 : memref<1x8x1024xf32, #tpu.memory_space<vmem>> -> memref<8x1024xf32, #tpu.memory_space<vmem>>
        %dma_wait3A_1149 = arith.constant 0 : i32
        %dma_wait3A_1150 = tpu.memref_slice %arg4[%dma_wait3A_1144, %add3A_1110, %dma_wait3A_1149] : memref<4x8192x1024xf32, #tpu.memory_space<hbm>> -> memref<1x8x1024xf32, #tpu.memory_space<hbm>>
        %dma_wait3A_1151 = tpu.memref_squeeze %dma_wait3A_1150 : memref<1x8x1024xf32, #tpu.memory_space<hbm>> -> memref<8x1024xf32, #tpu.memory_space<hbm>>
        %dma_wait3A_1152 = arith.constant 0 : i32
        %dma_wait3A_1153 = tpu.memref_slice %arg4[%dma_wait3A_1144, %add3A_1110, %dma_wait3A_1152] : memref<4x8192x1024xf32, #tpu.memory_space<hbm>> -> memref<1x8x1024xf32, #tpu.memory_space<hbm>>
        %dma_wait3A_1154 = tpu.memref_squeeze %dma_wait3A_1153 : memref<1x8x1024xf32, #tpu.memory_space<hbm>> -> memref<8x1024xf32, #tpu.memory_space<hbm>>
        %dma_wait3A_1155 = arith.constant 0 : i32
        %dma_wait3A_1156 = arith.constant 0 : i32
        %dma_wait3A_1157 = tpu.memref_slice %arg6[%dma_wait3A_1143, %dma_wait3A_1155, %dma_wait3A_1156] : memref<4x8x1024xf32, #tpu.memory_space<vmem>> -> memref<1x8x1024xf32, #tpu.memory_space<vmem>>
        %dma_wait3A_1158 = tpu.memref_squeeze %dma_wait3A_1157 : memref<1x8x1024xf32, #tpu.memory_space<vmem>> -> memref<8x1024xf32, #tpu.memory_space<vmem>>
        tpu.wait_dma2 semaphore(%arg15 : memref<!tpu.dma_semaphore, #tpu.memory_space<semaphore_mem>>) src(%dma_wait3A_1158 : memref<8x1024xf32, #tpu.memory_space<vmem>>) dst(%dma_wait3A_1154 : memref<8x1024xf32, #tpu.memory_space<hbm>>)
        %dma_wait3A_1159 = arith.constant 3 : i32
        %dma_wait3A_1160 = arith.constant 3 : i32
        %dma_wait3A_1161 = arith.constant 0 : i32
        %dma_wait3A_1162 = arith.constant 0 : i32
        %dma_wait3A_1163 = tpu.memref_slice %arg6[%dma_wait3A_1159, %dma_wait3A_1161, %dma_wait3A_1162] : memref<4x8x1024xf32, #tpu.memory_space<vmem>> -> memref<1x8x1024xf32, #tpu.memory_space<vmem>>
        %dma_wait3A_1164 = tpu.memref_squeeze %dma_wait3A_1163 : memref<1x8x1024xf32, #tpu.memory_space<vmem>> -> memref<8x1024xf32, #tpu.memory_space<vmem>>
        %dma_wait3A_1165 = arith.constant 0 : i32
        %dma_wait3A_1166 = tpu.memref_slice %arg4[%dma_wait3A_1160, %add3A_1110, %dma_wait3A_1165] : memref<4x8192x1024xf32, #tpu.memory_space<hbm>> -> memref<1x8x1024xf32, #tpu.memory_space<hbm>>
        %dma_wait3A_1167 = tpu.memref_squeeze %dma_wait3A_1166 : memref<1x8x1024xf32, #tpu.memory_space<hbm>> -> memref<8x1024xf32, #tpu.memory_space<hbm>>
        %dma_wait3A_1168 = arith.constant 0 : i32
        %dma_wait3A_1169 = tpu.memref_slice %arg4[%dma_wait3A_1160, %add3A_1110, %dma_wait3A_1168] : memref<4x8192x1024xf32, #tpu.memory_space<hbm>> -> memref<1x8x1024xf32, #tpu.memory_space<hbm>>
        %dma_wait3A_1170 = tpu.memref_squeeze %dma_wait3A_1169 : memref<1x8x1024xf32, #tpu.memory_space<hbm>> -> memref<8x1024xf32, #tpu.memory_space<hbm>>
        %dma_wait3A_1171 = arith.constant 0 : i32
        %dma_wait3A_1172 = arith.constant 0 : i32
        %dma_wait3A_1173 = tpu.memref_slice %arg6[%dma_wait3A_1159, %dma_wait3A_1171, %dma_wait3A_1172] : memref<4x8x1024xf32, #tpu.memory_space<vmem>> -> memref<1x8x1024xf32, #tpu.memory_space<vmem>>
        %dma_wait3A_1174 = tpu.memref_squeeze %dma_wait3A_1173 : memref<1x8x1024xf32, #tpu.memory_space<vmem>> -> memref<8x1024xf32, #tpu.memory_space<vmem>>
        tpu.wait_dma2 semaphore(%arg15 : memref<!tpu.dma_semaphore, #tpu.memory_space<semaphore_mem>>) src(%dma_wait3A_1174 : memref<8x1024xf32, #tpu.memory_space<vmem>>) dst(%dma_wait3A_1170 : memref<8x1024xf32, #tpu.memory_space<hbm>>)
      } else {
      }
      %add3A_1025 = arith.constant 2 : i32
      %add3A_1026 = arith.addi %add3A_948, %add3A_1025 : i32
      %lt3A_1027 = arith.constant 32 : i32
      %lt3A_1028 = arith.cmpi slt, %add3A_1026, %lt3A_1027 : i32
      %convert_element_type3A_1029 = arith.extui %lt3A_1028 : i1 to i32
      %cond3A_1030 = arith.constant 0 : i32
      %cond3A_1031 = arith.cmpi ne, %convert_element_type3A_1029, %cond3A_1030 : i32
      scf.if %cond3A_1031 {
        %add3A_1107 = arith.constant 2 : i32
        %add3A_1108 = arith.addi %add3A_948, %add3A_1107 : i32
        %mul3A_1109 = arith.constant 8 : i32
        %mul3A_1110 = arith.muli %add3A_1108, %mul3A_1109 : i32
        %add3A_1111 = arith.addi %mul3A_2, %mul3A_1110 : i32
        %dma_start3A_1112 = arith.constant 0 : i32
        %dma_start3A_1113 = arith.constant 0 : i32
        %dma_start3A_1114 = arith.constant 0 : i32
        %dma_start3A_1115 = arith.constant 0 : i32
        %dma_start3A_1116 = tpu.memref_slice %arg6[%dma_start3A_1113, %dma_start3A_1114, %dma_start3A_1115] : memref<4x8x1024xf32, #tpu.memory_space<vmem>> -> memref<1x8x1024xf32, #tpu.memory_space<vmem>>
        %dma_start3A_1117 = tpu.memref_squeeze %dma_start3A_1116 : memref<1x8x1024xf32, #tpu.memory_space<vmem>> -> memref<8x1024xf32, #tpu.memory_space<vmem>>
        %dma_start3A_1118 = arith.constant 0 : i32
        %dma_start3A_1119 = tpu.memref_slice %arg2[%dma_start3A_1112, %add3A_1111, %dma_start3A_1118] : memref<4x8192x1024xf32, #tpu.memory_space<hbm>> -> memref<1x8x1024xf32, #tpu.memory_space<hbm>>
        %dma_start3A_1120 = tpu.memref_squeeze %dma_start3A_1119 : memref<1x8x1024xf32, #tpu.memory_space<hbm>> -> memref<8x1024xf32, #tpu.memory_space<hbm>>
        %dma_start3A_1121 = arith.constant 0 : i32
        %dma_start3A_1122 = arith.constant 0 : i32
        %dma_start3A_1123 = tpu.memref_slice %arg6[%dma_start3A_1113, %dma_start3A_1121, %dma_start3A_1122] : memref<4x8x1024xf32, #tpu.memory_space<vmem>> -> memref<1x8x1024xf32, #tpu.memory_space<vmem>>
        %dma_start3A_1124 = tpu.memref_squeeze %dma_start3A_1123 : memref<1x8x1024xf32, #tpu.memory_space<vmem>> -> memref<8x1024xf32, #tpu.memory_space<vmem>>
        %dma_start3A_1125 = arith.constant 0 : i32
        %dma_start3A_1126 = tpu.memref_slice %arg2[%dma_start3A_1112, %add3A_1111, %dma_start3A_1125] : memref<4x8192x1024xf32, #tpu.memory_space<hbm>> -> memref<1x8x1024xf32, #tpu.memory_space<hbm>>
        %dma_start3A_1127 = tpu.memref_squeeze %dma_start3A_1126 : memref<1x8x1024xf32, #tpu.memory_space<hbm>> -> memref<8x1024xf32, #tpu.memory_space<hbm>>
        tpu.enqueue_dma source(%dma_start3A_1127 : memref<8x1024xf32, #tpu.memory_space<hbm>>) target(%dma_start3A_1124 : memref<8x1024xf32, #tpu.memory_space<vmem>>) target_semaphore(%arg12 : memref<!tpu.dma_semaphore, #tpu.memory_space<semaphore_mem>>)
        %dma_start3A_1128 = arith.constant 1 : i32
        %dma_start3A_1129 = arith.constant 1 : i32
        %dma_start3A_1130 = arith.constant 0 : i32
        %dma_start3A_1131 = arith.constant 0 : i32
        %dma_start3A_1132 = tpu.memref_slice %arg6[%dma_start3A_1129, %dma_start3A_1130, %dma_start3A_1131] : memref<4x8x1024xf32, #tpu.memory_space<vmem>> -> memref<1x8x1024xf32, #tpu.memory_space<vmem>>
        %dma_start3A_1133 = tpu.memref_squeeze %dma_start3A_1132 : memref<1x8x1024xf32, #tpu.memory_space<vmem>> -> memref<8x1024xf32, #tpu.memory_space<vmem>>
        %dma_start3A_1134 = arith.constant 0 : i32
        %dma_start3A_1135 = tpu.memref_slice %arg2[%dma_start3A_1128, %add3A_1111, %dma_start3A_1134] : memref<4x8192x1024xf32, #tpu.memory_space<hbm>> -> memref<1x8x1024xf32, #tpu.memory_space<hbm>>
        %dma_start3A_1136 = tpu.memref_squeeze %dma_start3A_1135 : memref<1x8x1024xf32, #tpu.memory_space<hbm>> -> memref<8x1024xf32, #tpu.memory_space<hbm>>
        %dma_start3A_1137 = arith.constant 0 : i32
        %dma_start3A_1138 = arith.constant 0 : i32
        %dma_start3A_1139 = tpu.memref_slice %arg6[%dma_start3A_1129, %dma_start3A_1137, %dma_start3A_1138] : memref<4x8x1024xf32, #tpu.memory_space<vmem>> -> memref<1x8x1024xf32, #tpu.memory_space<vmem>>
        %dma_start3A_1140 = tpu.memref_squeeze %dma_start3A_1139 : memref<1x8x1024xf32, #tpu.memory_space<vmem>> -> memref<8x1024xf32, #tpu.memory_space<vmem>>
        %dma_start3A_1141 = arith.constant 0 : i32
        %dma_start3A_1142 = tpu.memref_slice %arg2[%dma_start3A_1128, %add3A_1111, %dma_start3A_1141] : memref<4x8192x1024xf32, #tpu.memory_space<hbm>> -> memref<1x8x1024xf32, #tpu.memory_space<hbm>>
        %dma_start3A_1143 = tpu.memref_squeeze %dma_start3A_1142 : memref<1x8x1024xf32, #tpu.memory_space<hbm>> -> memref<8x1024xf32, #tpu.memory_space<hbm>>
        tpu.enqueue_dma source(%dma_start3A_1143 : memref<8x1024xf32, #tpu.memory_space<hbm>>) target(%dma_start3A_1140 : memref<8x1024xf32, #tpu.memory_space<vmem>>) target_semaphore(%arg12 : memref<!tpu.dma_semaphore, #tpu.memory_space<semaphore_mem>>)
        %dma_start3A_1144 = arith.constant 2 : i32
        %dma_start3A_1145 = arith.constant 2 : i32
        %dma_start3A_1146 = arith.constant 0 : i32
        %dma_start3A_1147 = arith.constant 0 : i32
        %dma_start3A_1148 = tpu.memref_slice %arg6[%dma_start3A_1145, %dma_start3A_1146, %dma_start3A_1147] : memref<4x8x1024xf32, #tpu.memory_space<vmem>> -> memref<1x8x1024xf32, #tpu.memory_space<vmem>>
        %dma_start3A_1149 = tpu.memref_squeeze %dma_start3A_1148 : memref<1x8x1024xf32, #tpu.memory_space<vmem>> -> memref<8x1024xf32, #tpu.memory_space<vmem>>
        %dma_start3A_1150 = arith.constant 0 : i32
        %dma_start3A_1151 = tpu.memref_slice %arg2[%dma_start3A_1144, %add3A_1111, %dma_start3A_1150] : memref<4x8192x1024xf32, #tpu.memory_space<hbm>> -> memref<1x8x1024xf32, #tpu.memory_space<hbm>>
        %dma_start3A_1152 = tpu.memref_squeeze %dma_start3A_1151 : memref<1x8x1024xf32, #tpu.memory_space<hbm>> -> memref<8x1024xf32, #tpu.memory_space<hbm>>
        %dma_start3A_1153 = arith.constant 0 : i32
        %dma_start3A_1154 = arith.constant 0 : i32
        %dma_start3A_1155 = tpu.memref_slice %arg6[%dma_start3A_1145, %dma_start3A_1153, %dma_start3A_1154] : memref<4x8x1024xf32, #tpu.memory_space<vmem>> -> memref<1x8x1024xf32, #tpu.memory_space<vmem>>
        %dma_start3A_1156 = tpu.memref_squeeze %dma_start3A_1155 : memref<1x8x1024xf32, #tpu.memory_space<vmem>> -> memref<8x1024xf32, #tpu.memory_space<vmem>>
        %dma_start3A_1157 = arith.constant 0 : i32
        %dma_start3A_1158 = tpu.memref_slice %arg2[%dma_start3A_1144, %add3A_1111, %dma_start3A_1157] : memref<4x8192x1024xf32, #tpu.memory_space<hbm>> -> memref<1x8x1024xf32, #tpu.memory_space<hbm>>
        %dma_start3A_1159 = tpu.memref_squeeze %dma_start3A_1158 : memref<1x8x1024xf32, #tpu.memory_space<hbm>> -> memref<8x1024xf32, #tpu.memory_space<hbm>>
        tpu.enqueue_dma source(%dma_start3A_1159 : memref<8x1024xf32, #tpu.memory_space<hbm>>) target(%dma_start3A_1156 : memref<8x1024xf32, #tpu.memory_space<vmem>>) target_semaphore(%arg12 : memref<!tpu.dma_semaphore, #tpu.memory_space<semaphore_mem>>)
        %dma_start3A_1160 = arith.constant 3 : i32
        %dma_start3A_1161 = arith.constant 3 : i32
        %dma_start3A_1162 = arith.constant 0 : i32
        %dma_start3A_1163 = arith.constant 0 : i32
        %dma_start3A_1164 = tpu.memref_slice %arg6[%dma_start3A_1161, %dma_start3A_1162, %dma_start3A_1163] : memref<4x8x1024xf32, #tpu.memory_space<vmem>> -> memref<1x8x1024xf32, #tpu.memory_space<vmem>>
        %dma_start3A_1165 = tpu.memref_squeeze %dma_start3A_1164 : memref<1x8x1024xf32, #tpu.memory_space<vmem>> -> memref<8x1024xf32, #tpu.memory_space<vmem>>
        %dma_start3A_1166 = arith.constant 0 : i32
        %dma_start3A_1167 = tpu.memref_slice %arg2[%dma_start3A_1160, %add3A_1111, %dma_start3A_1166] : memref<4x8192x1024xf32, #tpu.memory_space<hbm>> -> memref<1x8x1024xf32, #tpu.memory_space<hbm>>
        %dma_start3A_1168 = tpu.memref_squeeze %dma_start3A_1167 : memref<1x8x1024xf32, #tpu.memory_space<hbm>> -> memref<8x1024xf32, #tpu.memory_space<hbm>>
        %dma_start3A_1169 = arith.constant 0 : i32
        %dma_start3A_1170 = arith.constant 0 : i32
        %dma_start3A_1171 = tpu.memref_slice %arg6[%dma_start3A_1161, %dma_start3A_1169, %dma_start3A_1170] : memref<4x8x1024xf32, #tpu.memory_space<vmem>> -> memref<1x8x1024xf32, #tpu.memory_space<vmem>>
        %dma_start3A_1172 = tpu.memref_squeeze %dma_start3A_1171 : memref<1x8x1024xf32, #tpu.memory_space<vmem>> -> memref<8x1024xf32, #tpu.memory_space<vmem>>
        %dma_start3A_1173 = arith.constant 0 : i32
        %dma_start3A_1174 = tpu.memref_slice %arg2[%dma_start3A_1160, %add3A_1111, %dma_start3A_1173] : memref<4x8192x1024xf32, #tpu.memory_space<hbm>> -> memref<1x8x1024xf32, #tpu.memory_space<hbm>>
        %dma_start3A_1175 = tpu.memref_squeeze %dma_start3A_1174 : memref<1x8x1024xf32, #tpu.memory_space<hbm>> -> memref<8x1024xf32, #tpu.memory_space<hbm>>
        tpu.enqueue_dma source(%dma_start3A_1175 : memref<8x1024xf32, #tpu.memory_space<hbm>>) target(%dma_start3A_1172 : memref<8x1024xf32, #tpu.memory_space<vmem>>) target_semaphore(%arg12 : memref<!tpu.dma_semaphore, #tpu.memory_space<semaphore_mem>>)
        %dma_start3A_1176 = arith.constant 0 : i32
        %dma_start3A_1177 = tpu.memref_slice %arg3[%add3A_1111, %dma_start3A_1176] : memref<8192x1024xf32, #tpu.memory_space<hbm>> -> memref<8x1024xf32, #tpu.memory_space<hbm>>
        %dma_start3A_1178 = arith.constant 0 : i32
        %dma_start3A_1179 = tpu.memref_slice %arg3[%add3A_1111, %dma_start3A_1178] : memref<8192x1024xf32, #tpu.memory_space<hbm>> -> memref<8x1024xf32, #tpu.memory_space<hbm>>
        tpu.enqueue_dma source(%dma_start3A_1179 : memref<8x1024xf32, #tpu.memory_space<hbm>>) target(%arg9 : memref<8x1024xf32, #tpu.memory_space<vmem>>) target_semaphore(%arg12 : memref<!tpu.dma_semaphore, #tpu.memory_space<semaphore_mem>>)
      } else {
      }
      %scan3A_1032 = arith.constant 0 : i32
      %scan3A_1033 = arith.constant 0 : i32
      %scan3A_1034 = arith.constant 8 : i32
      %scan3A_1035 = arith.addi %scan3A_1033, %scan3A_1034 : i32
      %scan3A_1036 = arith.constant 1 : i32
      %scan3A_1037 = scf.for %scan3A_1107 = %scan3A_1033 to %scan3A_1035 step %scan3A_1036 iter_args(%scan3A_1108 = %scan3A_1032) -> (i32)  : i32 {
        %parallel_loop3A = arith.constant 0 : i32
        %parallel_loop3A_1109 = arith.constant 64 : i32
        %parallel_loop3A_1110 = arith.constant 1 : i32
        scf.for %parallel_loop3A_1112 = %parallel_loop3A to %parallel_loop3A_1109 step %parallel_loop3A_1110  : i32 {
          %parallel_loop3A_1113 = arith.constant 16 : i32
          %parallel_loop3A_1114 = arith.muli %parallel_loop3A_1112, %parallel_loop3A_1113 : i32
          %parallel_loop3A_1115 = arith.index_cast %scan3A_1107 : i32 to index
          %parallel_loop3A_1116 = arith.index_cast %parallel_loop3A_1114 : i32 to index
          %parallel_loop3A_1117 = tpu.vector_load %arg10[%parallel_loop3A_1115, %parallel_loop3A_1116] {strides = array<i32>} : memref<8x1024xf32, #tpu.memory_space<vmem>>, vector<1x16xf32>,
          %parallel_loop3A_1118 = vector.shape_cast %parallel_loop3A_1117 : vector<1x16xf32> to vector<16xf32>
          %parallel_loop3A_1119 = arith.constant 0 : i32
          %parallel_loop3A_1120 = arith.index_cast %parallel_loop3A_1119 : i32 to index
          %parallel_loop3A_1121 = arith.index_cast %scan3A_1107 : i32 to index
          %parallel_loop3A_1122 = arith.index_cast %parallel_loop3A_1114 : i32 to index
          %parallel_loop3A_1123 = tpu.vector_load %arg7[%parallel_loop3A_1120, %parallel_loop3A_1121, %parallel_loop3A_1122] {strides = array<i32>} : memref<4x8x1024xf32, #tpu.memory_space<vmem>>, vector<1x1x16xf32>,
          %parallel_loop3A_1124 = vector.shape_cast %parallel_loop3A_1123 : vector<1x1x16xf32> to vector<16xf32>
          %parallel_loop3A_1125 = vector.shape_cast %parallel_loop3A_1118 : vector<16xf32> to vector<1x1x16xf32>
          tpu.vector_store %arg7[%parallel_loop3A_1120, %parallel_loop3A_1121, %parallel_loop3A_1122], %parallel_loop3A_1125 {add = true, strides = array<i32>} : memref<4x8x1024xf32, #tpu.memory_space<vmem>>, vector<1x1x16xf32>,
          %parallel_loop3A_1126 = arith.constant 1 : i32
          %parallel_loop3A_1127 = arith.index_cast %parallel_loop3A_1126 : i32 to index
          %parallel_loop3A_1128 = arith.index_cast %scan3A_1107 : i32 to index
          %parallel_loop3A_1129 = arith.index_cast %parallel_loop3A_1114 : i32 to index
          %parallel_loop3A_1130 = tpu.vector_load %arg7[%parallel_loop3A_1127, %parallel_loop3A_1128, %parallel_loop3A_1129] {strides = array<i32>} : memref<4x8x1024xf32, #tpu.memory_space<vmem>>, vector<1x1x16xf32>,
          %parallel_loop3A_1131 = vector.shape_cast %parallel_loop3A_1130 : vector<1x1x16xf32> to vector<16xf32>
          %parallel_loop3A_1132 = vector.shape_cast %parallel_loop3A_1118 : vector<16xf32> to vector<1x1x16xf32>
          tpu.vector_store %arg7[%parallel_loop3A_1127, %parallel_loop3A_1128, %parallel_loop3A_1129], %parallel_loop3A_1132 {add = true, strides = array<i32>} : memref<4x8x1024xf32, #tpu.memory_space<vmem>>, vector<1x1x16xf32>,
          %parallel_loop3A_1133 = arith.constant 2 : i32
          %parallel_loop3A_1134 = arith.index_cast %parallel_loop3A_1133 : i32 to index
          %parallel_loop3A_1135 = arith.index_cast %scan3A_1107 : i32 to index
          %parallel_loop3A_1136 = arith.index_cast %parallel_loop3A_1114 : i32 to index
          %parallel_loop3A_1137 = tpu.vector_load %arg7[%parallel_loop3A_1134, %parallel_loop3A_1135, %parallel_loop3A_1136] {strides = array<i32>} : memref<4x8x1024xf32, #tpu.memory_space<vmem>>, vector<1x1x16xf32>,
          %parallel_loop3A_1138 = vector.shape_cast %parallel_loop3A_1137 : vector<1x1x16xf32> to vector<16xf32>
          %parallel_loop3A_1139 = vector.shape_cast %parallel_loop3A_1118 : vector<16xf32> to vector<1x1x16xf32>
          tpu.vector_store %arg7[%parallel_loop3A_1134, %parallel_loop3A_1135, %parallel_loop3A_1136], %parallel_loop3A_1139 {add = true, strides = array<i32>} : memref<4x8x1024xf32, #tpu.memory_space<vmem>>, vector<1x1x16xf32>,
          %parallel_loop3A_1140 = arith.constant 3 : i32
          %parallel_loop3A_1141 = arith.index_cast %parallel_loop3A_1140 : i32 to index
          %parallel_loop3A_1142 = arith.index_cast %scan3A_1107 : i32 to index
          %parallel_loop3A_1143 = arith.index_cast %parallel_loop3A_1114 : i32 to index
          %parallel_loop3A_1144 = tpu.vector_load %arg7[%parallel_loop3A_1141, %parallel_loop3A_1142, %parallel_loop3A_1143] {strides = array<i32>} : memref<4x8x1024xf32, #tpu.memory_space<vmem>>, vector<1x1x16xf32>,
          %parallel_loop3A_1145 = vector.shape_cast %parallel_loop3A_1144 : vector<1x1x16xf32> to vector<16xf32>
          %parallel_loop3A_1146 = vector.shape_cast %parallel_loop3A_1118 : vector<16xf32> to vector<1x1x16xf32>
          tpu.vector_store %arg7[%parallel_loop3A_1141, %parallel_loop3A_1142, %parallel_loop3A_1143], %parallel_loop3A_1146 {add = true, strides = array<i32>} : memref<4x8x1024xf32, #tpu.memory_space<vmem>>, vector<1x1x16xf32>,
        } {sc.loop_unroll_factor = 8 : i64, sc.parallel_access}
        %scan3A_1111 = arith.constant 0 : i32
        scf.yield %scan3A_1111 : i32
      }
      %scan3A_1038 = arith.constant 8 : i32
      %mul3A_1039 = arith.constant 8 : i32
      %mul3A_1040 = arith.muli %add3A_948, %mul3A_1039 : i32
      %add3A_1041 = arith.addi %mul3A_2, %mul3A_1040 : i32
      %dma_start3A_1042 = arith.constant 0 : i32
      %dma_start3A_1043 = arith.constant 0 : i32
      %dma_start3A_1044 = arith.constant 0 : i32
      %dma_start3A_1045 = arith.constant 0 : i32
      %dma_start3A_1046 = tpu.memref_slice %arg7[%dma_start3A_1042, %dma_start3A_1044, %dma_start3A_1045] : memref<4x8x1024xf32, #tpu.memory_space<vmem>> -> memref<1x8x1024xf32, #tpu.memory_space<vmem>>
      %dma_start3A_1047 = tpu.memref_squeeze %dma_start3A_1046 : memref<1x8x1024xf32, #tpu.memory_space<vmem>> -> memref<8x1024xf32, #tpu.memory_space<vmem>>
      %dma_start3A_1048 = arith.constant 0 : i32
      %dma_start3A_1049 = tpu.memref_slice %arg4[%dma_start3A_1043, %add3A_1041, %dma_start3A_1048] : memref<4x8192x1024xf32, #tpu.memory_space<hbm>> -> memref<1x8x1024xf32, #tpu.memory_space<hbm>>
      %dma_start3A_1050 = tpu.memref_squeeze %dma_start3A_1049 : memref<1x8x1024xf32, #tpu.memory_space<hbm>> -> memref<8x1024xf32, #tpu.memory_space<hbm>>
      %dma_start3A_1051 = arith.constant 0 : i32
      %dma_start3A_1052 = tpu.memref_slice %arg4[%dma_start3A_1043, %add3A_1041, %dma_start3A_1051] : memref<4x8192x1024xf32, #tpu.memory_space<hbm>> -> memref<1x8x1024xf32, #tpu.memory_space<hbm>>
      %dma_start3A_1053 = tpu.memref_squeeze %dma_start3A_1052 : memref<1x8x1024xf32, #tpu.memory_space<hbm>> -> memref<8x1024xf32, #tpu.memory_space<hbm>>
      %dma_start3A_1054 = arith.constant 0 : i32
      %dma_start3A_1055 = arith.constant 0 : i32
      %dma_start3A_1056 = tpu.memref_slice %arg7[%dma_start3A_1042, %dma_start3A_1054, %dma_start3A_1055] : memref<4x8x1024xf32, #tpu.memory_space<vmem>> -> memref<1x8x1024xf32, #tpu.memory_space<vmem>>
      %dma_start3A_1057 = tpu.memref_squeeze %dma_start3A_1056 : memref<1x8x1024xf32, #tpu.memory_space<vmem>> -> memref<8x1024xf32, #tpu.memory_space<vmem>>
      tpu.enqueue_dma source(%dma_start3A_1057 : memref<8x1024xf32, #tpu.memory_space<vmem>>) target(%dma_start3A_1053 : memref<8x1024xf32, #tpu.memory_space<hbm>>) target_semaphore(%arg16 : memref<!tpu.dma_semaphore, #tpu.memory_space<semaphore_mem>>)
      %dma_start3A_1058 = arith.constant 1 : i32
      %dma_start3A_1059 = arith.constant 1 : i32
      %dma_start3A_1060 = arith.constant 0 : i32
      %dma_start3A_1061 = arith.constant 0 : i32
      %dma_start3A_1062 = tpu.memref_slice %arg7[%dma_start3A_1058, %dma_start3A_1060, %dma_start3A_1061] : memref<4x8x1024xf32, #tpu.memory_space<vmem>> -> memref<1x8x1024xf32, #tpu.memory_space<vmem>>
      %dma_start3A_1063 = tpu.memref_squeeze %dma_start3A_1062 : memref<1x8x1024xf32, #tpu.memory_space<vmem>> -> memref<8x1024xf32, #tpu.memory_space<vmem>>
      %dma_start3A_1064 = arith.constant 0 : i32
      %dma_start3A_1065 = tpu.memref_slice %arg4[%dma_start3A_1059, %add3A_1041, %dma_start3A_1064] : memref<4x8192x1024xf32, #tpu.memory_space<hbm>> -> memref<1x8x1024xf32, #tpu.memory_space<hbm>>
      %dma_start3A_1066 = tpu.memref_squeeze %dma_start3A_1065 : memref<1x8x1024xf32, #tpu.memory_space<hbm>> -> memref<8x1024xf32, #tpu.memory_space<hbm>>
      %dma_start3A_1067 = arith.constant 0 : i32
      %dma_start3A_1068 = tpu.memref_slice %arg4[%dma_start3A_1059, %add3A_1041, %dma_start3A_1067] : memref<4x8192x1024xf32, #tpu.memory_space<hbm>> -> memref<1x8x1024xf32, #tpu.memory_space<hbm>>
      %dma_start3A_1069 = tpu.memref_squeeze %dma_start3A_1068 : memref<1x8x1024xf32, #tpu.memory_space<hbm>> -> memref<8x1024xf32, #tpu.memory_space<hbm>>
      %dma_start3A_1070 = arith.constant 0 : i32
      %dma_start3A_1071 = arith.constant 0 : i32
      %dma_start3A_1072 = tpu.memref_slice %arg7[%dma_start3A_1058, %dma_start3A_1070, %dma_start3A_1071] : memref<4x8x1024xf32, #tpu.memory_space<vmem>> -> memref<1x8x1024xf32, #tpu.memory_space<vmem>>
      %dma_start3A_1073 = tpu.memref_squeeze %dma_start3A_1072 : memref<1x8x1024xf32, #tpu.memory_space<vmem>> -> memref<8x1024xf32, #tpu.memory_space<vmem>>
      tpu.enqueue_dma source(%dma_start3A_1073 : memref<8x1024xf32, #tpu.memory_space<vmem>>) target(%dma_start3A_1069 : memref<8x1024xf32, #tpu.memory_space<hbm>>) target_semaphore(%arg16 : memref<!tpu.dma_semaphore, #tpu.memory_space<semaphore_mem>>)
      %dma_start3A_1074 = arith.constant 2 : i32
      %dma_start3A_1075 = arith.constant 2 : i32
      %dma_start3A_1076 = arith.constant 0 : i32
      %dma_start3A_1077 = arith.constant 0 : i32
      %dma_start3A_1078 = tpu.memref_slice %arg7[%dma_start3A_1074, %dma_start3A_1076, %dma_start3A_1077] : memref<4x8x1024xf32, #tpu.memory_space<vmem>> -> memref<1x8x1024xf32, #tpu.memory_space<vmem>>
      %dma_start3A_1079 = tpu.memref_squeeze %dma_start3A_1078 : memref<1x8x1024xf32, #tpu.memory_space<vmem>> -> memref<8x1024xf32, #tpu.memory_space<vmem>>
      %dma_start3A_1080 = arith.constant 0 : i32
      %dma_start3A_1081 = tpu.memref_slice %arg4[%dma_start3A_1075, %add3A_1041, %dma_start3A_1080] : memref<4x8192x1024xf32, #tpu.memory_space<hbm>> -> memref<1x8x1024xf32, #tpu.memory_space<hbm>>
      %dma_start3A_1082 = tpu.memref_squeeze %dma_start3A_1081 : memref<1x8x1024xf32, #tpu.memory_space<hbm>> -> memref<8x1024xf32, #tpu.memory_space<hbm>>
      %dma_start3A_1083 = arith.constant 0 : i32
      %dma_start3A_1084 = tpu.memref_slice %arg4[%dma_start3A_1075, %add3A_1041, %dma_start3A_1083] : memref<4x8192x1024xf32, #tpu.memory_space<hbm>> -> memref<1x8x1024xf32, #tpu.memory_space<hbm>>
      %dma_start3A_1085 = tpu.memref_squeeze %dma_start3A_1084 : memref<1x8x1024xf32, #tpu.memory_space<hbm>> -> memref<8x1024xf32, #tpu.memory_space<hbm>>
      %dma_start3A_1086 = arith.constant 0 : i32
      %dma_start3A_1087 = arith.constant 0 : i32
      %dma_start3A_1088 = tpu.memref_slice %arg7[%dma_start3A_1074, %dma_start3A_1086, %dma_start3A_1087] : memref<4x8x1024xf32, #tpu.memory_space<vmem>> -> memref<1x8x1024xf32, #tpu.memory_space<vmem>>
      %dma_start3A_1089 = tpu.memref_squeeze %dma_start3A_1088 : memref<1x8x1024xf32, #tpu.memory_space<vmem>> -> memref<8x1024xf32, #tpu.memory_space<vmem>>
      tpu.enqueue_dma source(%dma_start3A_1089 : memref<8x1024xf32, #tpu.memory_space<vmem>>) target(%dma_start3A_1085 : memref<8x1024xf32, #tpu.memory_space<hbm>>) target_semaphore(%arg16 : memref<!tpu.dma_semaphore, #tpu.memory_space<semaphore_mem>>)
      %dma_start3A_1090 = arith.constant 3 : i32
      %dma_start3A_1091 = arith.constant 3 : i32
      %dma_start3A_1092 = arith.constant 0 : i32
      %dma_start3A_1093 = arith.constant 0 : i32
      %dma_start3A_1094 = tpu.memref_slice %arg7[%dma_start3A_1090, %dma_start3A_1092, %dma_start3A_1093] : memref<4x8x1024xf32, #tpu.memory_space<vmem>> -> memref<1x8x1024xf32, #tpu.memory_space<vmem>>
      %dma_start3A_1095 = tpu.memref_squeeze %dma_start3A_1094 : memref<1x8x1024xf32, #tpu.memory_space<vmem>> -> memref<8x1024xf32, #tpu.memory_space<vmem>>
      %dma_start3A_1096 = arith.constant 0 : i32
      %dma_start3A_1097 = tpu.memref_slice %arg4[%dma_start3A_1091, %add3A_1041, %dma_start3A_1096] : memref<4x8192x1024xf32, #tpu.memory_space<hbm>> -> memref<1x8x1024xf32, #tpu.memory_space<hbm>>
      %dma_start3A_1098 = tpu.memref_squeeze %dma_start3A_1097 : memref<1x8x1024xf32, #tpu.memory_space<hbm>> -> memref<8x1024xf32, #tpu.memory_space<hbm>>
      %dma_start3A_1099 = arith.constant 0 : i32
      %dma_start3A_1100 = tpu.memref_slice %arg4[%dma_start3A_1091, %add3A_1041, %dma_start3A_1099] : memref<4x8192x1024xf32, #tpu.memory_space<hbm>> -> memref<1x8x1024xf32, #tpu.memory_space<hbm>>
      %dma_start3A_1101 = tpu.memref_squeeze %dma_start3A_1100 : memref<1x8x1024xf32, #tpu.memory_space<hbm>> -> memref<8x1024xf32, #tpu.memory_space<hbm>>
      %dma_start3A_1102 = arith.constant 0 : i32
      %dma_start3A_1103 = arith.constant 0 : i32
      %dma_start3A_1104 = tpu.memref_slice %arg7[%dma_start3A_1090, %dma_start3A_1102, %dma_start3A_1103] : memref<4x8x1024xf32, #tpu.memory_space<vmem>> -> memref<1x8x1024xf32, #tpu.memory_space<vmem>>
      %dma_start3A_1105 = tpu.memref_squeeze %dma_start3A_1104 : memref<1x8x1024xf32, #tpu.memory_space<vmem>> -> memref<8x1024xf32, #tpu.memory_space<vmem>>
      tpu.enqueue_dma source(%dma_start3A_1105 : memref<8x1024xf32, #tpu.memory_space<vmem>>) target(%dma_start3A_1101 : memref<8x1024xf32, #tpu.memory_space<hbm>>) target_semaphore(%arg16 : memref<!tpu.dma_semaphore, #tpu.memory_space<semaphore_mem>>)
      %scan3A_1106 = arith.constant 0 : i32
      scf.yield %scan3A_1106 : i32
    }
    %scan3A_147 = arith.constant 10 : i32
    %add3A_148 = arith.constant 240 : i32
    %add3A_149 = arith.addi %mul3A_2, %add3A_148 : i32
    %dma_wait3A = arith.constant 0 : i32
    %dma_wait3A_150 = arith.constant 0 : i32
    %dma_wait3A_151 = arith.constant 0 : i32
    %dma_wait3A_152 = arith.constant 0 : i32
    %dma_wait3A_153 = tpu.memref_slice %arg5[%dma_wait3A_150, %dma_wait3A_151, %dma_wait3A_152] : memref<4x8x1024xf32, #tpu.memory_space<vmem>> -> memref<1x8x1024xf32, #tpu.memory_space<vmem>>
    %dma_wait3A_154 = tpu.memref_squeeze %dma_wait3A_153 : memref<1x8x1024xf32, #tpu.memory_space<vmem>> -> memref<8x1024xf32, #tpu.memory_space<vmem>>
    %dma_wait3A_155 = arith.constant 0 : i32
    %dma_wait3A_156 = tpu.memref_slice %arg2[%dma_wait3A, %add3A_149, %dma_wait3A_155] : memref<4x8192x1024xf32, #tpu.memory_space<hbm>> -> memref<1x8x1024xf32, #tpu.memory_space<hbm>>
    %dma_wait3A_157 = tpu.memref_squeeze %dma_wait3A_156 : memref<1x8x1024xf32, #tpu.memory_space<hbm>> -> memref<8x1024xf32, #tpu.memory_space<hbm>>
    %dma_wait3A_158 = arith.constant 0 : i32
    %dma_wait3A_159 = arith.constant 0 : i32
    %dma_wait3A_160 = tpu.memref_slice %arg5[%dma_wait3A_150, %dma_wait3A_158, %dma_wait3A_159] : memref<4x8x1024xf32, #tpu.memory_space<vmem>> -> memref<1x8x1024xf32, #tpu.memory_space<vmem>>
    %dma_wait3A_161 = tpu.memref_squeeze %dma_wait3A_160 : memref<1x8x1024xf32, #tpu.memory_space<vmem>> -> memref<8x1024xf32, #tpu.memory_space<vmem>>
    %dma_wait3A_162 = arith.constant 0 : i32
    %dma_wait3A_163 = tpu.memref_slice %arg2[%dma_wait3A, %add3A_149, %dma_wait3A_162] : memref<4x8192x1024xf32, #tpu.memory_space<hbm>> -> memref<1x8x1024xf32, #tpu.memory_space<hbm>>
    %dma_wait3A_164 = tpu.memref_squeeze %dma_wait3A_163 : memref<1x8x1024xf32, #tpu.memory_space<hbm>> -> memref<8x1024xf32, #tpu.memory_space<hbm>>
    tpu.wait_dma2 semaphore(%arg11 : memref<!tpu.dma_semaphore, #tpu.memory_space<semaphore_mem>>) src(%dma_wait3A_164 : memref<8x1024xf32, #tpu.memory_space<hbm>>) dst(%dma_wait3A_161 : memref<8x1024xf32, #tpu.memory_space<vmem>>)
    %dma_wait3A_165 = arith.constant 1 : i32
    %dma_wait3A_166 = arith.constant 1 : i32
    %dma_wait3A_167 = arith.constant 0 : i32
    %dma_wait3A_168 = arith.constant 0 : i32
    %dma_wait3A_169 = tpu.memref_slice %arg5[%dma_wait3A_166, %dma_wait3A_167, %dma_wait3A_168] : memref<4x8x1024xf32, #tpu.memory_space<vmem>> -> memref<1x8x1024xf32, #tpu.memory_space<vmem>>
    %dma_wait3A_170 = tpu.memref_squeeze %dma_wait3A_169 : memref<1x8x1024xf32, #tpu.memory_space<vmem>> -> memref<8x1024xf32, #tpu.memory_space<vmem>>
    %dma_wait3A_171 = arith.constant 0 : i32
    %dma_wait3A_172 = tpu.memref_slice %arg2[%dma_wait3A_165, %add3A_149, %dma_wait3A_171] : memref<4x8192x1024xf32, #tpu.memory_space<hbm>> -> memref<1x8x1024xf32, #tpu.memory_space<hbm>>
    %dma_wait3A_173 = tpu.memref_squeeze %dma_wait3A_172 : memref<1x8x1024xf32, #tpu.memory_space<hbm>> -> memref<8x1024xf32, #tpu.memory_space<hbm>>
    %dma_wait3A_174 = arith.constant 0 : i32
    %dma_wait3A_175 = arith.constant 0 : i32
    %dma_wait3A_176 = tpu.memref_slice %arg5[%dma_wait3A_166, %dma_wait3A_174, %dma_wait3A_175] : memref<4x8x1024xf32, #tpu.memory_space<vmem>> -> memref<1x8x1024xf32, #tpu.memory_space<vmem>>
    %dma_wait3A_177 = tpu.memref_squeeze %dma_wait3A_176 : memref<1x8x1024xf32, #tpu.memory_space<vmem>> -> memref<8x1024xf32, #tpu.memory_space<vmem>>
    %dma_wait3A_178 = arith.constant 0 : i32
    %dma_wait3A_179 = tpu.memref_slice %arg2[%dma_wait3A_165, %add3A_149, %dma_wait3A_178] : memref<4x8192x1024xf32, #tpu.memory_space<hbm>> -> memref<1x8x1024xf32, #tpu.memory_space<hbm>>
    %dma_wait3A_180 = tpu.memref_squeeze %dma_wait3A_179 : memref<1x8x1024xf32, #tpu.memory_space<hbm>> -> memref<8x1024xf32, #tpu.memory_space<hbm>>
    tpu.wait_dma2 semaphore(%arg11 : memref<!tpu.dma_semaphore, #tpu.memory_space<semaphore_mem>>) src(%dma_wait3A_180 : memref<8x1024xf32, #tpu.memory_space<hbm>>) dst(%dma_wait3A_177 : memref<8x1024xf32, #tpu.memory_space<vmem>>)
    %dma_wait3A_181 = arith.constant 2 : i32
    %dma_wait3A_182 = arith.constant 2 : i32
    %dma_wait3A_183 = arith.constant 0 : i32
    %dma_wait3A_184 = arith.constant 0 : i32
    %dma_wait3A_185 = tpu.memref_slice %arg5[%dma_wait3A_182, %dma_wait3A_183, %dma_wait3A_184] : memref<4x8x1024xf32, #tpu.memory_space<vmem>> -> memref<1x8x1024xf32, #tpu.memory_space<vmem>>
    %dma_wait3A_186 = tpu.memref_squeeze %dma_wait3A_185 : memref<1x8x1024xf32, #tpu.memory_space<vmem>> -> memref<8x1024xf32, #tpu.memory_space<vmem>>
    %dma_wait3A_187 = arith.constant 0 : i32
    %dma_wait3A_188 = tpu.memref_slice %arg2[%dma_wait3A_181, %add3A_149, %dma_wait3A_187] : memref<4x8192x1024xf32, #tpu.memory_space<hbm>> -> memref<1x8x1024xf32, #tpu.memory_space<hbm>>
    %dma_wait3A_189 = tpu.memref_squeeze %dma_wait3A_188 : memref<1x8x1024xf32, #tpu.memory_space<hbm>> -> memref<8x1024xf32, #tpu.memory_space<hbm>>
    %dma_wait3A_190 = arith.constant 0 : i32
    %dma_wait3A_191 = arith.constant 0 : i32
    %dma_wait3A_192 = tpu.memref_slice %arg5[%dma_wait3A_182, %dma_wait3A_190, %dma_wait3A_191] : memref<4x8x1024xf32, #tpu.memory_space<vmem>> -> memref<1x8x1024xf32, #tpu.memory_space<vmem>>
    %dma_wait3A_193 = tpu.memref_squeeze %dma_wait3A_192 : memref<1x8x1024xf32, #tpu.memory_space<vmem>> -> memref<8x1024xf32, #tpu.memory_space<vmem>>
    %dma_wait3A_194 = arith.constant 0 : i32
    %dma_wait3A_195 = tpu.memref_slice %arg2[%dma_wait3A_181, %add3A_149, %dma_wait3A_194] : memref<4x8192x1024xf32, #tpu.memory_space<hbm>> -> memref<1x8x1024xf32, #tpu.memory_space<hbm>>
    %dma_wait3A_196 = tpu.memref_squeeze %dma_wait3A_195 : memref<1x8x1024xf32, #tpu.memory_space<hbm>> -> memref<8x1024xf32, #tpu.memory_space<hbm>>
    tpu.wait_dma2 semaphore(%arg11 : memref<!tpu.dma_semaphore, #tpu.memory_space<semaphore_mem>>) src(%dma_wait3A_196 : memref<8x1024xf32, #tpu.memory_space<hbm>>) dst(%dma_wait3A_193 : memref<8x1024xf32, #tpu.memory_space<vmem>>)
    %dma_wait3A_197 = arith.constant 3 : i32
    %dma_wait3A_198 = arith.constant 3 : i32
    %dma_wait3A_199 = arith.constant 0 : i32
    %dma_wait3A_200 = arith.constant 0 : i32
    %dma_wait3A_201 = tpu.memref_slice %arg5[%dma_wait3A_198, %dma_wait3A_199, %dma_wait3A_200] : memref<4x8x1024xf32, #tpu.memory_space<vmem>> -> memref<1x8x1024xf32, #tpu.memory_space<vmem>>
    %dma_wait3A_202 = tpu.memref_squeeze %dma_wait3A_201 : memref<1x8x1024xf32, #tpu.memory_space<vmem>> -> memref<8x1024xf32, #tpu.memory_space<vmem>>
    %dma_wait3A_203 = arith.constant 0 : i32
    %dma_wait3A_204 = tpu.memref_slice %arg2[%dma_wait3A_197, %add3A_149, %dma_wait3A_203] : memref<4x8192x1024xf32, #tpu.memory_space<hbm>> -> memref<1x8x1024xf32, #tpu.memory_space<hbm>>
    %dma_wait3A_205 = tpu.memref_squeeze %dma_wait3A_204 : memref<1x8x1024xf32, #tpu.memory_space<hbm>> -> memref<8x1024xf32, #tpu.memory_space<hbm>>
    %dma_wait3A_206 = arith.constant 0 : i32
    %dma_wait3A_207 = arith.constant 0 : i32
    %dma_wait3A_208 = tpu.memref_slice %arg5[%dma_wait3A_198, %dma_wait3A_206, %dma_wait3A_207] : memref<4x8x1024xf32, #tpu.memory_space<vmem>> -> memref<1x8x1024xf32, #tpu.memory_space<vmem>>
    %dma_wait3A_209 = tpu.memref_squeeze %dma_wait3A_208 : memref<1x8x1024xf32, #tpu.memory_space<vmem>> -> memref<8x1024xf32, #tpu.memory_space<vmem>>
    %dma_wait3A_210 = arith.constant 0 : i32
    %dma_wait3A_211 = tpu.memref_slice %arg2[%dma_wait3A_197, %add3A_149, %dma_wait3A_210] : memref<4x8192x1024xf32, #tpu.memory_space<hbm>> -> memref<1x8x1024xf32, #tpu.memory_space<hbm>>
    %dma_wait3A_212 = tpu.memref_squeeze %dma_wait3A_211 : memref<1x8x1024xf32, #tpu.memory_space<hbm>> -> memref<8x1024xf32, #tpu.memory_space<hbm>>
    tpu.wait_dma2 semaphore(%arg11 : memref<!tpu.dma_semaphore, #tpu.memory_space<semaphore_mem>>) src(%dma_wait3A_212 : memref<8x1024xf32, #tpu.memory_space<hbm>>) dst(%dma_wait3A_209 : memref<8x1024xf32, #tpu.memory_space<vmem>>)
    %dma_wait3A_213 = arith.constant 0 : i32
    %dma_wait3A_214 = tpu.memref_slice %arg3[%add3A_149, %dma_wait3A_213] : memref<8192x1024xf32, #tpu.memory_space<hbm>> -> memref<8x1024xf32, #tpu.memory_space<hbm>>
    %dma_wait3A_215 = arith.constant 0 : i32
    %dma_wait3A_216 = tpu.memref_slice %arg3[%add3A_149, %dma_wait3A_215] : memref<8192x1024xf32, #tpu.memory_space<hbm>> -> memref<8x1024xf32, #tpu.memory_space<hbm>>
    tpu.wait_dma2 semaphore(%arg11 : memref<!tpu.dma_semaphore, #tpu.memory_space<semaphore_mem>>) src(%dma_wait3A_216 : memref<8x1024xf32, #tpu.memory_space<hbm>>) dst(%arg8 : memref<8x1024xf32, #tpu.memory_space<vmem>>)
    %add3A_217 = arith.constant 232 : i32
    %add3A_218 = arith.addi %mul3A_2, %add3A_217 : i32
    %dma_wait3A_219 = arith.constant 0 : i32
    %dma_wait3A_220 = arith.constant 0 : i32
    %dma_wait3A_221 = arith.constant 0 : i32
    %dma_wait3A_222 = arith.constant 0 : i32
    %dma_wait3A_223 = tpu.memref_slice %arg7[%dma_wait3A_219, %dma_wait3A_221, %dma_wait3A_222] : memref<4x8x1024xf32, #tpu.memory_space<vmem>> -> memref<1x8x1024xf32, #tpu.memory_space<vmem>>
    %dma_wait3A_224 = tpu.memref_squeeze %dma_wait3A_223 : memref<1x8x1024xf32, #tpu.memory_space<vmem>> -> memref<8x1024xf32, #tpu.memory_space<vmem>>
    %dma_wait3A_225 = arith.constant 0 : i32
    %dma_wait3A_226 = tpu.memref_slice %arg4[%dma_wait3A_220, %add3A_218, %dma_wait3A_225] : memref<4x8192x1024xf32, #tpu.memory_space<hbm>> -> memref<1x8x1024xf32, #tpu.memory_space<hbm>>
    %dma_wait3A_227 = tpu.memref_squeeze %dma_wait3A_226 : memref<1x8x1024xf32, #tpu.memory_space<hbm>> -> memref<8x1024xf32, #tpu.memory_space<hbm>>
    %dma_wait3A_228 = arith.constant 0 : i32
    %dma_wait3A_229 = tpu.memref_slice %arg4[%dma_wait3A_220, %add3A_218, %dma_wait3A_228] : memref<4x8192x1024xf32, #tpu.memory_space<hbm>> -> memref<1x8x1024xf32, #tpu.memory_space<hbm>>
    %dma_wait3A_230 = tpu.memref_squeeze %dma_wait3A_229 : memref<1x8x1024xf32, #tpu.memory_space<hbm>> -> memref<8x1024xf32, #tpu.memory_space<hbm>>
    %dma_wait3A_231 = arith.constant 0 : i32
    %dma_wait3A_232 = arith.constant 0 : i32
    %dma_wait3A_233 = tpu.memref_slice %arg7[%dma_wait3A_219, %dma_wait3A_231, %dma_wait3A_232] : memref<4x8x1024xf32, #tpu.memory_space<vmem>> -> memref<1x8x1024xf32, #tpu.memory_space<vmem>>
    %dma_wait3A_234 = tpu.memref_squeeze %dma_wait3A_233 : memref<1x8x1024xf32, #tpu.memory_space<vmem>> -> memref<8x1024xf32, #tpu.memory_space<vmem>>
    tpu.wait_dma2 semaphore(%arg16 : memref<!tpu.dma_semaphore, #tpu.memory_space<semaphore_mem>>) src(%dma_wait3A_234 : memref<8x1024xf32, #tpu.memory_space<vmem>>) dst(%dma_wait3A_230 : memref<8x1024xf32, #tpu.memory_space<hbm>>)
    %dma_wait3A_235 = arith.constant 1 : i32
    %dma_wait3A_236 = arith.constant 1 : i32
    %dma_wait3A_237 = arith.constant 0 : i32
    %dma_wait3A_238 = arith.constant 0 : i32
    %dma_wait3A_239 = tpu.memref_slice %arg7[%dma_wait3A_235, %dma_wait3A_237, %dma_wait3A_238] : memref<4x8x1024xf32, #tpu.memory_space<vmem>> -> memref<1x8x1024xf32, #tpu.memory_space<vmem>>
    %dma_wait3A_240 = tpu.memref_squeeze %dma_wait3A_239 : memref<1x8x1024xf32, #tpu.memory_space<vmem>> -> memref<8x1024xf32, #tpu.memory_space<vmem>>
    %dma_wait3A_241 = arith.constant 0 : i32
    %dma_wait3A_242 = tpu.memref_slice %arg4[%dma_wait3A_236, %add3A_218, %dma_wait3A_241] : memref<4x8192x1024xf32, #tpu.memory_space<hbm>> -> memref<1x8x1024xf32, #tpu.memory_space<hbm>>
    %dma_wait3A_243 = tpu.memref_squeeze %dma_wait3A_242 : memref<1x8x1024xf32, #tpu.memory_space<hbm>> -> memref<8x1024xf32, #tpu.memory_space<hbm>>
    %dma_wait3A_244 = arith.constant 0 : i32
    %dma_wait3A_245 = tpu.memref_slice %arg4[%dma_wait3A_236, %add3A_218, %dma_wait3A_244] : memref<4x8192x1024xf32, #tpu.memory_space<hbm>> -> memref<1x8x1024xf32, #tpu.memory_space<hbm>>
    %dma_wait3A_246 = tpu.memref_squeeze %dma_wait3A_245 : memref<1x8x1024xf32, #tpu.memory_space<hbm>> -> memref<8x1024xf32, #tpu.memory_space<hbm>>
    %dma_wait3A_247 = arith.constant 0 : i32
    %dma_wait3A_248 = arith.constant 0 : i32
    %dma_wait3A_249 = tpu.memref_slice %arg7[%dma_wait3A_235, %dma_wait3A_247, %dma_wait3A_248] : memref<4x8x1024xf32, #tpu.memory_space<vmem>> -> memref<1x8x1024xf32, #tpu.memory_space<vmem>>
    %dma_wait3A_250 = tpu.memref_squeeze %dma_wait3A_249 : memref<1x8x1024xf32, #tpu.memory_space<vmem>> -> memref<8x1024xf32, #tpu.memory_space<vmem>>
    tpu.wait_dma2 semaphore(%arg16 : memref<!tpu.dma_semaphore, #tpu.memory_space<semaphore_mem>>) src(%dma_wait3A_250 : memref<8x1024xf32, #tpu.memory_space<vmem>>) dst(%dma_wait3A_246 : memref<8x1024xf32, #tpu.memory_space<hbm>>)
    %dma_wait3A_251 = arith.constant 2 : i32
    %dma_wait3A_252 = arith.constant 2 : i32
    %dma_wait3A_253 = arith.constant 0 : i32
    %dma_wait3A_254 = arith.constant 0 : i32
    %dma_wait3A_255 = tpu.memref_slice %arg7[%dma_wait3A_251, %dma_wait3A_253, %dma_wait3A_254] : memref<4x8x1024xf32, #tpu.memory_space<vmem>> -> memref<1x8x1024xf32, #tpu.memory_space<vmem>>
    %dma_wait3A_256 = tpu.memref_squeeze %dma_wait3A_255 : memref<1x8x1024xf32, #tpu.memory_space<vmem>> -> memref<8x1024xf32, #tpu.memory_space<vmem>>
    %dma_wait3A_257 = arith.constant 0 : i32
    %dma_wait3A_258 = tpu.memref_slice %arg4[%dma_wait3A_252, %add3A_218, %dma_wait3A_257] : memref<4x8192x1024xf32, #tpu.memory_space<hbm>> -> memref<1x8x1024xf32, #tpu.memory_space<hbm>>
    %dma_wait3A_259 = tpu.memref_squeeze %dma_wait3A_258 : memref<1x8x1024xf32, #tpu.memory_space<hbm>> -> memref<8x1024xf32, #tpu.memory_space<hbm>>
    %dma_wait3A_260 = arith.constant 0 : i32
    %dma_wait3A_261 = tpu.memref_slice %arg4[%dma_wait3A_252, %add3A_218, %dma_wait3A_260] : memref<4x8192x1024xf32, #tpu.memory_space<hbm>> -> memref<1x8x1024xf32, #tpu.memory_space<hbm>>
    %dma_wait3A_262 = tpu.memref_squeeze %dma_wait3A_261 : memref<1x8x1024xf32, #tpu.memory_space<hbm>> -> memref<8x1024xf32, #tpu.memory_space<hbm>>
    %dma_wait3A_263 = arith.constant 0 : i32
    %dma_wait3A_264 = arith.constant 0 : i32
    %dma_wait3A_265 = tpu.memref_slice %arg7[%dma_wait3A_251, %dma_wait3A_263, %dma_wait3A_264] : memref<4x8x1024xf32, #tpu.memory_space<vmem>> -> memref<1x8x1024xf32, #tpu.memory_space<vmem>>
    %dma_wait3A_266 = tpu.memref_squeeze %dma_wait3A_265 : memref<1x8x1024xf32, #tpu.memory_space<vmem>> -> memref<8x1024xf32, #tpu.memory_space<vmem>>
    tpu.wait_dma2 semaphore(%arg16 : memref<!tpu.dma_semaphore, #tpu.memory_space<semaphore_mem>>) src(%dma_wait3A_266 : memref<8x1024xf32, #tpu.memory_space<vmem>>) dst(%dma_wait3A_262 : memref<8x1024xf32, #tpu.memory_space<hbm>>)
    %dma_wait3A_267 = arith.constant 3 : i32
    %dma_wait3A_268 = arith.constant 3 : i32
    %dma_wait3A_269 = arith.constant 0 : i32
    %dma_wait3A_270 = arith.constant 0 : i32
    %dma_wait3A_271 = tpu.memref_slice %arg7[%dma_wait3A_267, %dma_wait3A_269, %dma_wait3A_270] : memref<4x8x1024xf32, #tpu.memory_space<vmem>> -> memref<1x8x1024xf32, #tpu.memory_space<vmem>>
    %dma_wait3A_272 = tpu.memref_squeeze %dma_wait3A_271 : memref<1x8x1024xf32, #tpu.memory_space<vmem>> -> memref<8x1024xf32, #tpu.memory_space<vmem>>
    %dma_wait3A_273 = arith.constant 0 : i32
    %dma_wait3A_274 = tpu.memref_slice %arg4[%dma_wait3A_268, %add3A_218, %dma_wait3A_273] : memref<4x8192x1024xf32, #tpu.memory_space<hbm>> -> memref<1x8x1024xf32, #tpu.memory_space<hbm>>
    %dma_wait3A_275 = tpu.memref_squeeze %dma_wait3A_274 : memref<1x8x1024xf32, #tpu.memory_space<hbm>> -> memref<8x1024xf32, #tpu.memory_space<hbm>>
    %dma_wait3A_276 = arith.constant 0 : i32
    %dma_wait3A_277 = tpu.memref_slice %arg4[%dma_wait3A_268, %add3A_218, %dma_wait3A_276] : memref<4x8192x1024xf32, #tpu.memory_space<hbm>> -> memref<1x8x1024xf32, #tpu.memory_space<hbm>>
    %dma_wait3A_278 = tpu.memref_squeeze %dma_wait3A_277 : memref<1x8x1024xf32, #tpu.memory_space<hbm>> -> memref<8x1024xf32, #tpu.memory_space<hbm>>
    %dma_wait3A_279 = arith.constant 0 : i32
    %dma_wait3A_280 = arith.constant 0 : i32
    %dma_wait3A_281 = tpu.memref_slice %arg7[%dma_wait3A_267, %dma_wait3A_279, %dma_wait3A_280] : memref<4x8x1024xf32, #tpu.memory_space<vmem>> -> memref<1x8x1024xf32, #tpu.memory_space<vmem>>
    %dma_wait3A_282 = tpu.memref_squeeze %dma_wait3A_281 : memref<1x8x1024xf32, #tpu.memory_space<vmem>> -> memref<8x1024xf32, #tpu.memory_space<vmem>>
    tpu.wait_dma2 semaphore(%arg16 : memref<!tpu.dma_semaphore, #tpu.memory_space<semaphore_mem>>) src(%dma_wait3A_282 : memref<8x1024xf32, #tpu.memory_space<vmem>>) dst(%dma_wait3A_278 : memref<8x1024xf32, #tpu.memory_space<hbm>>)
    %scan3A_283 = arith.constant 0 : i32
    %scan3A_284 = arith.constant 0 : i32
    %scan3A_285 = arith.constant 8 : i32
    %scan3A_286 = arith.addi %scan3A_284, %scan3A_285 : i32
    %scan3A_287 = arith.constant 1 : i32
    %scan3A_288 = scf.for %scan3A_631 = %scan3A_284 to %scan3A_286 step %scan3A_287 iter_args(%scan3A_632 = %scan3A_283) -> (i32)  : i32 {
      %parallel_loop3A = arith.constant 0 : i32
      %parallel_loop3A_633 = arith.constant 64 : i32
      %parallel_loop3A_634 = arith.constant 1 : i32
      scf.for %parallel_loop3A_636 = %parallel_loop3A to %parallel_loop3A_633 step %parallel_loop3A_634  : i32 {
        %parallel_loop3A_637 = arith.constant 16 : i32
        %parallel_loop3A_638 = arith.muli %parallel_loop3A_636, %parallel_loop3A_637 : i32
        %parallel_loop3A_639 = arith.index_cast %scan3A_631 : i32 to index
        %parallel_loop3A_640 = arith.index_cast %parallel_loop3A_638 : i32 to index
        %parallel_loop3A_641 = tpu.vector_load %arg8[%parallel_loop3A_639, %parallel_loop3A_640] {strides = array<i32>} : memref<8x1024xf32, #tpu.memory_space<vmem>>, vector<1x16xf32>,
        %parallel_loop3A_642 = vector.shape_cast %parallel_loop3A_641 : vector<1x16xf32> to vector<16xf32>
        %parallel_loop3A_643 = arith.constant 0 : i32
        %parallel_loop3A_644 = arith.index_cast %parallel_loop3A_643 : i32 to index
        %parallel_loop3A_645 = arith.index_cast %scan3A_631 : i32 to index
        %parallel_loop3A_646 = arith.index_cast %parallel_loop3A_638 : i32 to index
        %parallel_loop3A_647 = tpu.vector_load %arg5[%parallel_loop3A_644, %parallel_loop3A_645, %parallel_loop3A_646] {strides = array<i32>} : memref<4x8x1024xf32, #tpu.memory_space<vmem>>, vector<1x1x16xf32>,
        %parallel_loop3A_648 = vector.shape_cast %parallel_loop3A_647 : vector<1x1x16xf32> to vector<16xf32>
        %parallel_loop3A_649 = vector.shape_cast %parallel_loop3A_642 : vector<16xf32> to vector<1x1x16xf32>
        tpu.vector_store %arg5[%parallel_loop3A_644, %parallel_loop3A_645, %parallel_loop3A_646], %parallel_loop3A_649 {add = true, strides = array<i32>} : memref<4x8x1024xf32, #tpu.memory_space<vmem>>, vector<1x1x16xf32>,
        %parallel_loop3A_650 = arith.constant 1 : i32
        %parallel_loop3A_651 = arith.index_cast %parallel_loop3A_650 : i32 to index
        %parallel_loop3A_652 = arith.index_cast %scan3A_631 : i32 to index
        %parallel_loop3A_653 = arith.index_cast %parallel_loop3A_638 : i32 to index
        %parallel_loop3A_654 = tpu.vector_load %arg5[%parallel_loop3A_651, %parallel_loop3A_652, %parallel_loop3A_653] {strides = array<i32>} : memref<4x8x1024xf32, #tpu.memory_space<vmem>>, vector<1x1x16xf32>,
        %parallel_loop3A_655 = vector.shape_cast %parallel_loop3A_654 : vector<1x1x16xf32> to vector<16xf32>
        %parallel_loop3A_656 = vector.shape_cast %parallel_loop3A_642 : vector<16xf32> to vector<1x1x16xf32>
        tpu.vector_store %arg5[%parallel_loop3A_651, %parallel_loop3A_652, %parallel_loop3A_653], %parallel_loop3A_656 {add = true, strides = array<i32>} : memref<4x8x1024xf32, #tpu.memory_space<vmem>>, vector<1x1x16xf32>,
        %parallel_loop3A_657 = arith.constant 2 : i32
        %parallel_loop3A_658 = arith.index_cast %parallel_loop3A_657 : i32 to index
        %parallel_loop3A_659 = arith.index_cast %scan3A_631 : i32 to index
        %parallel_loop3A_660 = arith.index_cast %parallel_loop3A_638 : i32 to index
        %parallel_loop3A_661 = tpu.vector_load %arg5[%parallel_loop3A_658, %parallel_loop3A_659, %parallel_loop3A_660] {strides = array<i32>} : memref<4x8x1024xf32, #tpu.memory_space<vmem>>, vector<1x1x16xf32>,
        %parallel_loop3A_662 = vector.shape_cast %parallel_loop3A_661 : vector<1x1x16xf32> to vector<16xf32>
        %parallel_loop3A_663 = vector.shape_cast %parallel_loop3A_642 : vector<16xf32> to vector<1x1x16xf32>
        tpu.vector_store %arg5[%parallel_loop3A_658, %parallel_loop3A_659, %parallel_loop3A_660], %parallel_loop3A_663 {add = true, strides = array<i32>} : memref<4x8x1024xf32, #tpu.memory_space<vmem>>, vector<1x1x16xf32>,
        %parallel_loop3A_664 = arith.constant 3 : i32
        %parallel_loop3A_665 = arith.index_cast %parallel_loop3A_664 : i32 to index
        %parallel_loop3A_666 = arith.index_cast %scan3A_631 : i32 to index
        %parallel_loop3A_667 = arith.index_cast %parallel_loop3A_638 : i32 to index
        %parallel_loop3A_668 = tpu.vector_load %arg5[%parallel_loop3A_665, %parallel_loop3A_666, %parallel_loop3A_667] {strides = array<i32>} : memref<4x8x1024xf32, #tpu.memory_space<vmem>>, vector<1x1x16xf32>,
        %parallel_loop3A_669 = vector.shape_cast %parallel_loop3A_668 : vector<1x1x16xf32> to vector<16xf32>
        %parallel_loop3A_670 = vector.shape_cast %parallel_loop3A_642 : vector<16xf32> to vector<1x1x16xf32>
        tpu.vector_store %arg5[%parallel_loop3A_665, %parallel_loop3A_666, %parallel_loop3A_667], %parallel_loop3A_670 {add = true, strides = array<i32>} : memref<4x8x1024xf32, #tpu.memory_space<vmem>>, vector<1x1x16xf32>,
      } {sc.loop_unroll_factor = 8 : i64, sc.parallel_access}
      %scan3A_635 = arith.constant 0 : i32
      scf.yield %scan3A_635 : i32
    }
    %scan3A_289 = arith.constant 8 : i32
    %add3A_290 = arith.constant 240 : i32
    %add3A_291 = arith.addi %mul3A_2, %add3A_290 : i32
    %dma_start3A_292 = arith.constant 0 : i32
    %dma_start3A_293 = arith.constant 0 : i32
    %dma_start3A_294 = arith.constant 0 : i32
    %dma_start3A_295 = arith.constant 0 : i32
    %dma_start3A_296 = tpu.memref_slice %arg5[%dma_start3A_292, %dma_start3A_294, %dma_start3A_295] : memref<4x8x1024xf32, #tpu.memory_space<vmem>> -> memref<1x8x1024xf32, #tpu.memory_space<vmem>>
    %dma_start3A_297 = tpu.memref_squeeze %dma_start3A_296 : memref<1x8x1024xf32, #tpu.memory_space<vmem>> -> memref<8x1024xf32, #tpu.memory_space<vmem>>
    %dma_start3A_298 = arith.constant 0 : i32
    %dma_start3A_299 = tpu.memref_slice %arg4[%dma_start3A_293, %add3A_291, %dma_start3A_298] : memref<4x8192x1024xf32, #tpu.memory_space<hbm>> -> memref<1x8x1024xf32, #tpu.memory_space<hbm>>
    %dma_start3A_300 = tpu.memref_squeeze %dma_start3A_299 : memref<1x8x1024xf32, #tpu.memory_space<hbm>> -> memref<8x1024xf32, #tpu.memory_space<hbm>>
    %dma_start3A_301 = arith.constant 0 : i32
    %dma_start3A_302 = tpu.memref_slice %arg4[%dma_start3A_293, %add3A_291, %dma_start3A_301] : memref<4x8192x1024xf32, #tpu.memory_space<hbm>> -> memref<1x8x1024xf32, #tpu.memory_space<hbm>>
    %dma_start3A_303 = tpu.memref_squeeze %dma_start3A_302 : memref<1x8x1024xf32, #tpu.memory_space<hbm>> -> memref<8x1024xf32, #tpu.memory_space<hbm>>
    %dma_start3A_304 = arith.constant 0 : i32
    %dma_start3A_305 = arith.constant 0 : i32
    %dma_start3A_306 = tpu.memref_slice %arg5[%dma_start3A_292, %dma_start3A_304, %dma_start3A_305] : memref<4x8x1024xf32, #tpu.memory_space<vmem>> -> memref<1x8x1024xf32, #tpu.memory_space<vmem>>
    %dma_start3A_307 = tpu.memref_squeeze %dma_start3A_306 : memref<1x8x1024xf32, #tpu.memory_space<vmem>> -> memref<8x1024xf32, #tpu.memory_space<vmem>>
    tpu.enqueue_dma source(%dma_start3A_307 : memref<8x1024xf32, #tpu.memory_space<vmem>>) target(%dma_start3A_303 : memref<8x1024xf32, #tpu.memory_space<hbm>>) target_semaphore(%arg14 : memref<!tpu.dma_semaphore, #tpu.memory_space<semaphore_mem>>)
    %dma_start3A_308 = arith.constant 1 : i32
    %dma_start3A_309 = arith.constant 1 : i32
    %dma_start3A_310 = arith.constant 0 : i32
    %dma_start3A_311 = arith.constant 0 : i32
    %dma_start3A_312 = tpu.memref_slice %arg5[%dma_start3A_308, %dma_start3A_310, %dma_start3A_311] : memref<4x8x1024xf32, #tpu.memory_space<vmem>> -> memref<1x8x1024xf32, #tpu.memory_space<vmem>>
    %dma_start3A_313 = tpu.memref_squeeze %dma_start3A_312 : memref<1x8x1024xf32, #tpu.memory_space<vmem>> -> memref<8x1024xf32, #tpu.memory_space<vmem>>
    %dma_start3A_314 = arith.constant 0 : i32
    %dma_start3A_315 = tpu.memref_slice %arg4[%dma_start3A_309, %add3A_291, %dma_start3A_314] : memref<4x8192x1024xf32, #tpu.memory_space<hbm>> -> memref<1x8x1024xf32, #tpu.memory_space<hbm>>
    %dma_start3A_316 = tpu.memref_squeeze %dma_start3A_315 : memref<1x8x1024xf32, #tpu.memory_space<hbm>> -> memref<8x1024xf32, #tpu.memory_space<hbm>>
    %dma_start3A_317 = arith.constant 0 : i32
    %dma_start3A_318 = tpu.memref_slice %arg4[%dma_start3A_309, %add3A_291, %dma_start3A_317] : memref<4x8192x1024xf32, #tpu.memory_space<hbm>> -> memref<1x8x1024xf32, #tpu.memory_space<hbm>>
    %dma_start3A_319 = tpu.memref_squeeze %dma_start3A_318 : memref<1x8x1024xf32, #tpu.memory_space<hbm>> -> memref<8x1024xf32, #tpu.memory_space<hbm>>
    %dma_start3A_320 = arith.constant 0 : i32
    %dma_start3A_321 = arith.constant 0 : i32
    %dma_start3A_322 = tpu.memref_slice %arg5[%dma_start3A_308, %dma_start3A_320, %dma_start3A_321] : memref<4x8x1024xf32, #tpu.memory_space<vmem>> -> memref<1x8x1024xf32, #tpu.memory_space<vmem>>
    %dma_start3A_323 = tpu.memref_squeeze %dma_start3A_322 : memref<1x8x1024xf32, #tpu.memory_space<vmem>> -> memref<8x1024xf32, #tpu.memory_space<vmem>>
    tpu.enqueue_dma source(%dma_start3A_323 : memref<8x1024xf32, #tpu.memory_space<vmem>>) target(%dma_start3A_319 : memref<8x1024xf32, #tpu.memory_space<hbm>>) target_semaphore(%arg14 : memref<!tpu.dma_semaphore, #tpu.memory_space<semaphore_mem>>)
    %dma_start3A_324 = arith.constant 2 : i32
    %dma_start3A_325 = arith.constant 2 : i32
    %dma_start3A_326 = arith.constant 0 : i32
    %dma_start3A_327 = arith.constant 0 : i32
    %dma_start3A_328 = tpu.memref_slice %arg5[%dma_start3A_324, %dma_start3A_326, %dma_start3A_327] : memref<4x8x1024xf32, #tpu.memory_space<vmem>> -> memref<1x8x1024xf32, #tpu.memory_space<vmem>>
    %dma_start3A_329 = tpu.memref_squeeze %dma_start3A_328 : memref<1x8x1024xf32, #tpu.memory_space<vmem>> -> memref<8x1024xf32, #tpu.memory_space<vmem>>
    %dma_start3A_330 = arith.constant 0 : i32
    %dma_start3A_331 = tpu.memref_slice %arg4[%dma_start3A_325, %add3A_291, %dma_start3A_330] : memref<4x8192x1024xf32, #tpu.memory_space<hbm>> -> memref<1x8x1024xf32, #tpu.memory_space<hbm>>
    %dma_start3A_332 = tpu.memref_squeeze %dma_start3A_331 : memref<1x8x1024xf32, #tpu.memory_space<hbm>> -> memref<8x1024xf32, #tpu.memory_space<hbm>>
    %dma_start3A_333 = arith.constant 0 : i32
    %dma_start3A_334 = tpu.memref_slice %arg4[%dma_start3A_325, %add3A_291, %dma_start3A_333] : memref<4x8192x1024xf32, #tpu.memory_space<hbm>> -> memref<1x8x1024xf32, #tpu.memory_space<hbm>>
    %dma_start3A_335 = tpu.memref_squeeze %dma_start3A_334 : memref<1x8x1024xf32, #tpu.memory_space<hbm>> -> memref<8x1024xf32, #tpu.memory_space<hbm>>
    %dma_start3A_336 = arith.constant 0 : i32
    %dma_start3A_337 = arith.constant 0 : i32
    %dma_start3A_338 = tpu.memref_slice %arg5[%dma_start3A_324, %dma_start3A_336, %dma_start3A_337] : memref<4x8x1024xf32, #tpu.memory_space<vmem>> -> memref<1x8x1024xf32, #tpu.memory_space<vmem>>
    %dma_start3A_339 = tpu.memref_squeeze %dma_start3A_338 : memref<1x8x1024xf32, #tpu.memory_space<vmem>> -> memref<8x1024xf32, #tpu.memory_space<vmem>>
    tpu.enqueue_dma source(%dma_start3A_339 : memref<8x1024xf32, #tpu.memory_space<vmem>>) target(%dma_start3A_335 : memref<8x1024xf32, #tpu.memory_space<hbm>>) target_semaphore(%arg14 : memref<!tpu.dma_semaphore, #tpu.memory_space<semaphore_mem>>)
    %dma_start3A_340 = arith.constant 3 : i32
    %dma_start3A_341 = arith.constant 3 : i32
    %dma_start3A_342 = arith.constant 0 : i32
    %dma_start3A_343 = arith.constant 0 : i32
    %dma_start3A_344 = tpu.memref_slice %arg5[%dma_start3A_340, %dma_start3A_342, %dma_start3A_343] : memref<4x8x1024xf32, #tpu.memory_space<vmem>> -> memref<1x8x1024xf32, #tpu.memory_space<vmem>>
    %dma_start3A_345 = tpu.memref_squeeze %dma_start3A_344 : memref<1x8x1024xf32, #tpu.memory_space<vmem>> -> memref<8x1024xf32, #tpu.memory_space<vmem>>
    %dma_start3A_346 = arith.constant 0 : i32
    %dma_start3A_347 = tpu.memref_slice %arg4[%dma_start3A_341, %add3A_291, %dma_start3A_346] : memref<4x8192x1024xf32, #tpu.memory_space<hbm>> -> memref<1x8x1024xf32, #tpu.memory_space<hbm>>
    %dma_start3A_348 = tpu.memref_squeeze %dma_start3A_347 : memref<1x8x1024xf32, #tpu.memory_space<hbm>> -> memref<8x1024xf32, #tpu.memory_space<hbm>>
    %dma_start3A_349 = arith.constant 0 : i32
    %dma_start3A_350 = tpu.memref_slice %arg4[%dma_start3A_341, %add3A_291, %dma_start3A_349] : memref<4x8192x1024xf32, #tpu.memory_space<hbm>> -> memref<1x8x1024xf32, #tpu.memory_space<hbm>>
    %dma_start3A_351 = tpu.memref_squeeze %dma_start3A_350 : memref<1x8x1024xf32, #tpu.memory_space<hbm>> -> memref<8x1024xf32, #tpu.memory_space<hbm>>
    %dma_start3A_352 = arith.constant 0 : i32
    %dma_start3A_353 = arith.constant 0 : i32
    %dma_start3A_354 = tpu.memref_slice %arg5[%dma_start3A_340, %dma_start3A_352, %dma_start3A_353] : memref<4x8x1024xf32, #tpu.memory_space<vmem>> -> memref<1x8x1024xf32, #tpu.memory_space<vmem>>
    %dma_start3A_355 = tpu.memref_squeeze %dma_start3A_354 : memref<1x8x1024xf32, #tpu.memory_space<vmem>> -> memref<8x1024xf32, #tpu.memory_space<vmem>>
    tpu.enqueue_dma source(%dma_start3A_355 : memref<8x1024xf32, #tpu.memory_space<vmem>>) target(%dma_start3A_351 : memref<8x1024xf32, #tpu.memory_space<hbm>>) target_semaphore(%arg14 : memref<!tpu.dma_semaphore, #tpu.memory_space<semaphore_mem>>)
    %add3A_356 = arith.constant 248 : i32
    %add3A_357 = arith.addi %mul3A_2, %add3A_356 : i32
    %dma_wait3A_358 = arith.constant 0 : i32
    %dma_wait3A_359 = arith.constant 0 : i32
    %dma_wait3A_360 = arith.constant 0 : i32
    %dma_wait3A_361 = arith.constant 0 : i32
    %dma_wait3A_362 = tpu.memref_slice %arg6[%dma_wait3A_359, %dma_wait3A_360, %dma_wait3A_361] : memref<4x8x1024xf32, #tpu.memory_space<vmem>> -> memref<1x8x1024xf32, #tpu.memory_space<vmem>>
    %dma_wait3A_363 = tpu.memref_squeeze %dma_wait3A_362 : memref<1x8x1024xf32, #tpu.memory_space<vmem>> -> memref<8x1024xf32, #tpu.memory_space<vmem>>
    %dma_wait3A_364 = arith.constant 0 : i32
    %dma_wait3A_365 = tpu.memref_slice %arg2[%dma_wait3A_358, %add3A_357, %dma_wait3A_364] : memref<4x8192x1024xf32, #tpu.memory_space<hbm>> -> memref<1x8x1024xf32, #tpu.memory_space<hbm>>
    %dma_wait3A_366 = tpu.memref_squeeze %dma_wait3A_365 : memref<1x8x1024xf32, #tpu.memory_space<hbm>> -> memref<8x1024xf32, #tpu.memory_space<hbm>>
    %dma_wait3A_367 = arith.constant 0 : i32
    %dma_wait3A_368 = arith.constant 0 : i32
    %dma_wait3A_369 = tpu.memref_slice %arg6[%dma_wait3A_359, %dma_wait3A_367, %dma_wait3A_368] : memref<4x8x1024xf32, #tpu.memory_space<vmem>> -> memref<1x8x1024xf32, #tpu.memory_space<vmem>>
    %dma_wait3A_370 = tpu.memref_squeeze %dma_wait3A_369 : memref<1x8x1024xf32, #tpu.memory_space<vmem>> -> memref<8x1024xf32, #tpu.memory_space<vmem>>
    %dma_wait3A_371 = arith.constant 0 : i32
    %dma_wait3A_372 = tpu.memref_slice %arg2[%dma_wait3A_358, %add3A_357, %dma_wait3A_371] : memref<4x8192x1024xf32, #tpu.memory_space<hbm>> -> memref<1x8x1024xf32, #tpu.memory_space<hbm>>
    %dma_wait3A_373 = tpu.memref_squeeze %dma_wait3A_372 : memref<1x8x1024xf32, #tpu.memory_space<hbm>> -> memref<8x1024xf32, #tpu.memory_space<hbm>>
    tpu.wait_dma2 semaphore(%arg12 : memref<!tpu.dma_semaphore, #tpu.memory_space<semaphore_mem>>) src(%dma_wait3A_373 : memref<8x1024xf32, #tpu.memory_space<hbm>>) dst(%dma_wait3A_370 : memref<8x1024xf32, #tpu.memory_space<vmem>>)
    %dma_wait3A_374 = arith.constant 1 : i32
    %dma_wait3A_375 = arith.constant 1 : i32
    %dma_wait3A_376 = arith.constant 0 : i32
    %dma_wait3A_377 = arith.constant 0 : i32
    %dma_wait3A_378 = tpu.memref_slice %arg6[%dma_wait3A_375, %dma_wait3A_376, %dma_wait3A_377] : memref<4x8x1024xf32, #tpu.memory_space<vmem>> -> memref<1x8x1024xf32, #tpu.memory_space<vmem>>
    %dma_wait3A_379 = tpu.memref_squeeze %dma_wait3A_378 : memref<1x8x1024xf32, #tpu.memory_space<vmem>> -> memref<8x1024xf32, #tpu.memory_space<vmem>>
    %dma_wait3A_380 = arith.constant 0 : i32
    %dma_wait3A_381 = tpu.memref_slice %arg2[%dma_wait3A_374, %add3A_357, %dma_wait3A_380] : memref<4x8192x1024xf32, #tpu.memory_space<hbm>> -> memref<1x8x1024xf32, #tpu.memory_space<hbm>>
    %dma_wait3A_382 = tpu.memref_squeeze %dma_wait3A_381 : memref<1x8x1024xf32, #tpu.memory_space<hbm>> -> memref<8x1024xf32, #tpu.memory_space<hbm>>
    %dma_wait3A_383 = arith.constant 0 : i32
    %dma_wait3A_384 = arith.constant 0 : i32
    %dma_wait3A_385 = tpu.memref_slice %arg6[%dma_wait3A_375, %dma_wait3A_383, %dma_wait3A_384] : memref<4x8x1024xf32, #tpu.memory_space<vmem>> -> memref<1x8x1024xf32, #tpu.memory_space<vmem>>
    %dma_wait3A_386 = tpu.memref_squeeze %dma_wait3A_385 : memref<1x8x1024xf32, #tpu.memory_space<vmem>> -> memref<8x1024xf32, #tpu.memory_space<vmem>>
    %dma_wait3A_387 = arith.constant 0 : i32
    %dma_wait3A_388 = tpu.memref_slice %arg2[%dma_wait3A_374, %add3A_357, %dma_wait3A_387] : memref<4x8192x1024xf32, #tpu.memory_space<hbm>> -> memref<1x8x1024xf32, #tpu.memory_space<hbm>>
    %dma_wait3A_389 = tpu.memref_squeeze %dma_wait3A_388 : memref<1x8x1024xf32, #tpu.memory_space<hbm>> -> memref<8x1024xf32, #tpu.memory_space<hbm>>
    tpu.wait_dma2 semaphore(%arg12 : memref<!tpu.dma_semaphore, #tpu.memory_space<semaphore_mem>>) src(%dma_wait3A_389 : memref<8x1024xf32, #tpu.memory_space<hbm>>) dst(%dma_wait3A_386 : memref<8x1024xf32, #tpu.memory_space<vmem>>)
    %dma_wait3A_390 = arith.constant 2 : i32
    %dma_wait3A_391 = arith.constant 2 : i32
    %dma_wait3A_392 = arith.constant 0 : i32
    %dma_wait3A_393 = arith.constant 0 : i32
    %dma_wait3A_394 = tpu.memref_slice %arg6[%dma_wait3A_391, %dma_wait3A_392, %dma_wait3A_393] : memref<4x8x1024xf32, #tpu.memory_space<vmem>> -> memref<1x8x1024xf32, #tpu.memory_space<vmem>>
    %dma_wait3A_395 = tpu.memref_squeeze %dma_wait3A_394 : memref<1x8x1024xf32, #tpu.memory_space<vmem>> -> memref<8x1024xf32, #tpu.memory_space<vmem>>
    %dma_wait3A_396 = arith.constant 0 : i32
    %dma_wait3A_397 = tpu.memref_slice %arg2[%dma_wait3A_390, %add3A_357, %dma_wait3A_396] : memref<4x8192x1024xf32, #tpu.memory_space<hbm>> -> memref<1x8x1024xf32, #tpu.memory_space<hbm>>
    %dma_wait3A_398 = tpu.memref_squeeze %dma_wait3A_397 : memref<1x8x1024xf32, #tpu.memory_space<hbm>> -> memref<8x1024xf32, #tpu.memory_space<hbm>>
    %dma_wait3A_399 = arith.constant 0 : i32
    %dma_wait3A_400 = arith.constant 0 : i32
    %dma_wait3A_401 = tpu.memref_slice %arg6[%dma_wait3A_391, %dma_wait3A_399, %dma_wait3A_400] : memref<4x8x1024xf32, #tpu.memory_space<vmem>> -> memref<1x8x1024xf32, #tpu.memory_space<vmem>>
    %dma_wait3A_402 = tpu.memref_squeeze %dma_wait3A_401 : memref<1x8x1024xf32, #tpu.memory_space<vmem>> -> memref<8x1024xf32, #tpu.memory_space<vmem>>
    %dma_wait3A_403 = arith.constant 0 : i32
    %dma_wait3A_404 = tpu.memref_slice %arg2[%dma_wait3A_390, %add3A_357, %dma_wait3A_403] : memref<4x8192x1024xf32, #tpu.memory_space<hbm>> -> memref<1x8x1024xf32, #tpu.memory_space<hbm>>
    %dma_wait3A_405 = tpu.memref_squeeze %dma_wait3A_404 : memref<1x8x1024xf32, #tpu.memory_space<hbm>> -> memref<8x1024xf32, #tpu.memory_space<hbm>>
    tpu.wait_dma2 semaphore(%arg12 : memref<!tpu.dma_semaphore, #tpu.memory_space<semaphore_mem>>) src(%dma_wait3A_405 : memref<8x1024xf32, #tpu.memory_space<hbm>>) dst(%dma_wait3A_402 : memref<8x1024xf32, #tpu.memory_space<vmem>>)
    %dma_wait3A_406 = arith.constant 3 : i32
    %dma_wait3A_407 = arith.constant 3 : i32
    %dma_wait3A_408 = arith.constant 0 : i32
    %dma_wait3A_409 = arith.constant 0 : i32
    %dma_wait3A_410 = tpu.memref_slice %arg6[%dma_wait3A_407, %dma_wait3A_408, %dma_wait3A_409] : memref<4x8x1024xf32, #tpu.memory_space<vmem>> -> memref<1x8x1024xf32, #tpu.memory_space<vmem>>
    %dma_wait3A_411 = tpu.memref_squeeze %dma_wait3A_410 : memref<1x8x1024xf32, #tpu.memory_space<vmem>> -> memref<8x1024xf32, #tpu.memory_space<vmem>>
    %dma_wait3A_412 = arith.constant 0 : i32
    %dma_wait3A_413 = tpu.memref_slice %arg2[%dma_wait3A_406, %add3A_357, %dma_wait3A_412] : memref<4x8192x1024xf32, #tpu.memory_space<hbm>> -> memref<1x8x1024xf32, #tpu.memory_space<hbm>>
    %dma_wait3A_414 = tpu.memref_squeeze %dma_wait3A_413 : memref<1x8x1024xf32, #tpu.memory_space<hbm>> -> memref<8x1024xf32, #tpu.memory_space<hbm>>
    %dma_wait3A_415 = arith.constant 0 : i32
    %dma_wait3A_416 = arith.constant 0 : i32
    %dma_wait3A_417 = tpu.memref_slice %arg6[%dma_wait3A_407, %dma_wait3A_415, %dma_wait3A_416] : memref<4x8x1024xf32, #tpu.memory_space<vmem>> -> memref<1x8x1024xf32, #tpu.memory_space<vmem>>
    %dma_wait3A_418 = tpu.memref_squeeze %dma_wait3A_417 : memref<1x8x1024xf32, #tpu.memory_space<vmem>> -> memref<8x1024xf32, #tpu.memory_space<vmem>>
    %dma_wait3A_419 = arith.constant 0 : i32
    %dma_wait3A_420 = tpu.memref_slice %arg2[%dma_wait3A_406, %add3A_357, %dma_wait3A_419] : memref<4x8192x1024xf32, #tpu.memory_space<hbm>> -> memref<1x8x1024xf32, #tpu.memory_space<hbm>>
    %dma_wait3A_421 = tpu.memref_squeeze %dma_wait3A_420 : memref<1x8x1024xf32, #tpu.memory_space<hbm>> -> memref<8x1024xf32, #tpu.memory_space<hbm>>
    tpu.wait_dma2 semaphore(%arg12 : memref<!tpu.dma_semaphore, #tpu.memory_space<semaphore_mem>>) src(%dma_wait3A_421 : memref<8x1024xf32, #tpu.memory_space<hbm>>) dst(%dma_wait3A_418 : memref<8x1024xf32, #tpu.memory_space<vmem>>)
    %dma_wait3A_422 = arith.constant 0 : i32
    %dma_wait3A_423 = tpu.memref_slice %arg3[%add3A_357, %dma_wait3A_422] : memref<8192x1024xf32, #tpu.memory_space<hbm>> -> memref<8x1024xf32, #tpu.memory_space<hbm>>
    %dma_wait3A_424 = arith.constant 0 : i32
    %dma_wait3A_425 = tpu.memref_slice %arg3[%add3A_357, %dma_wait3A_424] : memref<8192x1024xf32, #tpu.memory_space<hbm>> -> memref<8x1024xf32, #tpu.memory_space<hbm>>
    tpu.wait_dma2 semaphore(%arg12 : memref<!tpu.dma_semaphore, #tpu.memory_space<semaphore_mem>>) src(%dma_wait3A_425 : memref<8x1024xf32, #tpu.memory_space<hbm>>) dst(%arg9 : memref<8x1024xf32, #tpu.memory_space<vmem>>)
    %add3A_426 = arith.constant 240 : i32
    %add3A_427 = arith.addi %mul3A_2, %add3A_426 : i32
    %dma_wait3A_428 = arith.constant 0 : i32
    %dma_wait3A_429 = arith.constant 0 : i32
    %dma_wait3A_430 = arith.constant 0 : i32
    %dma_wait3A_431 = arith.constant 0 : i32
    %dma_wait3A_432 = tpu.memref_slice %arg5[%dma_wait3A_428, %dma_wait3A_430, %dma_wait3A_431] : memref<4x8x1024xf32, #tpu.memory_space<vmem>> -> memref<1x8x1024xf32, #tpu.memory_space<vmem>>
    %dma_wait3A_433 = tpu.memref_squeeze %dma_wait3A_432 : memref<1x8x1024xf32, #tpu.memory_space<vmem>> -> memref<8x1024xf32, #tpu.memory_space<vmem>>
    %dma_wait3A_434 = arith.constant 0 : i32
    %dma_wait3A_435 = tpu.memref_slice %arg4[%dma_wait3A_429, %add3A_427, %dma_wait3A_434] : memref<4x8192x1024xf32, #tpu.memory_space<hbm>> -> memref<1x8x1024xf32, #tpu.memory_space<hbm>>
    %dma_wait3A_436 = tpu.memref_squeeze %dma_wait3A_435 : memref<1x8x1024xf32, #tpu.memory_space<hbm>> -> memref<8x1024xf32, #tpu.memory_space<hbm>>
    %dma_wait3A_437 = arith.constant 0 : i32
    %dma_wait3A_438 = tpu.memref_slice %arg4[%dma_wait3A_429, %add3A_427, %dma_wait3A_437] : memref<4x8192x1024xf32, #tpu.memory_space<hbm>> -> memref<1x8x1024xf32, #tpu.memory_space<hbm>>
    %dma_wait3A_439 = tpu.memref_squeeze %dma_wait3A_438 : memref<1x8x1024xf32, #tpu.memory_space<hbm>> -> memref<8x1024xf32, #tpu.memory_space<hbm>>
    %dma_wait3A_440 = arith.constant 0 : i32
    %dma_wait3A_441 = arith.constant 0 : i32
    %dma_wait3A_442 = tpu.memref_slice %arg5[%dma_wait3A_428, %dma_wait3A_440, %dma_wait3A_441] : memref<4x8x1024xf32, #tpu.memory_space<vmem>> -> memref<1x8x1024xf32, #tpu.memory_space<vmem>>
    %dma_wait3A_443 = tpu.memref_squeeze %dma_wait3A_442 : memref<1x8x1024xf32, #tpu.memory_space<vmem>> -> memref<8x1024xf32, #tpu.memory_space<vmem>>
    tpu.wait_dma2 semaphore(%arg14 : memref<!tpu.dma_semaphore, #tpu.memory_space<semaphore_mem>>) src(%dma_wait3A_443 : memref<8x1024xf32, #tpu.memory_space<vmem>>) dst(%dma_wait3A_439 : memref<8x1024xf32, #tpu.memory_space<hbm>>)
    %dma_wait3A_444 = arith.constant 1 : i32
    %dma_wait3A_445 = arith.constant 1 : i32
    %dma_wait3A_446 = arith.constant 0 : i32
    %dma_wait3A_447 = arith.constant 0 : i32
    %dma_wait3A_448 = tpu.memref_slice %arg5[%dma_wait3A_444, %dma_wait3A_446, %dma_wait3A_447] : memref<4x8x1024xf32, #tpu.memory_space<vmem>> -> memref<1x8x1024xf32, #tpu.memory_space<vmem>>
    %dma_wait3A_449 = tpu.memref_squeeze %dma_wait3A_448 : memref<1x8x1024xf32, #tpu.memory_space<vmem>> -> memref<8x1024xf32, #tpu.memory_space<vmem>>
    %dma_wait3A_450 = arith.constant 0 : i32
    %dma_wait3A_451 = tpu.memref_slice %arg4[%dma_wait3A_445, %add3A_427, %dma_wait3A_450] : memref<4x8192x1024xf32, #tpu.memory_space<hbm>> -> memref<1x8x1024xf32, #tpu.memory_space<hbm>>
    %dma_wait3A_452 = tpu.memref_squeeze %dma_wait3A_451 : memref<1x8x1024xf32, #tpu.memory_space<hbm>> -> memref<8x1024xf32, #tpu.memory_space<hbm>>
    %dma_wait3A_453 = arith.constant 0 : i32
    %dma_wait3A_454 = tpu.memref_slice %arg4[%dma_wait3A_445, %add3A_427, %dma_wait3A_453] : memref<4x8192x1024xf32, #tpu.memory_space<hbm>> -> memref<1x8x1024xf32, #tpu.memory_space<hbm>>
    %dma_wait3A_455 = tpu.memref_squeeze %dma_wait3A_454 : memref<1x8x1024xf32, #tpu.memory_space<hbm>> -> memref<8x1024xf32, #tpu.memory_space<hbm>>
    %dma_wait3A_456 = arith.constant 0 : i32
    %dma_wait3A_457 = arith.constant 0 : i32
    %dma_wait3A_458 = tpu.memref_slice %arg5[%dma_wait3A_444, %dma_wait3A_456, %dma_wait3A_457] : memref<4x8x1024xf32, #tpu.memory_space<vmem>> -> memref<1x8x1024xf32, #tpu.memory_space<vmem>>
    %dma_wait3A_459 = tpu.memref_squeeze %dma_wait3A_458 : memref<1x8x1024xf32, #tpu.memory_space<vmem>> -> memref<8x1024xf32, #tpu.memory_space<vmem>>
    tpu.wait_dma2 semaphore(%arg14 : memref<!tpu.dma_semaphore, #tpu.memory_space<semaphore_mem>>) src(%dma_wait3A_459 : memref<8x1024xf32, #tpu.memory_space<vmem>>) dst(%dma_wait3A_455 : memref<8x1024xf32, #tpu.memory_space<hbm>>)
    %dma_wait3A_460 = arith.constant 2 : i32
    %dma_wait3A_461 = arith.constant 2 : i32
    %dma_wait3A_462 = arith.constant 0 : i32
    %dma_wait3A_463 = arith.constant 0 : i32
    %dma_wait3A_464 = tpu.memref_slice %arg5[%dma_wait3A_460, %dma_wait3A_462, %dma_wait3A_463] : memref<4x8x1024xf32, #tpu.memory_space<vmem>> -> memref<1x8x1024xf32, #tpu.memory_space<vmem>>
    %dma_wait3A_465 = tpu.memref_squeeze %dma_wait3A_464 : memref<1x8x1024xf32, #tpu.memory_space<vmem>> -> memref<8x1024xf32, #tpu.memory_space<vmem>>
    %dma_wait3A_466 = arith.constant 0 : i32
    %dma_wait3A_467 = tpu.memref_slice %arg4[%dma_wait3A_461, %add3A_427, %dma_wait3A_466] : memref<4x8192x1024xf32, #tpu.memory_space<hbm>> -> memref<1x8x1024xf32, #tpu.memory_space<hbm>>
    %dma_wait3A_468 = tpu.memref_squeeze %dma_wait3A_467 : memref<1x8x1024xf32, #tpu.memory_space<hbm>> -> memref<8x1024xf32, #tpu.memory_space<hbm>>
    %dma_wait3A_469 = arith.constant 0 : i32
    %dma_wait3A_470 = tpu.memref_slice %arg4[%dma_wait3A_461, %add3A_427, %dma_wait3A_469] : memref<4x8192x1024xf32, #tpu.memory_space<hbm>> -> memref<1x8x1024xf32, #tpu.memory_space<hbm>>
    %dma_wait3A_471 = tpu.memref_squeeze %dma_wait3A_470 : memref<1x8x1024xf32, #tpu.memory_space<hbm>> -> memref<8x1024xf32, #tpu.memory_space<hbm>>
    %dma_wait3A_472 = arith.constant 0 : i32
    %dma_wait3A_473 = arith.constant 0 : i32
    %dma_wait3A_474 = tpu.memref_slice %arg5[%dma_wait3A_460, %dma_wait3A_472, %dma_wait3A_473] : memref<4x8x1024xf32, #tpu.memory_space<vmem>> -> memref<1x8x1024xf32, #tpu.memory_space<vmem>>
    %dma_wait3A_475 = tpu.memref_squeeze %dma_wait3A_474 : memref<1x8x1024xf32, #tpu.memory_space<vmem>> -> memref<8x1024xf32, #tpu.memory_space<vmem>>
    tpu.wait_dma2 semaphore(%arg14 : memref<!tpu.dma_semaphore, #tpu.memory_space<semaphore_mem>>) src(%dma_wait3A_475 : memref<8x1024xf32, #tpu.memory_space<vmem>>) dst(%dma_wait3A_471 : memref<8x1024xf32, #tpu.memory_space<hbm>>)
    %dma_wait3A_476 = arith.constant 3 : i32
    %dma_wait3A_477 = arith.constant 3 : i32
    %dma_wait3A_478 = arith.constant 0 : i32
    %dma_wait3A_479 = arith.constant 0 : i32
    %dma_wait3A_480 = tpu.memref_slice %arg5[%dma_wait3A_476, %dma_wait3A_478, %dma_wait3A_479] : memref<4x8x1024xf32, #tpu.memory_space<vmem>> -> memref<1x8x1024xf32, #tpu.memory_space<vmem>>
    %dma_wait3A_481 = tpu.memref_squeeze %dma_wait3A_480 : memref<1x8x1024xf32, #tpu.memory_space<vmem>> -> memref<8x1024xf32, #tpu.memory_space<vmem>>
    %dma_wait3A_482 = arith.constant 0 : i32
    %dma_wait3A_483 = tpu.memref_slice %arg4[%dma_wait3A_477, %add3A_427, %dma_wait3A_482] : memref<4x8192x1024xf32, #tpu.memory_space<hbm>> -> memref<1x8x1024xf32, #tpu.memory_space<hbm>>
    %dma_wait3A_484 = tpu.memref_squeeze %dma_wait3A_483 : memref<1x8x1024xf32, #tpu.memory_space<hbm>> -> memref<8x1024xf32, #tpu.memory_space<hbm>>
    %dma_wait3A_485 = arith.constant 0 : i32
    %dma_wait3A_486 = tpu.memref_slice %arg4[%dma_wait3A_477, %add3A_427, %dma_wait3A_485] : memref<4x8192x1024xf32, #tpu.memory_space<hbm>> -> memref<1x8x1024xf32, #tpu.memory_space<hbm>>
    %dma_wait3A_487 = tpu.memref_squeeze %dma_wait3A_486 : memref<1x8x1024xf32, #tpu.memory_space<hbm>> -> memref<8x1024xf32, #tpu.memory_space<hbm>>
    %dma_wait3A_488 = arith.constant 0 : i32
    %dma_wait3A_489 = arith.constant 0 : i32
    %dma_wait3A_490 = tpu.memref_slice %arg5[%dma_wait3A_476, %dma_wait3A_488, %dma_wait3A_489] : memref<4x8x1024xf32, #tpu.memory_space<vmem>> -> memref<1x8x1024xf32, #tpu.memory_space<vmem>>
    %dma_wait3A_491 = tpu.memref_squeeze %dma_wait3A_490 : memref<1x8x1024xf32, #tpu.memory_space<vmem>> -> memref<8x1024xf32, #tpu.memory_space<vmem>>
    tpu.wait_dma2 semaphore(%arg14 : memref<!tpu.dma_semaphore, #tpu.memory_space<semaphore_mem>>) src(%dma_wait3A_491 : memref<8x1024xf32, #tpu.memory_space<vmem>>) dst(%dma_wait3A_487 : memref<8x1024xf32, #tpu.memory_space<hbm>>)
    %scan3A_492 = arith.constant 0 : i32
    %scan3A_493 = arith.constant 0 : i32
    %scan3A_494 = arith.constant 8 : i32
    %scan3A_495 = arith.addi %scan3A_493, %scan3A_494 : i32
    %scan3A_496 = arith.constant 1 : i32
    %scan3A_497 = scf.for %scan3A_631 = %scan3A_493 to %scan3A_495 step %scan3A_496 iter_args(%scan3A_632 = %scan3A_492) -> (i32)  : i32 {
      %parallel_loop3A = arith.constant 0 : i32
      %parallel_loop3A_633 = arith.constant 64 : i32
      %parallel_loop3A_634 = arith.constant 1 : i32
      scf.for %parallel_loop3A_636 = %parallel_loop3A to %parallel_loop3A_633 step %parallel_loop3A_634  : i32 {
        %parallel_loop3A_637 = arith.constant 16 : i32
        %parallel_loop3A_638 = arith.muli %parallel_loop3A_636, %parallel_loop3A_637 : i32
        %parallel_loop3A_639 = arith.index_cast %scan3A_631 : i32 to index
        %parallel_loop3A_640 = arith.index_cast %parallel_loop3A_638 : i32 to index
        %parallel_loop3A_641 = tpu.vector_load %arg9[%parallel_loop3A_639, %parallel_loop3A_640] {strides = array<i32>} : memref<8x1024xf32, #tpu.memory_space<vmem>>, vector<1x16xf32>,
        %parallel_loop3A_642 = vector.shape_cast %parallel_loop3A_641 : vector<1x16xf32> to vector<16xf32>
        %parallel_loop3A_643 = arith.constant 0 : i32
        %parallel_loop3A_644 = arith.index_cast %parallel_loop3A_643 : i32 to index
        %parallel_loop3A_645 = arith.index_cast %scan3A_631 : i32 to index
        %parallel_loop3A_646 = arith.index_cast %parallel_loop3A_638 : i32 to index
        %parallel_loop3A_647 = tpu.vector_load %arg6[%parallel_loop3A_644, %parallel_loop3A_645, %parallel_loop3A_646] {strides = array<i32>} : memref<4x8x1024xf32, #tpu.memory_space<vmem>>, vector<1x1x16xf32>,
        %parallel_loop3A_648 = vector.shape_cast %parallel_loop3A_647 : vector<1x1x16xf32> to vector<16xf32>
        %parallel_loop3A_649 = vector.shape_cast %parallel_loop3A_642 : vector<16xf32> to vector<1x1x16xf32>
        tpu.vector_store %arg6[%parallel_loop3A_644, %parallel_loop3A_645, %parallel_loop3A_646], %parallel_loop3A_649 {add = true, strides = array<i32>} : memref<4x8x1024xf32, #tpu.memory_space<vmem>>, vector<1x1x16xf32>,
        %parallel_loop3A_650 = arith.constant 1 : i32
        %parallel_loop3A_651 = arith.index_cast %parallel_loop3A_650 : i32 to index
        %parallel_loop3A_652 = arith.index_cast %scan3A_631 : i32 to index
        %parallel_loop3A_653 = arith.index_cast %parallel_loop3A_638 : i32 to index
        %parallel_loop3A_654 = tpu.vector_load %arg6[%parallel_loop3A_651, %parallel_loop3A_652, %parallel_loop3A_653] {strides = array<i32>} : memref<4x8x1024xf32, #tpu.memory_space<vmem>>, vector<1x1x16xf32>,
        %parallel_loop3A_655 = vector.shape_cast %parallel_loop3A_654 : vector<1x1x16xf32> to vector<16xf32>
        %parallel_loop3A_656 = vector.shape_cast %parallel_loop3A_642 : vector<16xf32> to vector<1x1x16xf32>
        tpu.vector_store %arg6[%parallel_loop3A_651, %parallel_loop3A_652, %parallel_loop3A_653], %parallel_loop3A_656 {add = true, strides = array<i32>} : memref<4x8x1024xf32, #tpu.memory_space<vmem>>, vector<1x1x16xf32>,
        %parallel_loop3A_657 = arith.constant 2 : i32
        %parallel_loop3A_658 = arith.index_cast %parallel_loop3A_657 : i32 to index
        %parallel_loop3A_659 = arith.index_cast %scan3A_631 : i32 to index
        %parallel_loop3A_660 = arith.index_cast %parallel_loop3A_638 : i32 to index
        %parallel_loop3A_661 = tpu.vector_load %arg6[%parallel_loop3A_658, %parallel_loop3A_659, %parallel_loop3A_660] {strides = array<i32>} : memref<4x8x1024xf32, #tpu.memory_space<vmem>>, vector<1x1x16xf32>,
        %parallel_loop3A_662 = vector.shape_cast %parallel_loop3A_661 : vector<1x1x16xf32> to vector<16xf32>
        %parallel_loop3A_663 = vector.shape_cast %parallel_loop3A_642 : vector<16xf32> to vector<1x1x16xf32>
        tpu.vector_store %arg6[%parallel_loop3A_658, %parallel_loop3A_659, %parallel_loop3A_660], %parallel_loop3A_663 {add = true, strides = array<i32>} : memref<4x8x1024xf32, #tpu.memory_space<vmem>>, vector<1x1x16xf32>,
        %parallel_loop3A_664 = arith.constant 3 : i32
        %parallel_loop3A_665 = arith.index_cast %parallel_loop3A_664 : i32 to index
        %parallel_loop3A_666 = arith.index_cast %scan3A_631 : i32 to index
        %parallel_loop3A_667 = arith.index_cast %parallel_loop3A_638 : i32 to index
        %parallel_loop3A_668 = tpu.vector_load %arg6[%parallel_loop3A_665, %parallel_loop3A_666, %parallel_loop3A_667] {strides = array<i32>} : memref<4x8x1024xf32, #tpu.memory_space<vmem>>, vector<1x1x16xf32>,
        %parallel_loop3A_669 = vector.shape_cast %parallel_loop3A_668 : vector<1x1x16xf32> to vector<16xf32>
        %parallel_loop3A_670 = vector.shape_cast %parallel_loop3A_642 : vector<16xf32> to vector<1x1x16xf32>
        tpu.vector_store %arg6[%parallel_loop3A_665, %parallel_loop3A_666, %parallel_loop3A_667], %parallel_loop3A_670 {add = true, strides = array<i32>} : memref<4x8x1024xf32, #tpu.memory_space<vmem>>, vector<1x1x16xf32>,
      } {sc.loop_unroll_factor = 8 : i64, sc.parallel_access}
      %scan3A_635 = arith.constant 0 : i32
      scf.yield %scan3A_635 : i32
    }
    %scan3A_498 = arith.constant 8 : i32
    %add3A_499 = arith.constant 248 : i32
    %add3A_500 = arith.addi %mul3A_2, %add3A_499 : i32
    %dma_start3A_501 = arith.constant 0 : i32
    %dma_start3A_502 = arith.constant 0 : i32
    %dma_start3A_503 = arith.constant 0 : i32
    %dma_start3A_504 = arith.constant 0 : i32
    %dma_start3A_505 = tpu.memref_slice %arg6[%dma_start3A_501, %dma_start3A_503, %dma_start3A_504] : memref<4x8x1024xf32, #tpu.memory_space<vmem>> -> memref<1x8x1024xf32, #tpu.memory_space<vmem>>
    %dma_start3A_506 = tpu.memref_squeeze %dma_start3A_505 : memref<1x8x1024xf32, #tpu.memory_space<vmem>> -> memref<8x1024xf32, #tpu.memory_space<vmem>>
    %dma_start3A_507 = arith.constant 0 : i32
    %dma_start3A_508 = tpu.memref_slice %arg4[%dma_start3A_502, %add3A_500, %dma_start3A_507] : memref<4x8192x1024xf32, #tpu.memory_space<hbm>> -> memref<1x8x1024xf32, #tpu.memory_space<hbm>>
    %dma_start3A_509 = tpu.memref_squeeze %dma_start3A_508 : memref<1x8x1024xf32, #tpu.memory_space<hbm>> -> memref<8x1024xf32, #tpu.memory_space<hbm>>
    %dma_start3A_510 = arith.constant 0 : i32
    %dma_start3A_511 = tpu.memref_slice %arg4[%dma_start3A_502, %add3A_500, %dma_start3A_510] : memref<4x8192x1024xf32, #tpu.memory_space<hbm>> -> memref<1x8x1024xf32, #tpu.memory_space<hbm>>
    %dma_start3A_512 = tpu.memref_squeeze %dma_start3A_511 : memref<1x8x1024xf32, #tpu.memory_space<hbm>> -> memref<8x1024xf32, #tpu.memory_space<hbm>>
    %dma_start3A_513 = arith.constant 0 : i32
    %dma_start3A_514 = arith.constant 0 : i32
    %dma_start3A_515 = tpu.memref_slice %arg6[%dma_start3A_501, %dma_start3A_513, %dma_start3A_514] : memref<4x8x1024xf32, #tpu.memory_space<vmem>> -> memref<1x8x1024xf32, #tpu.memory_space<vmem>>
    %dma_start3A_516 = tpu.memref_squeeze %dma_start3A_515 : memref<1x8x1024xf32, #tpu.memory_space<vmem>> -> memref<8x1024xf32, #tpu.memory_space<vmem>>
    tpu.enqueue_dma source(%dma_start3A_516 : memref<8x1024xf32, #tpu.memory_space<vmem>>) target(%dma_start3A_512 : memref<8x1024xf32, #tpu.memory_space<hbm>>) target_semaphore(%arg15 : memref<!tpu.dma_semaphore, #tpu.memory_space<semaphore_mem>>)
    %dma_start3A_517 = arith.constant 1 : i32
    %dma_start3A_518 = arith.constant 1 : i32
    %dma_start3A_519 = arith.constant 0 : i32
    %dma_start3A_520 = arith.constant 0 : i32
    %dma_start3A_521 = tpu.memref_slice %arg6[%dma_start3A_517, %dma_start3A_519, %dma_start3A_520] : memref<4x8x1024xf32, #tpu.memory_space<vmem>> -> memref<1x8x1024xf32, #tpu.memory_space<vmem>>
    %dma_start3A_522 = tpu.memref_squeeze %dma_start3A_521 : memref<1x8x1024xf32, #tpu.memory_space<vmem>> -> memref<8x1024xf32, #tpu.memory_space<vmem>>
    %dma_start3A_523 = arith.constant 0 : i32
    %dma_start3A_524 = tpu.memref_slice %arg4[%dma_start3A_518, %add3A_500, %dma_start3A_523] : memref<4x8192x1024xf32, #tpu.memory_space<hbm>> -> memref<1x8x1024xf32, #tpu.memory_space<hbm>>
    %dma_start3A_525 = tpu.memref_squeeze %dma_start3A_524 : memref<1x8x1024xf32, #tpu.memory_space<hbm>> -> memref<8x1024xf32, #tpu.memory_space<hbm>>
    %dma_start3A_526 = arith.constant 0 : i32
    %dma_start3A_527 = tpu.memref_slice %arg4[%dma_start3A_518, %add3A_500, %dma_start3A_526] : memref<4x8192x1024xf32, #tpu.memory_space<hbm>> -> memref<1x8x1024xf32, #tpu.memory_space<hbm>>
    %dma_start3A_528 = tpu.memref_squeeze %dma_start3A_527 : memref<1x8x1024xf32, #tpu.memory_space<hbm>> -> memref<8x1024xf32, #tpu.memory_space<hbm>>
    %dma_start3A_529 = arith.constant 0 : i32
    %dma_start3A_530 = arith.constant 0 : i32
    %dma_start3A_531 = tpu.memref_slice %arg6[%dma_start3A_517, %dma_start3A_529, %dma_start3A_530] : memref<4x8x1024xf32, #tpu.memory_space<vmem>> -> memref<1x8x1024xf32, #tpu.memory_space<vmem>>
    %dma_start3A_532 = tpu.memref_squeeze %dma_start3A_531 : memref<1x8x1024xf32, #tpu.memory_space<vmem>> -> memref<8x1024xf32, #tpu.memory_space<vmem>>
    tpu.enqueue_dma source(%dma_start3A_532 : memref<8x1024xf32, #tpu.memory_space<vmem>>) target(%dma_start3A_528 : memref<8x1024xf32, #tpu.memory_space<hbm>>) target_semaphore(%arg15 : memref<!tpu.dma_semaphore, #tpu.memory_space<semaphore_mem>>)
    %dma_start3A_533 = arith.constant 2 : i32
    %dma_start3A_534 = arith.constant 2 : i32
    %dma_start3A_535 = arith.constant 0 : i32
    %dma_start3A_536 = arith.constant 0 : i32
    %dma_start3A_537 = tpu.memref_slice %arg6[%dma_start3A_533, %dma_start3A_535, %dma_start3A_536] : memref<4x8x1024xf32, #tpu.memory_space<vmem>> -> memref<1x8x1024xf32, #tpu.memory_space<vmem>>
    %dma_start3A_538 = tpu.memref_squeeze %dma_start3A_537 : memref<1x8x1024xf32, #tpu.memory_space<vmem>> -> memref<8x1024xf32, #tpu.memory_space<vmem>>
    %dma_start3A_539 = arith.constant 0 : i32
    %dma_start3A_540 = tpu.memref_slice %arg4[%dma_start3A_534, %add3A_500, %dma_start3A_539] : memref<4x8192x1024xf32, #tpu.memory_space<hbm>> -> memref<1x8x1024xf32, #tpu.memory_space<hbm>>
    %dma_start3A_541 = tpu.memref_squeeze %dma_start3A_540 : memref<1x8x1024xf32, #tpu.memory_space<hbm>> -> memref<8x1024xf32, #tpu.memory_space<hbm>>
    %dma_start3A_542 = arith.constant 0 : i32
    %dma_start3A_543 = tpu.memref_slice %arg4[%dma_start3A_534, %add3A_500, %dma_start3A_542] : memref<4x8192x1024xf32, #tpu.memory_space<hbm>> -> memref<1x8x1024xf32, #tpu.memory_space<hbm>>
    %dma_start3A_544 = tpu.memref_squeeze %dma_start3A_543 : memref<1x8x1024xf32, #tpu.memory_space<hbm>> -> memref<8x1024xf32, #tpu.memory_space<hbm>>
    %dma_start3A_545 = arith.constant 0 : i32
    %dma_start3A_546 = arith.constant 0 : i32
    %dma_start3A_547 = tpu.memref_slice %arg6[%dma_start3A_533, %dma_start3A_545, %dma_start3A_546] : memref<4x8x1024xf32, #tpu.memory_space<vmem>> -> memref<1x8x1024xf32, #tpu.memory_space<vmem>>
    %dma_start3A_548 = tpu.memref_squeeze %dma_start3A_547 : memref<1x8x1024xf32, #tpu.memory_space<vmem>> -> memref<8x1024xf32, #tpu.memory_space<vmem>>
    tpu.enqueue_dma source(%dma_start3A_548 : memref<8x1024xf32, #tpu.memory_space<vmem>>) target(%dma_start3A_544 : memref<8x1024xf32, #tpu.memory_space<hbm>>) target_semaphore(%arg15 : memref<!tpu.dma_semaphore, #tpu.memory_space<semaphore_mem>>)
    %dma_start3A_549 = arith.constant 3 : i32
    %dma_start3A_550 = arith.constant 3 : i32
    %dma_start3A_551 = arith.constant 0 : i32
    %dma_start3A_552 = arith.constant 0 : i32
    %dma_start3A_553 = tpu.memref_slice %arg6[%dma_start3A_549, %dma_start3A_551, %dma_start3A_552] : memref<4x8x1024xf32, #tpu.memory_space<vmem>> -> memref<1x8x1024xf32, #tpu.memory_space<vmem>>
    %dma_start3A_554 = tpu.memref_squeeze %dma_start3A_553 : memref<1x8x1024xf32, #tpu.memory_space<vmem>> -> memref<8x1024xf32, #tpu.memory_space<vmem>>
    %dma_start3A_555 = arith.constant 0 : i32
    %dma_start3A_556 = tpu.memref_slice %arg4[%dma_start3A_550, %add3A_500, %dma_start3A_555] : memref<4x8192x1024xf32, #tpu.memory_space<hbm>> -> memref<1x8x1024xf32, #tpu.memory_space<hbm>>
    %dma_start3A_557 = tpu.memref_squeeze %dma_start3A_556 : memref<1x8x1024xf32, #tpu.memory_space<hbm>> -> memref<8x1024xf32, #tpu.memory_space<hbm>>
    %dma_start3A_558 = arith.constant 0 : i32
    %dma_start3A_559 = tpu.memref_slice %arg4[%dma_start3A_550, %add3A_500, %dma_start3A_558] : memref<4x8192x1024xf32, #tpu.memory_space<hbm>> -> memref<1x8x1024xf32, #tpu.memory_space<hbm>>
    %dma_start3A_560 = tpu.memref_squeeze %dma_start3A_559 : memref<1x8x1024xf32, #tpu.memory_space<hbm>> -> memref<8x1024xf32, #tpu.memory_space<hbm>>
    %dma_start3A_561 = arith.constant 0 : i32
    %dma_start3A_562 = arith.constant 0 : i32
    %dma_start3A_563 = tpu.memref_slice %arg6[%dma_start3A_549, %dma_start3A_561, %dma_start3A_562] : memref<4x8x1024xf32, #tpu.memory_space<vmem>> -> memref<1x8x1024xf32, #tpu.memory_space<vmem>>
    %dma_start3A_564 = tpu.memref_squeeze %dma_start3A_563 : memref<1x8x1024xf32, #tpu.memory_space<vmem>> -> memref<8x1024xf32, #tpu.memory_space<vmem>>
    tpu.enqueue_dma source(%dma_start3A_564 : memref<8x1024xf32, #tpu.memory_space<vmem>>) target(%dma_start3A_560 : memref<8x1024xf32, #tpu.memory_space<hbm>>) target_semaphore(%arg15 : memref<!tpu.dma_semaphore, #tpu.memory_space<semaphore_mem>>)
    %add3A_565 = arith.constant 248 : i32
    %add3A_566 = arith.addi %mul3A_2, %add3A_565 : i32
    %dma_wait3A_567 = arith.constant 0 : i32
    %dma_wait3A_568 = arith.constant 0 : i32
    %dma_wait3A_569 = arith.constant 0 : i32
    %dma_wait3A_570 = arith.constant 0 : i32
    %dma_wait3A_571 = tpu.memref_slice %arg6[%dma_wait3A_567, %dma_wait3A_569, %dma_wait3A_570] : memref<4x8x1024xf32, #tpu.memory_space<vmem>> -> memref<1x8x1024xf32, #tpu.memory_space<vmem>>
    %dma_wait3A_572 = tpu.memref_squeeze %dma_wait3A_571 : memref<1x8x1024xf32, #tpu.memory_space<vmem>> -> memref<8x1024xf32, #tpu.memory_space<vmem>>
    %dma_wait3A_573 = arith.constant 0 : i32
    %dma_wait3A_574 = tpu.memref_slice %arg4[%dma_wait3A_568, %add3A_566, %dma_wait3A_573] : memref<4x8192x1024xf32, #tpu.memory_space<hbm>> -> memref<1x8x1024xf32, #tpu.memory_space<hbm>>
    %dma_wait3A_575 = tpu.memref_squeeze %dma_wait3A_574 : memref<1x8x1024xf32, #tpu.memory_space<hbm>> -> memref<8x1024xf32, #tpu.memory_space<hbm>>
    %dma_wait3A_576 = arith.constant 0 : i32
    %dma_wait3A_577 = tpu.memref_slice %arg4[%dma_wait3A_568, %add3A_566, %dma_wait3A_576] : memref<4x8192x1024xf32, #tpu.memory_space<hbm>> -> memref<1x8x1024xf32, #tpu.memory_space<hbm>>
    %dma_wait3A_578 = tpu.memref_squeeze %dma_wait3A_577 : memref<1x8x1024xf32, #tpu.memory_space<hbm>> -> memref<8x1024xf32, #tpu.memory_space<hbm>>
    %dma_wait3A_579 = arith.constant 0 : i32
    %dma_wait3A_580 = arith.constant 0 : i32
    %dma_wait3A_581 = tpu.memref_slice %arg6[%dma_wait3A_567, %dma_wait3A_579, %dma_wait3A_580] : memref<4x8x1024xf32, #tpu.memory_space<vmem>> -> memref<1x8x1024xf32, #tpu.memory_space<vmem>>
    %dma_wait3A_582 = tpu.memref_squeeze %dma_wait3A_581 : memref<1x8x1024xf32, #tpu.memory_space<vmem>> -> memref<8x1024xf32, #tpu.memory_space<vmem>>
    tpu.wait_dma2 semaphore(%arg15 : memref<!tpu.dma_semaphore, #tpu.memory_space<semaphore_mem>>) src(%dma_wait3A_582 : memref<8x1024xf32, #tpu.memory_space<vmem>>) dst(%dma_wait3A_578 : memref<8x1024xf32, #tpu.memory_space<hbm>>)
    %dma_wait3A_583 = arith.constant 1 : i32
    %dma_wait3A_584 = arith.constant 1 : i32
    %dma_wait3A_585 = arith.constant 0 : i32
    %dma_wait3A_586 = arith.constant 0 : i32
    %dma_wait3A_587 = tpu.memref_slice %arg6[%dma_wait3A_583, %dma_wait3A_585, %dma_wait3A_586] : memref<4x8x1024xf32, #tpu.memory_space<vmem>> -> memref<1x8x1024xf32, #tpu.memory_space<vmem>>
    %dma_wait3A_588 = tpu.memref_squeeze %dma_wait3A_587 : memref<1x8x1024xf32, #tpu.memory_space<vmem>> -> memref<8x1024xf32, #tpu.memory_space<vmem>>
    %dma_wait3A_589 = arith.constant 0 : i32
    %dma_wait3A_590 = tpu.memref_slice %arg4[%dma_wait3A_584, %add3A_566, %dma_wait3A_589] : memref<4x8192x1024xf32, #tpu.memory_space<hbm>> -> memref<1x8x1024xf32, #tpu.memory_space<hbm>>
    %dma_wait3A_591 = tpu.memref_squeeze %dma_wait3A_590 : memref<1x8x1024xf32, #tpu.memory_space<hbm>> -> memref<8x1024xf32, #tpu.memory_space<hbm>>
    %dma_wait3A_592 = arith.constant 0 : i32
    %dma_wait3A_593 = tpu.memref_slice %arg4[%dma_wait3A_584, %add3A_566, %dma_wait3A_592] : memref<4x8192x1024xf32, #tpu.memory_space<hbm>> -> memref<1x8x1024xf32, #tpu.memory_space<hbm>>
    %dma_wait3A_594 = tpu.memref_squeeze %dma_wait3A_593 : memref<1x8x1024xf32, #tpu.memory_space<hbm>> -> memref<8x1024xf32, #tpu.memory_space<hbm>>
    %dma_wait3A_595 = arith.constant 0 : i32
    %dma_wait3A_596 = arith.constant 0 : i32
    %dma_wait3A_597 = tpu.memref_slice %arg6[%dma_wait3A_583, %dma_wait3A_595, %dma_wait3A_596] : memref<4x8x1024xf32, #tpu.memory_space<vmem>> -> memref<1x8x1024xf32, #tpu.memory_space<vmem>>
    %dma_wait3A_598 = tpu.memref_squeeze %dma_wait3A_597 : memref<1x8x1024xf32, #tpu.memory_space<vmem>> -> memref<8x1024xf32, #tpu.memory_space<vmem>>
    tpu.wait_dma2 semaphore(%arg15 : memref<!tpu.dma_semaphore, #tpu.memory_space<semaphore_mem>>) src(%dma_wait3A_598 : memref<8x1024xf32, #tpu.memory_space<vmem>>) dst(%dma_wait3A_594 : memref<8x1024xf32, #tpu.memory_space<hbm>>)
    %dma_wait3A_599 = arith.constant 2 : i32
    %dma_wait3A_600 = arith.constant 2 : i32
    %dma_wait3A_601 = arith.constant 0 : i32
    %dma_wait3A_602 = arith.constant 0 : i32
    %dma_wait3A_603 = tpu.memref_slice %arg6[%dma_wait3A_599, %dma_wait3A_601, %dma_wait3A_602] : memref<4x8x1024xf32, #tpu.memory_space<vmem>> -> memref<1x8x1024xf32, #tpu.memory_space<vmem>>
    %dma_wait3A_604 = tpu.memref_squeeze %dma_wait3A_603 : memref<1x8x1024xf32, #tpu.memory_space<vmem>> -> memref<8x1024xf32, #tpu.memory_space<vmem>>
    %dma_wait3A_605 = arith.constant 0 : i32
    %dma_wait3A_606 = tpu.memref_slice %arg4[%dma_wait3A_600, %add3A_566, %dma_wait3A_605] : memref<4x8192x1024xf32, #tpu.memory_space<hbm>> -> memref<1x8x1024xf32, #tpu.memory_space<hbm>>
    %dma_wait3A_607 = tpu.memref_squeeze %dma_wait3A_606 : memref<1x8x1024xf32, #tpu.memory_space<hbm>> -> memref<8x1024xf32, #tpu.memory_space<hbm>>
    %dma_wait3A_608 = arith.constant 0 : i32
    %dma_wait3A_609 = tpu.memref_slice %arg4[%dma_wait3A_600, %add3A_566, %dma_wait3A_608] : memref<4x8192x1024xf32, #tpu.memory_space<hbm>> -> memref<1x8x1024xf32, #tpu.memory_space<hbm>>
    %dma_wait3A_610 = tpu.memref_squeeze %dma_wait3A_609 : memref<1x8x1024xf32, #tpu.memory_space<hbm>> -> memref<8x1024xf32, #tpu.memory_space<hbm>>
    %dma_wait3A_611 = arith.constant 0 : i32
    %dma_wait3A_612 = arith.constant 0 : i32
    %dma_wait3A_613 = tpu.memref_slice %arg6[%dma_wait3A_599, %dma_wait3A_611, %dma_wait3A_612] : memref<4x8x1024xf32, #tpu.memory_space<vmem>> -> memref<1x8x1024xf32, #tpu.memory_space<vmem>>
    %dma_wait3A_614 = tpu.memref_squeeze %dma_wait3A_613 : memref<1x8x1024xf32, #tpu.memory_space<vmem>> -> memref<8x1024xf32, #tpu.memory_space<vmem>>
    tpu.wait_dma2 semaphore(%arg15 : memref<!tpu.dma_semaphore, #tpu.memory_space<semaphore_mem>>) src(%dma_wait3A_614 : memref<8x1024xf32, #tpu.memory_space<vmem>>) dst(%dma_wait3A_610 : memref<8x1024xf32, #tpu.memory_space<hbm>>)
    %dma_wait3A_615 = arith.constant 3 : i32
    %dma_wait3A_616 = arith.constant 3 : i32
    %dma_wait3A_617 = arith.constant 0 : i32
    %dma_wait3A_618 = arith.constant 0 : i32
    %dma_wait3A_619 = tpu.memref_slice %arg6[%dma_wait3A_615, %dma_wait3A_617, %dma_wait3A_618] : memref<4x8x1024xf32, #tpu.memory_space<vmem>> -> memref<1x8x1024xf32, #tpu.memory_space<vmem>>
    %dma_wait3A_620 = tpu.memref_squeeze %dma_wait3A_619 : memref<1x8x1024xf32, #tpu.memory_space<vmem>> -> memref<8x1024xf32, #tpu.memory_space<vmem>>
    %dma_wait3A_621 = arith.constant 0 : i32
    %dma_wait3A_622 = tpu.memref_slice %arg4[%dma_wait3A_616, %add3A_566, %dma_wait3A_621] : memref<4x8192x1024xf32, #tpu.memory_space<hbm>> -> memref<1x8x1024xf32, #tpu.memory_space<hbm>>
    %dma_wait3A_623 = tpu.memref_squeeze %dma_wait3A_622 : memref<1x8x1024xf32, #tpu.memory_space<hbm>> -> memref<8x1024xf32, #tpu.memory_space<hbm>>
    %dma_wait3A_624 = arith.constant 0 : i32
    %dma_wait3A_625 = tpu.memref_slice %arg4[%dma_wait3A_616, %add3A_566, %dma_wait3A_624] : memref<4x8192x1024xf32, #tpu.memory_space<hbm>> -> memref<1x8x1024xf32, #tpu.memory_space<hbm>>
    %dma_wait3A_626 = tpu.memref_squeeze %dma_wait3A_625 : memref<1x8x1024xf32, #tpu.memory_space<hbm>> -> memref<8x1024xf32, #tpu.memory_space<hbm>>
    %dma_wait3A_627 = arith.constant 0 : i32
    %dma_wait3A_628 = arith.constant 0 : i32
    %dma_wait3A_629 = tpu.memref_slice %arg6[%dma_wait3A_615, %dma_wait3A_627, %dma_wait3A_628] : memref<4x8x1024xf32, #tpu.memory_space<vmem>> -> memref<1x8x1024xf32, #tpu.memory_space<vmem>>
    %dma_wait3A_630 = tpu.memref_squeeze %dma_wait3A_629 : memref<1x8x1024xf32, #tpu.memory_space<vmem>> -> memref<8x1024xf32, #tpu.memory_space<vmem>>
    tpu.wait_dma2 semaphore(%arg15 : memref<!tpu.dma_semaphore, #tpu.memory_space<semaphore_mem>>) src(%dma_wait3A_630 : memref<8x1024xf32, #tpu.memory_space<vmem>>) dst(%dma_wait3A_626 : memref<8x1024xf32, #tpu.memory_space<hbm>>)
    return
  }
}

</mosaic_0001>

<sc_bundles>
// kernel: kernel.3.cloned.1.call-start
scs
__scs_entry_jumppad:
0x0: {  	(pc) =	sbr.rel $0x88, $3  }
0x1: {  	(tag) =	ssettag $0x0;
	lr =	simm.s32 $0x1  }
0x2: {  	[smem:$0x3F9F] =	sst lr;
	_ =	strace $0xD0000000  }
0x3: {  	_ = 	snop  }
0x4: {  	_ = 	snop  }
0x5: {  	_ = 	snop  }
0x6: {  	_ = 	snop  }
0x7: {  	_ = 	snop  }
__scs_overlays_trampoline_lowered:
0x8: {  	[smem:$0x3FAE] =	sst s0  }
0x9: {  	[smem:$0x3FAF] =	sst s1  }
0xa: {  	[smem:$0x3FB0] =	sst s2  }
0xb: {  	[smem:$0x3FB1] =	sst s3  }
0xc: {  	[smem:$0x3FB2] =	sst s4  }
0xd: {  	[smem:$0x3FB3] =	sst s5  }
0xe: {  	[smem:$0x3FB4] =	sst s6  }
0xf: {  	[smem:$0x3FB5] =	sst s7  }
0x10: {  	[smem:$0x3FB6] =	sst s8  }
0x11: {  	[smem:$0x3FB7] =	sst s9;
	s0 =	simm.s32 @!p0 $0x0  }
0x12: {  	s1 =	sld [smem:$0x3F9D];
	s0 =	simm.s32 @p0 $0x1  }
0x13: {  	[smem:$0x3FB8] =	sst s0;
	s0 =	simm.s32 @!p1 $0x0  }
0x14: {  	s2 =	sld [smem:$0x3F9C];
	s0 =	simm.s32 @p1 $0x1  }
0x15: {  	[smem:$0x3FB9] =	sst s0;
	s0 =	simm.s32 @!p2 $0x0  }
0x16: {  	s3 =	sld [smem:$0x3FDB];
	s0 =	simm.s32 @p2 $0x1  }
0x17: {  	s4 =	simm.s32 $0x1BF5;
	[smem:$0x3FBB] =	sst s0  }
0x18: {  	s0 =	sld [smem:$0x3F9E];
	_ =	swait.ge [sflag:s4], $0x0  }
0x19: {  	s7 =	sld [smem:$0x3F9F]  }
0x1a: {  	s8 =	sadd.s32 $0xFFFFE003, lr  }
0x1b: {  	s9 =	sadd.s32 $0xFFFFFEF7, lr;
	s5 =	simm.s32 $0xFFFFFFFF;
	p2 =	slt.u32 s8, $0xFFFFF086  }
0x1c: {  	p1 =	slt.u32 s9, $0xF7A;
	s5 =	simm.s32 @!p2 $0x0  }
0x1d: {  	s5 =	simm.s32 @p1 $0x1;
	p0 =	seq.s32 s7, s2  }
0x1e: {  	s7 =	smul.u32 @!p0 $0xF7A, s2;
	p2 =	seq.s32 @!p0 s5, $0x0  }
0x1f: {  	s9 =	smul.u32 $0xF7A, s1;
	s8 =	simm.s32 @!p0 $0x1BF5;
	p2 =	por !p2, p0  }
0x20: {  	[sflag:s8] =	ssyncset.s32 @!p0 $0xFFFFF086;
	s6 =	sadd.s32 @!p0 s3, s7;
	s7 =	simm.s32 @!p0 $0x108  }
0x21: {  	s3 =	sadd.s32 s3, s9;
	s6 =	sadd.s32 @!p0 $0x88, s6;
	s7 =	simm.s32 @p2 $0x1082  }
0x22: {  	[simem:s7], [sflag:s8] =	dma.local @!p0 [hbm:s6], $0xF7A  }
0x23: {  	s9 =	sor.u32 $0xD0000000, s2;
	s6 =	simm.s32 $0x108;
	_ =	swait.ge @!p0 [sflag:s8], $0x0  }
0x24: {  	s3 =	sadd.s32 $0x88, s3;
	s6 =	simm.s32 @!p1 $0x1082;
	[sflag:s4] =	ssyncset.s32 $0xFFFFF086  }
0x25: {  	[simem:s6], [sflag:s4] =	dma.local [hbm:s3], $0xF7A  }
0x26: {  	[smem:$0x3F9F] =	sst s1;
	(tag) =	ssettag s2;
	_ =	strace s9  }
0x27: {  	s1 =	sld [smem:$0x3FAF]  }
0x28: {  	s2 =	sld [smem:$0x3FB0]  }
0x29: {  	s4 =	sld [smem:$0x3FB2]  }
0x2a: {  	p0 =	seq.s32 s5, $0x0;
	s5 =	sld [smem:$0x3FB3]  }
0x2b: {  	s6 =	sld [smem:$0x3FB4]  }
0x2c: {  	s7 =	sld [smem:$0x3FB5]  }
0x2d: {  	s3 =	simm.s32 $0x108;
	s8 =	sld [smem:$0x3FB6]  }
0x2e: {  	s3 =	simm.s32 @!p0 $0x1082;
	s9 =	sld [smem:$0x3FB7]  }
0x2f: {  	lr =	sadd.s32 s0, s3;
	s0 =	sld [smem:$0x3FAE]  }
0x30: {  	s3 =	sld [smem:$0x3FB1]  }
0x31: {  	[smem:$0x3FBA] =	sst s10  }
0x32: {  	s10 =	sld [smem:$0x3FB8];
	_ =	sdelay $0x3  }
0x33: {  	p0 =	seq.s32 s10, $0x1;
	s10 =	sld [smem:$0x3FBA];
	_ =	sdelay $0x3  }
0x34: {  	[smem:$0x3FBA] =	sst s10  }
0x35: {  	s10 =	sld [smem:$0x3FB9];
	_ =	sdelay $0x3  }
0x36: {  	p1 =	seq.s32 s10, $0x1;
	s10 =	sld [smem:$0x3FBA];
	_ =	sdelay $0x3  }
0x37: {  	[smem:$0x3FBA] =	sst s10  }
0x38: {  	s10 =	sld [smem:$0x3FBB]  }
0x39: {  	_ = 	snop;
	(pc) =	sbr.ind lr, $3  }
0x3a: {  	_ = 	snop  }
0x3b: {  	_ = 	snop  }
0x3c: {  	p2 =	seq.s32 s10, $0x1;
	s10 =	sld [smem:$0x3FBA]  }
0x3d: {  	_ =	shalt  }
0x3e: {  	_ =	shalt  }
0x3f: {  	_ =	shalt  }
0x40: {  	_ =	shalt  }
0x41: {  	_ =	shalt  }
0x42: {  	_ =	shalt  }
0x43: {  	_ =	shalt  }
0x44: {  	_ =	shalt  }
0x45: {  	_ =	shalt  }
0x46: {  	_ =	shalt  }
0x47: {  	_ =	shalt  }
0x48: {  	_ =	shalt  }
0x49: {  	_ =	shalt  }
0x4a: {  	_ =	shalt  }
0x4b: {  	_ =	shalt  }
0x4c: {  	_ =	shalt  }
0x4d: {  	_ =	shalt  }
0x4e: {  	_ =	shalt  }
0x4f: {  	_ =	shalt  }
0x50: {  	_ =	shalt  }
0x51: {  	_ =	shalt  }
0x52: {  	_ =	shalt  }
0x53: {  	_ =	shalt  }
0x54: {  	_ =	shalt  }
0x55: {  	_ =	shalt  }
0x56: {  	_ =	shalt  }
0x57: {  	_ =	shalt  }
0x58: {  	_ =	shalt  }
0x59: {  	_ =	shalt  }
0x5a: {  	_ =	shalt  }
0x5b: {  	_ =	shalt  }
0x5c: {  	_ =	shalt  }
0x5d: {  	_ =	shalt  }
0x5e: {  	_ =	shalt  }
0x5f: {  	_ =	shalt  }
0x60: {  	_ =	shalt  }
0x61: {  	_ =	shalt  }
0x62: {  	_ =	shalt  }
0x63: {  	_ =	shalt  }
0x64: {  	_ =	shalt  }
0x65: {  	_ =	shalt  }
0x66: {  	_ =	shalt  }
0x67: {  	_ =	shalt  }
0x68: {  	_ =	shalt  }
0x69: {  	_ =	shalt  }
0x6a: {  	_ =	shalt  }
0x6b: {  	_ =	shalt  }
0x6c: {  	_ =	shalt  }
0x6d: {  	_ =	shalt  }
0x6e: {  	_ =	shalt  }
0x6f: {  	_ =	shalt  }
0x70: {  	_ =	shalt  }
0x71: {  	_ =	shalt  }
0x72: {  	_ =	shalt  }
0x73: {  	_ =	shalt  }
0x74: {  	_ =	shalt  }
0x75: {  	_ =	shalt  }
0x76: {  	_ =	shalt  }
0x77: {  	_ =	shalt  }
0x78: {  	_ =	shalt  }
0x79: {  	_ =	shalt  }
0x7a: {  	_ =	shalt  }
0x7b: {  	_ =	shalt  }
0x7c: {  	_ =	shalt  }
0x7d: {  	_ =	shalt  }
0x7e: {  	_ =	shalt  }
0x7f: {  	_ =	shalt  }
0x80: {  	_ =	shalt  }
0x81: {  	_ =	shalt  }
0x82: {  	_ =	shalt  }
0x83: {  	_ =	shalt  }
0x84: {  	_ =	shalt  }
0x85: {  	_ =	shalt  }
0x86: {  	_ =	shalt  }
0x87: {  	_ =	shalt  }
.Lfunc_end0:
.L_simem_size_0:
called_computation_lowered:
.L_overlay_start_0:
0x88: {  	s2 =	sld [smem:$0x3FD9]  }
0x89: {  	s3 =	sld [smem:$0x3FFE];
	_ =	sdelay $0x1  }
0x8a: {  	s1 =	srdreg.scid  }
0x8b: {  	s0 =	sand.u32 $0x1, s1  }
0x8c: {  	s18 =	sshll.u32 s0, $0xA;
	s2 =	sadd.s32 s3, s2  }
0x8d: {  	s2 =	sadd.s32 s2, s18  }
0x8e: {  	[smem:$0x3FC6] =	sst s2  }
0x8f: {  	_ = 	snop  }
0x90: {  	s2 =	sld [smem:$0x3FC9]  }
0x91: {  	s19 =	sld [smem:$0x3FC8]  }
0x92: {  	s4 =	sld [smem:$0x3FD0];
	(tm) =	ssettm $0x1  }
0x93: {  	s5 =	sld [smem:$0x3FFB];
	_ =	sdelay $0x3  }
0x94: {  	_ =	strace s5  }
0x95: {  	s5 =	sld [smem:$0x3FFC];
	_ =	sdelay $0x3  }
0x96: {  	_ =	strace s5  }
0x97: {  	s5 =	sld [smem:$0x3FFD];
	_ =	sdelay $0x3  }
0x98: {  	_ =	strace s5  }
0x99: {  	_ =	strace $0x8FFFFFFF  }
0x9a: {  	s20 =	sld [smem:$0x3FDB];
	_ =	sdelay $0x1  }
0x9b: {  	s6 =	simm.s32 $_scs_section_size  }
0x9c: {  	s7 =	simm.s32 $_size__tile_overlayer_lowered;
	s8 =	simm.s32 $_tile_overlayer_lowered  }
0x9d: {  	s23 =	simm.s32 $0x1BFF;
	s22 =	sshll.u32 s8, $0x1;
	s5 =	sadd.s32 s6, s20  }
0x9e: {  	s9 =	simm.s32 $0x0;
	s21 =	sshll.u32 s7, $0x1;
	s7 =	sadd.s32 s22, s5  }
0x9f: {  	[timem:s9], [sflag:s23] =	dma.local [hbm:s7], s21  }
0xa0: {  	_ =	swait.ge [sflag:s23], s21  }
0xa1: {  	s6 =	ssub.s32 $0x0, s21;
	[sflag:s23] =	ssyncset.done $0x0  }
0xa2: {  	[sflag:s23] =	ssyncadd.s32 s6;
	_ =	sdelay $0x1  }
0xa3: {  	s24 =	simm.s32 $0x1B8B  }
0xa4: {  	_ =	swait.ge [sflag:s24], $0x1  }
0xa5: {  	[sflag:s24] =	ssyncset.done $0x0  }
0xa6: {  	s25 =	simm.s32 $0x1B8E;
	[sflag:s24] =	ssyncadd.s32 $0xFFFFFFFF  }
0xa7: {  	s26 =	simm.s32 $execute0_lowered;
	[smem:$0x3FD2] =	sst s25  }
0xa8: {  	s6 =	sshll.u32 s26, $0x1;
	_ =	strace $0x80000046;
	[dreg:$0x1] =	wrdreg $0xFFFFFFFF  }
0xa9: {  	s28 =	simm.s32 $_size_execute0_lowered;
	s5 =	sadd.s32 s5, s6;
	[dreg:$0x0] =	wrdreg $0x0  }
0xaa: {  	s6 =	sshll.u32 s28, $0x1;
	[dreg:$0x2] =	wrdreg s5  }
0xab: {  	[dreg:$0x3] =	wrdreg s6  }
0xac: {  	[dreg:$0x4] =	wrdreg $0xC0  }
0xad: {  	_ =	task [dreg:s9], $0x5FFFF  }
0xae: {  	[dreg:$0x1] =	wrdreg $0xFFFFFFFF  }
0xaf: {  	[dreg:$0x0] =	wrdreg $0x60  }
0xb0: {  	[dreg:$0x2] =	wrdreg s2  }
0xb1: {  	[dreg:$0x3] =	wrdreg s19  }
0xb2: {  	[dreg:$0x4] =	wrdreg s4  }
0xb3: {  	[dreg:$0x5] =	wrdreg $0x9  }
0xb4: {  	_ =	task.clear_ibuf [dreg:s9], $0x6FFFF;
	_ =	strace $0x90000046  }
0xb5: {  	s29 =	simm.s32 $0x9;
	_ =	strace $0x80000048  }
0xb6: {  	_ =	swait.ge [sflag:s29], $0x1  }
0xb7: {  	[sflag:s29] =	ssyncadd.s32 $0xFFFFFFFF  }
0xb8: {  	_ =	strace $0x90000048  }
0xb9: {  	_ =	sfence  }
0xba: {  	s30 =	sld [smem:$0x0];
	_ =	sdelay $0x2  }
0xbb: {  	s31 =	sshll.u32 s1, $0xD;
	s1 =	sshrl.u32 s1, $0x2  }
0xbc: {  	s3 =	sand.u32 $0x4000, s31;
	s1 =	sadd.s32 s1, s30  }
0xbd: {  	s0 =	sor.u32 s3, s0;
	s1 =	sshll.u32 s1, $0x11  }
0xbe: {  	s0 =	sor.u32 s1, s0  }
0xbf: {  	s0 =	sadd.s32 $0x8F2B, s0  }
0xc0: {  	[sflag:s0] =	ssyncadd.remote.s32 $0x1  }
0xc1: {  	_ =	sfence.sel $0xFFFF  }
0xc2: {  	[dreg:$0x0] =	wrdreg $0xFFFFFFFF;
	(pc) =	sbr.abs _section_cstart, $3  }
0xc3: {  	[dreg:$0x1] =	wrdreg $0xFFFFFFFF  }
0xc4: {  	_ =	task.clear_ibuf [dreg:s9], $0x2FFFF;
	_ =	strace $0x9FFFFFFF  }
0xc5: {  	(tm) =	ssettm $0x7FFFFFFF  }
tec
execute0_lowered:
.L_overlay_start_1:
0x0: {  	(tag) =	ssettag $0x1  }
0x1: {  	s1 =	rddreg [dreg:$0x0];
	s0 =	srdreg.scid  }
0x2: {  	s3 =	rddreg [dreg:$0x1];
	s2 =	stileid.u32  }
0x3: {  	s4 =	rddreg [dreg:$0x2];
	s5 =	simm.s32 $0x0;
	s0 =	sand.u32 $0x1, s0  }
0x4: {  	s2 =	sshll.u32 s2, $0x9;
	[smem:$0x7FF] =	sst s5;
	s6 =	sshll.u32 s0, $0x8  }
0x5: {  	s0 =	ssub.s32 $0x2, s0;
	_ =	strace $0x80000047;
	s7 =	sor.u32 s6, s2  }
0x6: {  	s2 =	sshll.u32 s7, $0x7;
	[dreg:$0x4] =	wrdreg s7;
	s31 =	sor.u32 $0x8, s7  }
0x7: {  	s15 =	sshrl.u32 s7, $0x3;
	s13 =	sadd.s32 s3, s2;
	[dreg:$0x1b] =	wrdreg s31  }
0x8: {  	s9 =	sshrl.u32 s0, $0x1;
	s16 =	sor.u32 $0x2, s15;
	[dreg:$0x9] =	wrdreg s13  }
0x9: {  	s0 =	ssub.s32 s0, s9;
	s17 =	sor.u32 $0x3, s15;
	[dreg:$0xc] =	wrdreg s16  }
0xa: {  	s0 =	smax.u32 s0, $0x1;
	[dreg:$0xd] =	wrdreg s17  }
0xb: {  	s8 =	sadd.s32 s1, s2;
	[dreg:$0x17] =	wrdreg s0  }
0xc: {  	s10 =	sadd.s32 $0x100000, s8;
	[dreg:$0x5] =	wrdreg s8  }
0xd: {  	s11 =	sadd.s32 $0x200000, s8;
	[dreg:$0x6] =	wrdreg s10  }
0xe: {  	s14 =	sor.u32 $0x400, s2;
	s12 =	sadd.s32 $0x300000, s8;
	[dreg:$0x7] =	wrdreg s11  }
0xf: {  	s9 =	sadd.s32 s1, s14;
	[dreg:$0x8] =	wrdreg s12  }
0x10: {  	s2 =	sadd.s32 s2, s4;
	s6 =	sadd.s32 s3, s14;
	[dreg:$0xa] =	wrdreg s9  }
0x11: {  	s18 =	sadd.s32 $0x107800, s2;
	[dreg:$0xb] =	wrdreg s6  }
0x12: {  	s19 =	sadd.s32 $0x207800, s2;
	[dreg:$0xf] =	wrdreg s18  }
0x13: {  	s20 =	sadd.s32 $0x7800, s2;
	[dreg:$0x10] =	wrdreg s19  }
0x14: {  	s21 =	sadd.s32 $0x307800, s2;
	[dreg:$0x11] =	wrdreg s20  }
0x15: {  	s22 =	sadd.s32 $0x107C00, s2;
	[dreg:$0x12] =	wrdreg s21  }
0x16: {  	s28 =	simm.s32 $0x5;
	s23 =	sadd.s32 $0x7C00, s2;
	[dreg:$0x13] =	wrdreg s22  }
0x17: {  	s30 =	sadd.s32 $0x200000, s4;
	s24 =	sadd.s32 $0x207C00, s2;
	[dreg:$0x14] =	wrdreg s23  }
0x18: {  	s7 =	simm.s32 $0x0;
	s2 =	sadd.s32 $0x307C00, s2;
	[dreg:$0x15] =	wrdreg s24  }
0x19: {  	s25 =	sadd.s32 $0x100400, s8;
	s26 =	sadd.s32 $0x200400, s8;
	[dreg:$0x16] =	wrdreg s2  }
0x1a: {  	s29 =	sadd.s32 $0x300400, s8;
	s0 =	simm.s32 $0x4000;
	[dreg:$0x18] =	wrdreg s25  }
0x1b: {  	s8 =	simm.s32 $0x6000;
	s13 =	simm.s32 $0xE000;
	[dreg:$0x19] =	wrdreg s26  }
0x1c: {  	s16 =	simm.s32 $0x10000;
	s6 =	sor.u32 $0x4, s15;
	[dreg:$0x1a] =	wrdreg s29  }
0x1d: {  	s2 =	simm.s32 $0x2000;
	s10 =	simm.s32 $0x8000;
	s11 =	simm.s32 $0xA000  }
0x1e: {  	s12 =	simm.s32 $0xC000;
	s18 =	simm.s32 $0x1;
	s19 =	simm.s32 $0x12000  }
0x1f: {  	s20 =	simm.s32 $0x14000;
	s22 =	simm.s32 $0x16000;
	s24 =	simm.s32 $0x2  }
0x20: {  	s25 =	simm.s32 $0x4;
	s26 =	simm.s32 $0x3;
	[dreg:$0xe] =	wrdreg s6  }
.LBB2_1:
0x21: {  	[dreg:$0x1c] =	wrdreg s7  }
0x22: {  	s6 =	rddreg [dreg:$0x5]  }
0x23: {  	[tilespmem:s5], [sflag:$0x1] =	stream.linear.gather [hbm4b:s6+s5], $0x2000, $0x38;
	[tilespmem:$0x1E000] =	vst v63  }
0x24: {  	s21 =	rddreg [dreg:$0x6]  }
0x25: {  	[tilespmem:s2], [sflag:$0x1] =	stream.linear.gather [hbm4b:s21+s5], $0x2000, $0x38;
	[tilespmem:$0x1E000] =	vst v63  }
0x26: {  	s23 =	rddreg [dreg:$0x7]  }
0x27: {  	[tilespmem:s0], [sflag:$0x1] =	stream.linear.gather [hbm4b:s23+s5], $0x2000, $0x38;
	[tilespmem:$0x1E000] =	vst v63  }
0x28: {  	s31 =	rddreg [dreg:$0x8]  }
0x29: {  	[tilespmem:s8], [sflag:$0x1] =	stream.linear.gather [hbm4b:s31+s5], $0x2000, $0x38;
	[tilespmem:$0x1E000] =	vst v63  }
0x2a: {  	s7 =	rddreg [dreg:$0x9];
	s9 =	simm.s32 $0x18000  }
0x2b: {  	[tilespmem:s9], [sflag:$0x1] =	stream.linear.gather [hbm4b:s7+s5], $0x2000, $0x38;
	[tilespmem:$0x1E000] =	vst v63  }
0x2c: {  	s14 =	rddreg [dreg:$0xa]  }
0x2d: {  	[tilespmem:s10], [sflag:$0x2] =	stream.linear.gather [hbm4b:s14+s5], $0x2000, $0x38;
	[tilespmem:$0x1E000] =	vst v63  }
0x2e: {  	s15 =	rddreg [dreg:$0x18]  }
0x2f: {  	[tilespmem:s11], [sflag:$0x2] =	stream.linear.gather [hbm4b:s15+s5], $0x2000, $0x38;
	[tilespmem:$0x1E000] =	vst v63  }
0x30: {  	s17 =	rddreg [dreg:$0x19]  }
0x31: {  	[tilespmem:s12], [sflag:$0x2] =	stream.linear.gather [hbm4b:s17+s5], $0x2000, $0x38;
	[tilespmem:$0x1E000] =	vst v63  }
0x32: {  	s21 =	rddreg [dreg:$0x1a]  }
0x33: {  	[tilespmem:s13], [sflag:$0x2] =	stream.linear.gather [hbm4b:s21+s5], $0x2000, $0x38;
	[tilespmem:$0x1E000] =	vst v63  }
0x34: {  	s29 =	simm.s32 $0x0;
	s23 =	rddreg [dreg:$0xb];
	s31 =	simm.s32 $0x1A000  }
0x35: {  	[tilespmem:s31], [sflag:$0x2] =	stream.linear.gather [hbm4b:s23+s5], $0x2000, $0x38;
	[tilespmem:$0x1E000] =	vst v63  }
.LBB2_2:
0x36: {  	_ =	swait.ge [sflag:s18], $0x2000  }
0x37: {  	[sflag:s18] =	ssyncset.done $0x0  }
0x38: {  	[sflag:s18] =	ssyncadd.s32 $0xFFFFE000  }
0x39: {  	_ =	swait.ge [sflag:s18], $0x2000  }
0x3a: {  	[sflag:s18] =	ssyncset.done $0x0  }
0x3b: {  	[sflag:s18] =	ssyncadd.s32 $0xFFFFE000  }
0x3c: {  	_ =	swait.ge [sflag:s18], $0x2000  }
0x3d: {  	[sflag:s18] =	ssyncset.done $0x0  }
0x3e: {  	[sflag:s18] =	ssyncadd.s32 $0xFFFFE000  }
0x3f: {  	_ =	swait.ge [sflag:s18], $0x2000  }
0x40: {  	[sflag:s18] =	ssyncset.done $0x0  }
0x41: {  	[sflag:s18] =	ssyncadd.s32 $0xFFFFE000  }
0x42: {  	_ =	swait.ge [sflag:s18], $0x2000  }
0x43: {  	p0 =	seq.s32 s29, $0x0;
	[sflag:s18] =	ssyncset.done $0x0  }
0x44: {  	s9 =	simm.s32 @!p0 $0x6;
	[sflag:s18] =	ssyncadd.s32 $0xFFFFE000  }
0x45: {  	_ =	swait.ge @!p0 [sflag:s9], $0x2000  }
0x46: {  	[sflag:s9] =	ssyncset.done @!p0 $0x0  }
0x47: {  	[sflag:s9] =	ssyncadd.s32 @!p0 $0xFFFFE000  }
0x48: {  	_ =	swait.ge @!p0 [sflag:s9], $0x2000  }
0x49: {  	[sflag:s9] =	ssyncset.done @!p0 $0x0  }
0x4a: {  	[sflag:s9] =	ssyncadd.s32 @!p0 $0xFFFFE000  }
0x4b: {  	_ =	swait.ge @!p0 [sflag:s9], $0x2000  }
0x4c: {  	[sflag:s9] =	ssyncset.done @!p0 $0x0  }
0x4d: {  	[sflag:s9] =	ssyncadd.s32 @!p0 $0xFFFFE000  }
0x4e: {  	s6 =	smul.u32 $0x3, s29;
	_ =	swait.ge @!p0 [sflag:s9], $0x2000  }
0x4f: {  	s7 =	rddreg [dreg:$0xc]  }
0x50: {  	s7 =	sadd.s32 s6, s7  }
0x51: {  	[sflag:s9] =	ssyncset.done @!p0 $0x0;
	s7 =	sshll.u32 s7, $0xA  }
0x52: {  	s15 =	simm.s32 $0x0;
	[sflag:s9] =	ssyncadd.s32 @!p0 $0xFFFFE000;
	s14 =	sadd.s32 s1, s7  }
0x53: {  	[tilespmem:s16], [sflag:$0x3] =	stream.linear.gather [hbm4b:s14+s15], $0x2000, $0x38;
	[tilespmem:$0x1E000] =	vst v63  }
0x54: {  	s14 =	sand.u32 $0x1FFFFC00, s7  }
0x55: {  	s23 =	sadd.s32 $0x100000, s14  }
0x56: {  	s9 =	sor.u32 $0x200000, s7;
	s16 =	sadd.s32 s1, s23  }
0x57: {  	[tilespmem:s19], [sflag:$0x3] =	stream.linear.gather [hbm4b:s16+s15], $0x2000, $0x38;
	[tilespmem:$0x1E000] =	vst v63  }
0x58: {  	s17 =	sadd.s32 s1, s9  }
0x59: {  	[tilespmem:s20], [sflag:$0x3] =	stream.linear.gather [hbm4b:s17+s15], $0x2000, $0x38;
	[tilespmem:$0x1E000] =	vst v63  }
0x5a: {  	s17 =	sadd.s32 $0x300000, s14  }
0x5b: {  	s21 =	rddreg [dreg:$0x4];
	s14 =	sadd.s32 s1, s17  }
0x5c: {  	[tilespmem:s22], [sflag:$0x3] =	stream.linear.gather [hbm4b:s14+s15], $0x2000, $0x38;
	[tilespmem:$0x1E000] =	vst v63  }
0x5d: {  	s19 =	sadd.s32 s3, s7;
	s20 =	simm.s32 $0x1C000;
	s14 =	smul.u32 $0x18, s29  }
0x5e: {  	[tilespmem:s20], [sflag:$0x3] =	stream.linear.gather [hbm4b:s19+s15], $0x2000, $0x38;
	[tilespmem:$0x1E000] =	vst v63  }
0x5f: {  	s31 =	simm.s32 $0x0;
	s16 =	sadd.s32 s21, s14  }
.LBB2_3:
0x60: {  	s19 =	sshra.s32 s15, $0x2  }
0x61: {  	v0 =	vld [tilespmem:s19+$0x18070]  }
0x62: {  	v1 =	vld [tilespmem:s19+$0x18000]  }
0x63: {  	v2 =	vld [tilespmem:s19+$0x18010]  }
0x64: {  	v3 =	vld [tilespmem:s19+$0x18020]  }
0x65: {  	v4 =	vld [tilespmem:s19+$0x18030]  }
0x66: {  	v5 =	vld [tilespmem:s19+$0x18040]  }
0x67: {  	v6 =	vld [tilespmem:s19+$0x18050]  }
0x68: {  	v7 =	vld [tilespmem:s19+$0x18060]  }
0x69: {  	[tilespmem:s19+$0x6070] =	vst.add.f32.msk $0xffff, v0  }
0x6a: {  	[tilespmem:s19+$0x0] =	vst.add.f32.msk $0xffff, v1  }
0x6b: {  	[tilespmem:s19+$0x2000] =	vst.add.f32.msk $0xffff, v1  }
0x6c: {  	[tilespmem:s19+$0x4000] =	vst.add.f32.msk $0xffff, v1  }
0x6d: {  	[tilespmem:s19+$0x6000] =	vst.add.f32.msk $0xffff, v1  }
0x6e: {  	[tilespmem:s19+$0x10] =	vst.add.f32.msk $0xffff, v2  }
0x6f: {  	[tilespmem:s19+$0x2010] =	vst.add.f32.msk $0xffff, v2  }
0x70: {  	[tilespmem:s19+$0x4010] =	vst.add.f32.msk $0xffff, v2  }
0x71: {  	[tilespmem:s19+$0x6010] =	vst.add.f32.msk $0xffff, v2  }
0x72: {  	[tilespmem:s19+$0x20] =	vst.add.f32.msk $0xffff, v3  }
0x73: {  	[tilespmem:s19+$0x2020] =	vst.add.f32.msk $0xffff, v3  }
0x74: {  	[tilespmem:s19+$0x4020] =	vst.add.f32.msk $0xffff, v3  }
0x75: {  	[tilespmem:s19+$0x6020] =	vst.add.f32.msk $0xffff, v3  }
0x76: {  	[tilespmem:s19+$0x30] =	vst.add.f32.msk $0xffff, v4  }
0x77: {  	[tilespmem:s19+$0x2030] =	vst.add.f32.msk $0xffff, v4  }
0x78: {  	[tilespmem:s19+$0x4030] =	vst.add.f32.msk $0xffff, v4  }
0x79: {  	[tilespmem:s19+$0x6030] =	vst.add.f32.msk $0xffff, v4  }
0x7a: {  	[tilespmem:s19+$0x40] =	vst.add.f32.msk $0xffff, v5  }
0x7b: {  	[tilespmem:s19+$0x2040] =	vst.add.f32.msk $0xffff, v5  }
0x7c: {  	[tilespmem:s19+$0x4040] =	vst.add.f32.msk $0xffff, v5  }
0x7d: {  	[tilespmem:s19+$0x6040] =	vst.add.f32.msk $0xffff, v5  }
0x7e: {  	[tilespmem:s19+$0x50] =	vst.add.f32.msk $0xffff, v6  }
0x7f: {  	[tilespmem:s19+$0x2050] =	vst.add.f32.msk $0xffff, v6  }
0x80: {  	[tilespmem:s19+$0x4050] =	vst.add.f32.msk $0xffff, v6  }
0x81: {  	[tilespmem:s19+$0x6050] =	vst.add.f32.msk $0xffff, v6  }
0x82: {  	[tilespmem:s19+$0x60] =	vst.add.f32.msk $0xffff, v7  }
0x83: {  	[tilespmem:s19+$0x2060] =	vst.add.f32.msk $0xffff, v7  }
0x84: {  	[tilespmem:s19+$0x4060] =	vst.add.f32.msk $0xffff, v7  }
0x85: {  	[tilespmem:s19+$0x6060] =	vst.add.f32.msk $0xffff, v7  }
0x86: {  	[tilespmem:s19+$0x70] =	vst.add.f32.msk $0xffff, v0  }
0x87: {  	s20 =	simm.s32 $0x0;
	s21 =	sadd.s32 $0x1000, s15;
	[tilespmem:s19+$0x2070] =	vst.add.f32.msk $0xffff, v0  }
.LBB2_4:
0x88: {  	s20 =	sadd.s32 $0x8, s20;
	[tilespmem:s19+$0x4070] =	vst.add.f32.msk $0xffff, v0;
	s19 =	sshra.s32 s21, $0x2  }
0x89: {  	v0 =	vld [tilespmem:s19+$0x18070];
	p0 =	slt.u32 s20, $0x38  }
0x8a: {  	v1 =	vld [tilespmem:s19+$0x18000]  }
0x8b: {  	v2 =	vld [tilespmem:s19+$0x18010]  }
0x8c: {  	v3 =	vld [tilespmem:s19+$0x18020]  }
0x8d: {  	v4 =	vld [tilespmem:s19+$0x18030]  }
0x8e: {  	[tilespmem:s19+$0x6070] =	vst.add.f32.msk $0xffff, v0  }
0x8f: {  	v5 =	vld [tilespmem:s19+$0x18040]  }
0x90: {  	v6 =	vld [tilespmem:s19+$0x18050]  }
0x91: {  	v7 =	vld [tilespmem:s19+$0x18060]  }
0x92: {  	[tilespmem:s19+$0x0] =	vst.add.f32.msk $0xffff, v1  }
0x93: {  	[tilespmem:s19+$0x2000] =	vst.add.f32.msk $0xffff, v1  }
0x94: {  	[tilespmem:s19+$0x4000] =	vst.add.f32.msk $0xffff, v1  }
0x95: {  	[tilespmem:s19+$0x6000] =	vst.add.f32.msk $0xffff, v1  }
0x96: {  	[tilespmem:s19+$0x10] =	vst.add.f32.msk $0xffff, v2  }
0x97: {  	[tilespmem:s19+$0x2010] =	vst.add.f32.msk $0xffff, v2  }
0x98: {  	[tilespmem:s19+$0x4010] =	vst.add.f32.msk $0xffff, v2  }
0x99: {  	[tilespmem:s19+$0x6010] =	vst.add.f32.msk $0xffff, v2  }
0x9a: {  	[tilespmem:s19+$0x20] =	vst.add.f32.msk $0xffff, v3  }
0x9b: {  	[tilespmem:s19+$0x2020] =	vst.add.f32.msk $0xffff, v3  }
0x9c: {  	[tilespmem:s19+$0x4020] =	vst.add.f32.msk $0xffff, v3  }
0x9d: {  	[tilespmem:s19+$0x6020] =	vst.add.f32.msk $0xffff, v3  }
0x9e: {  	[tilespmem:s19+$0x30] =	vst.add.f32.msk $0xffff, v4  }
0x9f: {  	[tilespmem:s19+$0x2030] =	vst.add.f32.msk $0xffff, v4  }
0xa0: {  	[tilespmem:s19+$0x4030] =	vst.add.f32.msk $0xffff, v4  }
0xa1: {  	[tilespmem:s19+$0x6030] =	vst.add.f32.msk $0xffff, v4  }
0xa2: {  	[tilespmem:s19+$0x40] =	vst.add.f32.msk $0xffff, v5  }
0xa3: {  	[tilespmem:s19+$0x2040] =	vst.add.f32.msk $0xffff, v5  }
0xa4: {  	[tilespmem:s19+$0x4040] =	vst.add.f32.msk $0xffff, v5  }
0xa5: {  	[tilespmem:s19+$0x6040] =	vst.add.f32.msk $0xffff, v5  }
0xa6: {  	[tilespmem:s19+$0x50] =	vst.add.f32.msk $0xffff, v6  }
0xa7: {  	[tilespmem:s19+$0x2050] =	vst.add.f32.msk $0xffff, v6  }
0xa8: {  	[tilespmem:s19+$0x4050] =	vst.add.f32.msk $0xffff, v6  }
0xa9: {  	[tilespmem:s19+$0x6050] =	vst.add.f32.msk $0xffff, v6  }
0xaa: {  	[tilespmem:s19+$0x60] =	vst.add.f32.msk $0xffff, v7  }
.Ltmp0:
0xab: {  	[tilespmem:s19+$0x2060] =	vst.add.f32.msk $0xffff, v7;
	(pc) =	sbr.rel @p0 .LBB2_4-.Ltmp0, $4  }
0xac: {  	[tilespmem:s19+$0x4060] =	vst.add.f32.msk $0xffff, v7  }
0xad: {  	[tilespmem:s19+$0x6060] =	vst.add.f32.msk $0xffff, v7  }
0xae: {  	[tilespmem:s19+$0x70] =	vst.add.f32.msk $0xffff, v0  }
0xaf: {  	s21 =	sadd.s32 $0x1000, s21;
	[tilespmem:s19+$0x2070] =	vst.add.f32.msk $0xffff, v0  }
0xb0: {  	s31 =	sadd.s32 $0x1, s31  }
0xb1: {  	p0 =	sne.s32 s31, $0x8  }
.Ltmp1:
0xb2: {  	_ = 	snop;
	(pc) =	sbr.rel @p0 .LBB2_3-.Ltmp1, $2  }
0xb3: {  	_ =	sdelay $0x2  }
0xb4: {  	[tilespmem:s19+$0x4070] =	vst.add.f32.msk $0xffff, v0;
	s15 =	sadd.s32 $0x200, s15  }
0xb5: {  	s16 =	sshll.u32 s16, $0x7  }
0xb6: {  	s15 =	simm.s32 $0x0;
	s19 =	sadd.s32 s4, s16;
	s21 =	sand.u32 $0x1FFFFF80, s16  }
0xb7: {  	[hbm4b:s19+s15] =	stream.linear.scatter [tilespmem:s15], [sflag:$0x4], $0x2000, $0x38;
	[tilespmem:$0x1E000] =	vst v63  }
0xb8: {  	s19 =	sadd.s32 s4, s21  }
0xb9: {  	s20 =	sadd.s32 $0x100000, s19  }
0xba: {  	[hbm4b:s20+s15] =	stream.linear.scatter [tilespmem:s2], [sflag:$0x4], $0x2000, $0x38;
	[tilespmem:$0x1E000] =	vst v63  }
0xbb: {  	s16 =	sadd.s32 s16, s30  }
0xbc: {  	[hbm4b:s16+s15] =	stream.linear.scatter [tilespmem:s0], [sflag:$0x4], $0x2000, $0x38;
	[tilespmem:$0x1E000] =	vst v63  }
0xbd: {  	s31 =	sadd.s32 $0x300000, s19  }
0xbe: {  	[hbm4b:s31+s15] =	stream.linear.scatter [tilespmem:s8], [sflag:$0x4], $0x2000, $0x38;
	[tilespmem:$0x1E000] =	vst v63  }
0xbf: {  	_ =	swait.ge [sflag:s24], $0x2000  }
0xc0: {  	[sflag:s24] =	ssyncset.done $0x0  }
0xc1: {  	[sflag:s24] =	ssyncadd.s32 $0xFFFFE000  }
0xc2: {  	_ =	swait.ge [sflag:s24], $0x2000  }
0xc3: {  	[sflag:s24] =	ssyncset.done $0x0  }
0xc4: {  	[sflag:s24] =	ssyncadd.s32 $0xFFFFE000  }
0xc5: {  	_ =	swait.ge [sflag:s24], $0x2000  }
0xc6: {  	[sflag:s24] =	ssyncset.done $0x0  }
0xc7: {  	[sflag:s24] =	ssyncadd.s32 $0xFFFFE000  }
0xc8: {  	_ =	swait.ge [sflag:s24], $0x2000  }
0xc9: {  	[sflag:s24] =	ssyncset.done $0x0  }
0xca: {  	[sflag:s24] =	ssyncadd.s32 $0xFFFFE000  }
0xcb: {  	_ =	swait.ge [sflag:s24], $0x2000  }
0xcc: {  	[sflag:s24] =	ssyncset.done $0x0  }
0xcd: {  	[sflag:s24] =	ssyncadd.s32 $0xFFFFE000  }
0xce: {  	_ =	swait.ge [sflag:s25], $0x2000  }
0xcf: {  	[sflag:s25] =	ssyncset.done $0x0  }
0xd0: {  	[sflag:s25] =	ssyncadd.s32 $0xFFFFE000  }
0xd1: {  	_ =	swait.ge [sflag:s25], $0x2000  }
0xd2: {  	[sflag:s25] =	ssyncset.done $0x0  }
0xd3: {  	[sflag:s25] =	ssyncadd.s32 $0xFFFFE000  }
0xd4: {  	_ =	swait.ge [sflag:s25], $0x2000  }
0xd5: {  	[sflag:s25] =	ssyncset.done $0x0  }
0xd6: {  	[sflag:s25] =	ssyncadd.s32 $0xFFFFE000  }
0xd7: {  	_ =	swait.ge [sflag:s25], $0x2000  }
0xd8: {  	s19 =	rddreg [dreg:$0xd]  }
0xd9: {  	s16 =	sadd.s32 s6, s19  }
0xda: {  	[sflag:s25] =	ssyncset.done $0x0;
	s16 =	sshll.u32 s16, $0xA  }
0xdb: {  	[sflag:s25] =	ssyncadd.s32 $0xFFFFE000;
	s20 =	sadd.s32 s1, s16;
	s21 =	sand.u32 $0x1FFFFC00, s16  }
0xdc: {  	[tilespmem:s15], [sflag:$0x1] =	stream.linear.gather [hbm4b:s20+s15], $0x2000, $0x38;
	[tilespmem:$0x1E000] =	vst v63  }
0xdd: {  	s19 =	sadd.s32 s1, s21  }
0xde: {  	s21 =	sor.u32 $0x200000, s16;
	s31 =	sadd.s32 $0x100000, s19  }
0xdf: {  	[tilespmem:s2], [sflag:$0x1] =	stream.linear.gather [hbm4b:s31+s15], $0x2000, $0x38;
	[tilespmem:$0x1E000] =	vst v63  }
0xe0: {  	s20 =	sadd.s32 s1, s21  }
0xe1: {  	[tilespmem:s0], [sflag:$0x1] =	stream.linear.gather [hbm4b:s20+s15], $0x2000, $0x38;
	[tilespmem:$0x1E000] =	vst v63  }
0xe2: {  	s19 =	sadd.s32 $0x300000, s19  }
0xe3: {  	[tilespmem:s8], [sflag:$0x1] =	stream.linear.gather [hbm4b:s19+s15], $0x2000, $0x38;
	[tilespmem:$0x1E000] =	vst v63  }
0xe4: {  	s16 =	sadd.s32 s3, s16;
	s31 =	simm.s32 $0x18000  }
0xe5: {  	[tilespmem:s31], [sflag:$0x1] =	stream.linear.gather [hbm4b:s16+s15], $0x2000, $0x38;
	[tilespmem:$0x1E000] =	vst v63  }
0xe6: {  	s16 =	simm.s32 $0x0  }
.LBB2_7:
0xe7: {  	s19 =	sshra.s32 s15, $0x2  }
0xe8: {  	v0 =	vld [tilespmem:s19+$0x1A070]  }
0xe9: {  	v1 =	vld [tilespmem:s19+$0x1A000]  }
0xea: {  	v2 =	vld [tilespmem:s19+$0x1A010]  }
0xeb: {  	v3 =	vld [tilespmem:s19+$0x1A020]  }
0xec: {  	v4 =	vld [tilespmem:s19+$0x1A030]  }
0xed: {  	v5 =	vld [tilespmem:s19+$0x1A040]  }
0xee: {  	v6 =	vld [tilespmem:s19+$0x1A050]  }
0xef: {  	v7 =	vld [tilespmem:s19+$0x1A060]  }
0xf0: {  	[tilespmem:s19+$0xE070] =	vst.add.f32.msk $0xffff, v0  }
0xf1: {  	[tilespmem:s19+$0x8000] =	vst.add.f32.msk $0xffff, v1  }
0xf2: {  	[tilespmem:s19+$0xA000] =	vst.add.f32.msk $0xffff, v1  }
0xf3: {  	[tilespmem:s19+$0xC000] =	vst.add.f32.msk $0xffff, v1  }
0xf4: {  	[tilespmem:s19+$0xE000] =	vst.add.f32.msk $0xffff, v1  }
0xf5: {  	[tilespmem:s19+$0x8010] =	vst.add.f32.msk $0xffff, v2  }
0xf6: {  	[tilespmem:s19+$0xA010] =	vst.add.f32.msk $0xffff, v2  }
0xf7: {  	[tilespmem:s19+$0xC010] =	vst.add.f32.msk $0xffff, v2  }
0xf8: {  	[tilespmem:s19+$0xE010] =	vst.add.f32.msk $0xffff, v2  }
0xf9: {  	[tilespmem:s19+$0x8020] =	vst.add.f32.msk $0xffff, v3  }
0xfa: {  	[tilespmem:s19+$0xA020] =	vst.add.f32.msk $0xffff, v3  }
0xfb: {  	[tilespmem:s19+$0xC020] =	vst.add.f32.msk $0xffff, v3  }
0xfc: {  	[tilespmem:s19+$0xE020] =	vst.add.f32.msk $0xffff, v3  }
0xfd: {  	[tilespmem:s19+$0x8030] =	vst.add.f32.msk $0xffff, v4  }
0xfe: {  	[tilespmem:s19+$0xA030] =	vst.add.f32.msk $0xffff, v4  }
0xff: {  	[tilespmem:s19+$0xC030] =	vst.add.f32.msk $0xffff, v4  }
0x100: {  	[tilespmem:s19+$0xE030] =	vst.add.f32.msk $0xffff, v4  }
0x101: {  	[tilespmem:s19+$0x8040] =	vst.add.f32.msk $0xffff, v5  }
0x102: {  	[tilespmem:s19+$0xA040] =	vst.add.f32.msk $0xffff, v5  }
0x103: {  	[tilespmem:s19+$0xC040] =	vst.add.f32.msk $0xffff, v5  }
0x104: {  	[tilespmem:s19+$0xE040] =	vst.add.f32.msk $0xffff, v5  }
0x105: {  	[tilespmem:s19+$0x8050] =	vst.add.f32.msk $0xffff, v6  }
0x106: {  	[tilespmem:s19+$0xA050] =	vst.add.f32.msk $0xffff, v6  }
0x107: {  	[tilespmem:s19+$0xC050] =	vst.add.f32.msk $0xffff, v6  }
0x108: {  	[tilespmem:s19+$0xE050] =	vst.add.f32.msk $0xffff, v6  }
0x109: {  	[tilespmem:s19+$0x8060] =	vst.add.f32.msk $0xffff, v7  }
0x10a: {  	[tilespmem:s19+$0xA060] =	vst.add.f32.msk $0xffff, v7  }
0x10b: {  	[tilespmem:s19+$0xC060] =	vst.add.f32.msk $0xffff, v7  }
0x10c: {  	[tilespmem:s19+$0xE060] =	vst.add.f32.msk $0xffff, v7  }
0x10d: {  	[tilespmem:s19+$0x8070] =	vst.add.f32.msk $0xffff, v0  }
0x10e: {  	s20 =	simm.s32 $0x0;
	s21 =	sadd.s32 $0x1000, s15;
	[tilespmem:s19+$0xA070] =	vst.add.f32.msk $0xffff, v0  }
.LBB2_8:
0x10f: {  	s20 =	sadd.s32 $0x8, s20;
	[tilespmem:s19+$0xC070] =	vst.add.f32.msk $0xffff, v0;
	s19 =	sshra.s32 s21, $0x2  }
0x110: {  	v0 =	vld [tilespmem:s19+$0x1A070];
	p0 =	slt.u32 s20, $0x38  }
0x111: {  	v1 =	vld [tilespmem:s19+$0x1A000]  }
0x112: {  	v2 =	vld [tilespmem:s19+$0x1A010]  }
0x113: {  	v3 =	vld [tilespmem:s19+$0x1A020]  }
0x114: {  	v4 =	vld [tilespmem:s19+$0x1A030]  }
0x115: {  	[tilespmem:s19+$0xE070] =	vst.add.f32.msk $0xffff, v0  }
0x116: {  	v5 =	vld [tilespmem:s19+$0x1A040]  }
0x117: {  	v6 =	vld [tilespmem:s19+$0x1A050]  }
0x118: {  	v7 =	vld [tilespmem:s19+$0x1A060]  }
0x119: {  	[tilespmem:s19+$0x8000] =	vst.add.f32.msk $0xffff, v1  }
0x11a: {  	[tilespmem:s19+$0xA000] =	vst.add.f32.msk $0xffff, v1  }
0x11b: {  	[tilespmem:s19+$0xC000] =	vst.add.f32.msk $0xffff, v1  }
0x11c: {  	[tilespmem:s19+$0xE000] =	vst.add.f32.msk $0xffff, v1  }
0x11d: {  	[tilespmem:s19+$0x8010] =	vst.add.f32.msk $0xffff, v2  }
0x11e: {  	[tilespmem:s19+$0xA010] =	vst.add.f32.msk $0xffff, v2  }
0x11f: {  	[tilespmem:s19+$0xC010] =	vst.add.f32.msk $0xffff, v2  }
0x120: {  	[tilespmem:s19+$0xE010] =	vst.add.f32.msk $0xffff, v2  }
0x121: {  	[tilespmem:s19+$0x8020] =	vst.add.f32.msk $0xffff, v3  }
0x122: {  	[tilespmem:s19+$0xA020] =	vst.add.f32.msk $0xffff, v3  }
0x123: {  	[tilespmem:s19+$0xC020] =	vst.add.f32.msk $0xffff, v3  }
0x124: {  	[tilespmem:s19+$0xE020] =	vst.add.f32.msk $0xffff, v3  }
0x125: {  	[tilespmem:s19+$0x8030] =	vst.add.f32.msk $0xffff, v4  }
0x126: {  	[tilespmem:s19+$0xA030] =	vst.add.f32.msk $0xffff, v4  }
0x127: {  	[tilespmem:s19+$0xC030] =	vst.add.f32.msk $0xffff, v4  }
0x128: {  	[tilespmem:s19+$0xE030] =	vst.add.f32.msk $0xffff, v4  }
0x129: {  	[tilespmem:s19+$0x8040] =	vst.add.f32.msk $0xffff, v5  }
0x12a: {  	[tilespmem:s19+$0xA040] =	vst.add.f32.msk $0xffff, v5  }
0x12b: {  	[tilespmem:s19+$0xC040] =	vst.add.f32.msk $0xffff, v5  }
0x12c: {  	[tilespmem:s19+$0xE040] =	vst.add.f32.msk $0xffff, v5  }
0x12d: {  	[tilespmem:s19+$0x8050] =	vst.add.f32.msk $0xffff, v6  }
0x12e: {  	[tilespmem:s19+$0xA050] =	vst.add.f32.msk $0xffff, v6  }
0x12f: {  	[tilespmem:s19+$0xC050] =	vst.add.f32.msk $0xffff, v6  }
0x130: {  	[tilespmem:s19+$0xE050] =	vst.add.f32.msk $0xffff, v6  }
0x131: {  	[tilespmem:s19+$0x8060] =	vst.add.f32.msk $0xffff, v7  }
.Ltmp2:
0x132: {  	[tilespmem:s19+$0xA060] =	vst.add.f32.msk $0xffff, v7;
	(pc) =	sbr.rel @p0 .LBB2_8-.Ltmp2, $4  }
0x133: {  	[tilespmem:s19+$0xC060] =	vst.add.f32.msk $0xffff, v7  }
0x134: {  	[tilespmem:s19+$0xE060] =	vst.add.f32.msk $0xffff, v7  }
0x135: {  	[tilespmem:s19+$0x8070] =	vst.add.f32.msk $0xffff, v0  }
0x136: {  	s21 =	sadd.s32 $0x1000, s21;
	[tilespmem:s19+$0xA070] =	vst.add.f32.msk $0xffff, v0  }
0x137: {  	s16 =	sadd.s32 $0x1, s16  }
0x138: {  	p0 =	sne.s32 s16, $0x8  }
.Ltmp3:
0x139: {  	_ = 	snop;
	(pc) =	sbr.rel @p0 .LBB2_7-.Ltmp3, $2  }
0x13a: {  	_ =	sdelay $0x2  }
0x13b: {  	[tilespmem:s19+$0xC070] =	vst.add.f32.msk $0xffff, v0;
	s15 =	sadd.s32 $0x200, s15  }
0x13c: {  	s15 =	rddreg [dreg:$0x1b]  }
0x13d: {  	s14 =	sadd.s32 s14, s15  }
0x13e: {  	s15 =	sshll.u32 s14, $0x7  }
0x13f: {  	s14 =	simm.s32 $0x0;
	s16 =	sadd.s32 s4, s15;
	s20 =	sand.u32 $0x1FFFFF80, s15  }
0x140: {  	[hbm4b:s16+s14] =	stream.linear.scatter [tilespmem:s10], [sflag:$0x5], $0x2000, $0x38;
	[tilespmem:$0x1E000] =	vst v63  }
0x141: {  	s16 =	sadd.s32 s4, s20  }
0x142: {  	s19 =	sadd.s32 $0x100000, s16  }
0x143: {  	[hbm4b:s19+s14] =	stream.linear.scatter [tilespmem:s11], [sflag:$0x5], $0x2000, $0x38;
	[tilespmem:$0x1E000] =	vst v63  }
0x144: {  	s15 =	sadd.s32 s15, s30  }
0x145: {  	[hbm4b:s15+s14] =	stream.linear.scatter [tilespmem:s12], [sflag:$0x5], $0x2000, $0x38;
	[tilespmem:$0x1E000] =	vst v63  }
0x146: {  	s21 =	sadd.s32 $0x300000, s16  }
0x147: {  	[hbm4b:s21+s14] =	stream.linear.scatter [tilespmem:s13], [sflag:$0x5], $0x2000, $0x38;
	[tilespmem:$0x1E000] =	vst v63  }
0x148: {  	_ =	swait.ge [sflag:s26], $0x2000  }
0x149: {  	[sflag:s26] =	ssyncset.done $0x0  }
0x14a: {  	[sflag:s26] =	ssyncadd.s32 $0xFFFFE000  }
0x14b: {  	_ =	swait.ge [sflag:s26], $0x2000  }
0x14c: {  	[sflag:s26] =	ssyncset.done $0x0  }
0x14d: {  	[sflag:s26] =	ssyncadd.s32 $0xFFFFE000  }
0x14e: {  	_ =	swait.ge [sflag:s26], $0x2000  }
0x14f: {  	[sflag:s26] =	ssyncset.done $0x0  }
0x150: {  	[sflag:s26] =	ssyncadd.s32 $0xFFFFE000  }
0x151: {  	_ =	swait.ge [sflag:s26], $0x2000  }
0x152: {  	[sflag:s26] =	ssyncset.done $0x0  }
0x153: {  	[sflag:s26] =	ssyncadd.s32 $0xFFFFE000  }
0x154: {  	_ =	swait.ge [sflag:s26], $0x2000  }
0x155: {  	[sflag:s26] =	ssyncset.done $0x0  }
0x156: {  	[sflag:s26] =	ssyncadd.s32 $0xFFFFE000  }
0x157: {  	_ =	swait.ge [sflag:s28], $0x2000  }
0x158: {  	[sflag:s28] =	ssyncset.done $0x0  }
0x159: {  	[sflag:s28] =	ssyncadd.s32 $0xFFFFE000  }
0x15a: {  	_ =	swait.ge [sflag:s28], $0x2000  }
0x15b: {  	[sflag:s28] =	ssyncset.done $0x0  }
0x15c: {  	[sflag:s28] =	ssyncadd.s32 $0xFFFFE000  }
0x15d: {  	_ =	swait.ge [sflag:s28], $0x2000  }
0x15e: {  	[sflag:s28] =	ssyncset.done $0x0  }
0x15f: {  	[sflag:s28] =	ssyncadd.s32 $0xFFFFE000  }
0x160: {  	_ =	swait.ge [sflag:s28], $0x2000  }
0x161: {  	s31 =	rddreg [dreg:$0xe]  }
0x162: {  	s6 =	sadd.s32 s6, s31  }
0x163: {  	[sflag:s28] =	ssyncset.done $0x0;
	s6 =	sshll.u32 s6, $0xA  }
0x164: {  	[sflag:s28] =	ssyncadd.s32 $0xFFFFE000;
	s16 =	sadd.s32 s1, s6;
	s19 =	sand.u32 $0x1FFFFC00, s6  }
0x165: {  	[tilespmem:s10], [sflag:$0x2] =	stream.linear.gather [hbm4b:s16+s14], $0x2000, $0x38;
	[tilespmem:$0x1E000] =	vst v63  }
0x166: {  	s15 =	sadd.s32 s1, s19  }
0x167: {  	s21 =	sor.u32 $0x200000, s6;
	s20 =	sadd.s32 $0x100000, s15  }
0x168: {  	[tilespmem:s11], [sflag:$0x2] =	stream.linear.gather [hbm4b:s20+s14], $0x2000, $0x38;
	[tilespmem:$0x1E000] =	vst v63  }
0x169: {  	s16 =	sadd.s32 s1, s21  }
0x16a: {  	[tilespmem:s12], [sflag:$0x2] =	stream.linear.gather [hbm4b:s16+s14], $0x2000, $0x38;
	[tilespmem:$0x1E000] =	vst v63  }
0x16b: {  	s15 =	sadd.s32 $0x300000, s15  }
0x16c: {  	[tilespmem:s13], [sflag:$0x2] =	stream.linear.gather [hbm4b:s15+s14], $0x2000, $0x38;
	[tilespmem:$0x1E000] =	vst v63  }
0x16d: {  	s31 =	simm.s32 $0x1A000;
	s6 =	sadd.s32 s3, s6  }
0x16e: {  	[tilespmem:s31], [sflag:$0x2] =	stream.linear.gather [hbm4b:s6+s14], $0x2000, $0x38;
	[tilespmem:$0x1E000] =	vst v63  }
0x16f: {  	s20 =	simm.s32 $0x14000;
	s6 =	simm.s32 $0x0  }
.LBB2_11:
0x170: {  	s15 =	sshra.s32 s14, $0x2  }
0x171: {  	v0 =	vld [tilespmem:s15+$0x1C070]  }
0x172: {  	v1 =	vld [tilespmem:s15+$0x1C000]  }
0x173: {  	v2 =	vld [tilespmem:s15+$0x1C010]  }
0x174: {  	v3 =	vld [tilespmem:s15+$0x1C020]  }
0x175: {  	v4 =	vld [tilespmem:s15+$0x1C030]  }
0x176: {  	v5 =	vld [tilespmem:s15+$0x1C040]  }
0x177: {  	v6 =	vld [tilespmem:s15+$0x1C050]  }
0x178: {  	v7 =	vld [tilespmem:s15+$0x1C060]  }
0x179: {  	[tilespmem:s15+$0x16070] =	vst.add.f32.msk $0xffff, v0  }
0x17a: {  	[tilespmem:s15+$0x10000] =	vst.add.f32.msk $0xffff, v1  }
0x17b: {  	[tilespmem:s15+$0x12000] =	vst.add.f32.msk $0xffff, v1  }
0x17c: {  	[tilespmem:s15+$0x14000] =	vst.add.f32.msk $0xffff, v1  }
0x17d: {  	[tilespmem:s15+$0x16000] =	vst.add.f32.msk $0xffff, v1  }
0x17e: {  	[tilespmem:s15+$0x10010] =	vst.add.f32.msk $0xffff, v2  }
0x17f: {  	[tilespmem:s15+$0x12010] =	vst.add.f32.msk $0xffff, v2  }
0x180: {  	[tilespmem:s15+$0x14010] =	vst.add.f32.msk $0xffff, v2  }
0x181: {  	[tilespmem:s15+$0x16010] =	vst.add.f32.msk $0xffff, v2  }
0x182: {  	[tilespmem:s15+$0x10020] =	vst.add.f32.msk $0xffff, v3  }
0x183: {  	[tilespmem:s15+$0x12020] =	vst.add.f32.msk $0xffff, v3  }
0x184: {  	[tilespmem:s15+$0x14020] =	vst.add.f32.msk $0xffff, v3  }
0x185: {  	[tilespmem:s15+$0x16020] =	vst.add.f32.msk $0xffff, v3  }
0x186: {  	[tilespmem:s15+$0x10030] =	vst.add.f32.msk $0xffff, v4  }
0x187: {  	[tilespmem:s15+$0x12030] =	vst.add.f32.msk $0xffff, v4  }
0x188: {  	[tilespmem:s15+$0x14030] =	vst.add.f32.msk $0xffff, v4  }
0x189: {  	[tilespmem:s15+$0x16030] =	vst.add.f32.msk $0xffff, v4  }
0x18a: {  	[tilespmem:s15+$0x10040] =	vst.add.f32.msk $0xffff, v5  }
0x18b: {  	[tilespmem:s15+$0x12040] =	vst.add.f32.msk $0xffff, v5  }
0x18c: {  	[tilespmem:s15+$0x14040] =	vst.add.f32.msk $0xffff, v5  }
0x18d: {  	[tilespmem:s15+$0x16040] =	vst.add.f32.msk $0xffff, v5  }
0x18e: {  	[tilespmem:s15+$0x10050] =	vst.add.f32.msk $0xffff, v6  }
0x18f: {  	[tilespmem:s15+$0x12050] =	vst.add.f32.msk $0xffff, v6  }
0x190: {  	[tilespmem:s15+$0x14050] =	vst.add.f32.msk $0xffff, v6  }
0x191: {  	[tilespmem:s15+$0x16050] =	vst.add.f32.msk $0xffff, v6  }
0x192: {  	[tilespmem:s15+$0x10060] =	vst.add.f32.msk $0xffff, v7  }
0x193: {  	[tilespmem:s15+$0x12060] =	vst.add.f32.msk $0xffff, v7  }
0x194: {  	[tilespmem:s15+$0x14060] =	vst.add.f32.msk $0xffff, v7  }
0x195: {  	[tilespmem:s15+$0x16060] =	vst.add.f32.msk $0xffff, v7  }
0x196: {  	[tilespmem:s15+$0x10070] =	vst.add.f32.msk $0xffff, v0  }
0x197: {  	s16 =	simm.s32 $0x0;
	s19 =	sadd.s32 $0x1000, s14;
	[tilespmem:s15+$0x12070] =	vst.add.f32.msk $0xffff, v0  }
.LBB2_12:
0x198: {  	s16 =	sadd.s32 $0x8, s16;
	[tilespmem:s15+$0x14070] =	vst.add.f32.msk $0xffff, v0;
	s15 =	sshra.s32 s19, $0x2  }
0x199: {  	v0 =	vld [tilespmem:s15+$0x1C070];
	p0 =	slt.u32 s16, $0x38  }
0x19a: {  	v1 =	vld [tilespmem:s15+$0x1C000]  }
0x19b: {  	v2 =	vld [tilespmem:s15+$0x1C010]  }
0x19c: {  	v3 =	vld [tilespmem:s15+$0x1C020]  }
0x19d: {  	v4 =	vld [tilespmem:s15+$0x1C030]  }
0x19e: {  	[tilespmem:s15+$0x16070] =	vst.add.f32.msk $0xffff, v0  }
0x19f: {  	v5 =	vld [tilespmem:s15+$0x1C040]  }
0x1a0: {  	v6 =	vld [tilespmem:s15+$0x1C050]  }
0x1a1: {  	v7 =	vld [tilespmem:s15+$0x1C060]  }
0x1a2: {  	[tilespmem:s15+$0x10000] =	vst.add.f32.msk $0xffff, v1  }
0x1a3: {  	[tilespmem:s15+$0x12000] =	vst.add.f32.msk $0xffff, v1  }
0x1a4: {  	[tilespmem:s15+$0x14000] =	vst.add.f32.msk $0xffff, v1  }
0x1a5: {  	[tilespmem:s15+$0x16000] =	vst.add.f32.msk $0xffff, v1  }
0x1a6: {  	[tilespmem:s15+$0x10010] =	vst.add.f32.msk $0xffff, v2  }
0x1a7: {  	[tilespmem:s15+$0x12010] =	vst.add.f32.msk $0xffff, v2  }
0x1a8: {  	[tilespmem:s15+$0x14010] =	vst.add.f32.msk $0xffff, v2  }
0x1a9: {  	[tilespmem:s15+$0x16010] =	vst.add.f32.msk $0xffff, v2  }
0x1aa: {  	[tilespmem:s15+$0x10020] =	vst.add.f32.msk $0xffff, v3  }
0x1ab: {  	[tilespmem:s15+$0x12020] =	vst.add.f32.msk $0xffff, v3  }
0x1ac: {  	[tilespmem:s15+$0x14020] =	vst.add.f32.msk $0xffff, v3  }
0x1ad: {  	[tilespmem:s15+$0x16020] =	vst.add.f32.msk $0xffff, v3  }
0x1ae: {  	[tilespmem:s15+$0x10030] =	vst.add.f32.msk $0xffff, v4  }
0x1af: {  	[tilespmem:s15+$0x12030] =	vst.add.f32.msk $0xffff, v4  }
0x1b0: {  	[tilespmem:s15+$0x14030] =	vst.add.f32.msk $0xffff, v4  }
0x1b1: {  	[tilespmem:s15+$0x16030] =	vst.add.f32.msk $0xffff, v4  }
0x1b2: {  	[tilespmem:s15+$0x10040] =	vst.add.f32.msk $0xffff, v5  }
0x1b3: {  	[tilespmem:s15+$0x12040] =	vst.add.f32.msk $0xffff, v5  }
0x1b4: {  	[tilespmem:s15+$0x14040] =	vst.add.f32.msk $0xffff, v5  }
0x1b5: {  	[tilespmem:s15+$0x16040] =	vst.add.f32.msk $0xffff, v5  }
0x1b6: {  	[tilespmem:s15+$0x10050] =	vst.add.f32.msk $0xffff, v6  }
0x1b7: {  	[tilespmem:s15+$0x12050] =	vst.add.f32.msk $0xffff, v6  }
0x1b8: {  	[tilespmem:s15+$0x14050] =	vst.add.f32.msk $0xffff, v6  }
0x1b9: {  	[tilespmem:s15+$0x16050] =	vst.add.f32.msk $0xffff, v6  }
0x1ba: {  	[tilespmem:s15+$0x10060] =	vst.add.f32.msk $0xffff, v7  }
.Ltmp4:
0x1bb: {  	[tilespmem:s15+$0x12060] =	vst.add.f32.msk $0xffff, v7;
	(pc) =	sbr.rel @p0 .LBB2_12-.Ltmp4, $4  }
0x1bc: {  	[tilespmem:s15+$0x14060] =	vst.add.f32.msk $0xffff, v7  }
0x1bd: {  	[tilespmem:s15+$0x16060] =	vst.add.f32.msk $0xffff, v7  }
0x1be: {  	[tilespmem:s15+$0x10070] =	vst.add.f32.msk $0xffff, v0  }
0x1bf: {  	s19 =	sadd.s32 $0x1000, s19;
	[tilespmem:s15+$0x12070] =	vst.add.f32.msk $0xffff, v0  }
0x1c0: {  	s6 =	sadd.s32 $0x1, s6  }
0x1c1: {  	p0 =	sne.s32 s6, $0x8  }
.Ltmp5:
0x1c2: {  	_ = 	snop;
	(pc) =	sbr.rel @p0 .LBB2_11-.Ltmp5, $2  }
0x1c3: {  	_ =	sdelay $0x2  }
0x1c4: {  	[tilespmem:s15+$0x14070] =	vst.add.f32.msk $0xffff, v0;
	s14 =	sadd.s32 $0x200, s14  }
0x1c5: {  	s6 =	sadd.s32 s4, s7;
	s16 =	simm.s32 $0x10000;
	s29 =	sadd.s32 $0x1, s29  }
0x1c6: {  	[hbm4b:s6+s5] =	stream.linear.scatter [tilespmem:s16], [sflag:$0x6], $0x2000, $0x38;
	[tilespmem:$0x1E000] =	vst v63  }
0x1c7: {  	s21 =	sadd.s32 s4, s23;
	s19 =	simm.s32 $0x12000;
	p0 =	sne.s32 s29, $0xA  }
0x1c8: {  	[hbm4b:s21+s5] =	stream.linear.scatter [tilespmem:s19], [sflag:$0x6], $0x2000, $0x38;
	[tilespmem:$0x1E000] =	vst v63  }
.Ltmp6:
0x1c9: {  	_ = 	snop;
	(pc) =	sbr.rel @p0 .LBB2_2-.Ltmp6, $4  }
0x1ca: {  	s23 =	sadd.s32 s4, s9  }
0x1cb: {  	[hbm4b:s23+s5] =	stream.linear.scatter [tilespmem:s20], [sflag:$0x6], $0x2000, $0x38;
	[tilespmem:$0x1E000] =	vst v63  }
0x1cc: {  	s31 =	sadd.s32 s4, s17  }
0x1cd: {  	[hbm4b:s31+s5] =	stream.linear.scatter [tilespmem:s22], [sflag:$0x6], $0x2000, $0x38;
	[tilespmem:$0x1E000] =	vst v63  }
0x1ce: {  	_ =	swait.ge [sflag:s18], $0x2000  }
0x1cf: {  	[sflag:s18] =	ssyncset.done $0x0  }
0x1d0: {  	[sflag:s18] =	ssyncadd.s32 $0xFFFFE000  }
0x1d1: {  	_ =	swait.ge [sflag:s18], $0x2000  }
0x1d2: {  	[sflag:s18] =	ssyncset.done $0x0  }
0x1d3: {  	[sflag:s18] =	ssyncadd.s32 $0xFFFFE000  }
0x1d4: {  	_ =	swait.ge [sflag:s18], $0x2000  }
0x1d5: {  	[sflag:s18] =	ssyncset.done $0x0  }
0x1d6: {  	[sflag:s18] =	ssyncadd.s32 $0xFFFFE000  }
0x1d7: {  	_ =	swait.ge [sflag:s18], $0x2000  }
0x1d8: {  	[sflag:s18] =	ssyncset.done $0x0  }
0x1d9: {  	[sflag:s18] =	ssyncadd.s32 $0xFFFFE000  }
0x1da: {  	_ =	swait.ge [sflag:s18], $0x2000  }
0x1db: {  	[sflag:s18] =	ssyncset.done $0x0  }
0x1dc: {  	s6 =	simm.s32 $0x6;
	[sflag:s18] =	ssyncadd.s32 $0xFFFFE000  }
0x1dd: {  	_ =	swait.ge [sflag:s6], $0x2000  }
0x1de: {  	[sflag:s6] =	ssyncset.done $0x0  }
0x1df: {  	[sflag:s6] =	ssyncadd.s32 $0xFFFFE000  }
0x1e0: {  	_ =	swait.ge [sflag:s6], $0x2000  }
0x1e1: {  	[sflag:s6] =	ssyncset.done $0x0  }
0x1e2: {  	[sflag:s6] =	ssyncadd.s32 $0xFFFFE000  }
0x1e3: {  	_ =	swait.ge [sflag:s6], $0x2000  }
0x1e4: {  	[sflag:s6] =	ssyncset.done $0x0  }
0x1e5: {  	[sflag:s6] =	ssyncadd.s32 $0xFFFFE000  }
0x1e6: {  	_ =	swait.ge [sflag:s6], $0x2000  }
0x1e7: {  	[sflag:s6] =	ssyncset.done $0x0  }
0x1e8: {  	s7 =	simm.s32 $0x0;
	[sflag:s6] =	ssyncadd.s32 $0xFFFFE000;
	s6 =	simm.s32 $0x0  }
.LBB2_16:
0x1e9: {  	s9 =	sshra.s32 s6, $0x2  }
0x1ea: {  	v0 =	vld [tilespmem:s9+$0x18070]  }
0x1eb: {  	v1 =	vld [tilespmem:s9+$0x18000]  }
0x1ec: {  	v2 =	vld [tilespmem:s9+$0x18010]  }
0x1ed: {  	v3 =	vld [tilespmem:s9+$0x18020]  }
0x1ee: {  	v4 =	vld [tilespmem:s9+$0x18030]  }
0x1ef: {  	v5 =	vld [tilespmem:s9+$0x18040]  }
0x1f0: {  	v6 =	vld [tilespmem:s9+$0x18050]  }
0x1f1: {  	v7 =	vld [tilespmem:s9+$0x18060]  }
0x1f2: {  	[tilespmem:s9+$0x6070] =	vst.add.f32.msk $0xffff, v0  }
0x1f3: {  	[tilespmem:s9+$0x0] =	vst.add.f32.msk $0xffff, v1  }
0x1f4: {  	[tilespmem:s9+$0x2000] =	vst.add.f32.msk $0xffff, v1  }
0x1f5: {  	[tilespmem:s9+$0x4000] =	vst.add.f32.msk $0xffff, v1  }
0x1f6: {  	[tilespmem:s9+$0x6000] =	vst.add.f32.msk $0xffff, v1  }
0x1f7: {  	[tilespmem:s9+$0x10] =	vst.add.f32.msk $0xffff, v2  }
0x1f8: {  	[tilespmem:s9+$0x2010] =	vst.add.f32.msk $0xffff, v2  }
0x1f9: {  	[tilespmem:s9+$0x4010] =	vst.add.f32.msk $0xffff, v2  }
0x1fa: {  	[tilespmem:s9+$0x6010] =	vst.add.f32.msk $0xffff, v2  }
0x1fb: {  	[tilespmem:s9+$0x20] =	vst.add.f32.msk $0xffff, v3  }
0x1fc: {  	[tilespmem:s9+$0x2020] =	vst.add.f32.msk $0xffff, v3  }
0x1fd: {  	[tilespmem:s9+$0x4020] =	vst.add.f32.msk $0xffff, v3  }
0x1fe: {  	[tilespmem:s9+$0x6020] =	vst.add.f32.msk $0xffff, v3  }
0x1ff: {  	[tilespmem:s9+$0x30] =	vst.add.f32.msk $0xffff, v4  }
0x200: {  	[tilespmem:s9+$0x2030] =	vst.add.f32.msk $0xffff, v4  }
0x201: {  	[tilespmem:s9+$0x4030] =	vst.add.f32.msk $0xffff, v4  }
0x202: {  	[tilespmem:s9+$0x6030] =	vst.add.f32.msk $0xffff, v4  }
0x203: {  	[tilespmem:s9+$0x40] =	vst.add.f32.msk $0xffff, v5  }
0x204: {  	[tilespmem:s9+$0x2040] =	vst.add.f32.msk $0xffff, v5  }
0x205: {  	[tilespmem:s9+$0x4040] =	vst.add.f32.msk $0xffff, v5  }
0x206: {  	[tilespmem:s9+$0x6040] =	vst.add.f32.msk $0xffff, v5  }
0x207: {  	[tilespmem:s9+$0x50] =	vst.add.f32.msk $0xffff, v6  }
0x208: {  	[tilespmem:s9+$0x2050] =	vst.add.f32.msk $0xffff, v6  }
0x209: {  	[tilespmem:s9+$0x4050] =	vst.add.f32.msk $0xffff, v6  }
0x20a: {  	[tilespmem:s9+$0x6050] =	vst.add.f32.msk $0xffff, v6  }
0x20b: {  	[tilespmem:s9+$0x60] =	vst.add.f32.msk $0xffff, v7  }
0x20c: {  	[tilespmem:s9+$0x2060] =	vst.add.f32.msk $0xffff, v7  }
0x20d: {  	[tilespmem:s9+$0x4060] =	vst.add.f32.msk $0xffff, v7  }
0x20e: {  	[tilespmem:s9+$0x6060] =	vst.add.f32.msk $0xffff, v7  }
0x20f: {  	[tilespmem:s9+$0x70] =	vst.add.f32.msk $0xffff, v0  }
0x210: {  	s14 =	simm.s32 $0x0;
	s15 =	sadd.s32 $0x1000, s6;
	[tilespmem:s9+$0x2070] =	vst.add.f32.msk $0xffff, v0  }
.LBB2_17:
0x211: {  	s14 =	sadd.s32 $0x8, s14;
	[tilespmem:s9+$0x4070] =	vst.add.f32.msk $0xffff, v0;
	s9 =	sshra.s32 s15, $0x2  }
0x212: {  	v0 =	vld [tilespmem:s9+$0x18070];
	p0 =	slt.u32 s14, $0x38  }
0x213: {  	v1 =	vld [tilespmem:s9+$0x18000]  }
0x214: {  	v2 =	vld [tilespmem:s9+$0x18010]  }
0x215: {  	v3 =	vld [tilespmem:s9+$0x18020]  }
0x216: {  	v4 =	vld [tilespmem:s9+$0x18030]  }
0x217: {  	[tilespmem:s9+$0x6070] =	vst.add.f32.msk $0xffff, v0  }
0x218: {  	v5 =	vld [tilespmem:s9+$0x18040]  }
0x219: {  	v6 =	vld [tilespmem:s9+$0x18050]  }
0x21a: {  	v7 =	vld [tilespmem:s9+$0x18060]  }
0x21b: {  	[tilespmem:s9+$0x0] =	vst.add.f32.msk $0xffff, v1  }
0x21c: {  	[tilespmem:s9+$0x2000] =	vst.add.f32.msk $0xffff, v1  }
0x21d: {  	[tilespmem:s9+$0x4000] =	vst.add.f32.msk $0xffff, v1  }
0x21e: {  	[tilespmem:s9+$0x6000] =	vst.add.f32.msk $0xffff, v1  }
0x21f: {  	[tilespmem:s9+$0x10] =	vst.add.f32.msk $0xffff, v2  }
0x220: {  	[tilespmem:s9+$0x2010] =	vst.add.f32.msk $0xffff, v2  }
0x221: {  	[tilespmem:s9+$0x4010] =	vst.add.f32.msk $0xffff, v2  }
0x222: {  	[tilespmem:s9+$0x6010] =	vst.add.f32.msk $0xffff, v2  }
0x223: {  	[tilespmem:s9+$0x20] =	vst.add.f32.msk $0xffff, v3  }
0x224: {  	[tilespmem:s9+$0x2020] =	vst.add.f32.msk $0xffff, v3  }
0x225: {  	[tilespmem:s9+$0x4020] =	vst.add.f32.msk $0xffff, v3  }
0x226: {  	[tilespmem:s9+$0x6020] =	vst.add.f32.msk $0xffff, v3  }
0x227: {  	[tilespmem:s9+$0x30] =	vst.add.f32.msk $0xffff, v4  }
0x228: {  	[tilespmem:s9+$0x2030] =	vst.add.f32.msk $0xffff, v4  }
0x229: {  	[tilespmem:s9+$0x4030] =	vst.add.f32.msk $0xffff, v4  }
0x22a: {  	[tilespmem:s9+$0x6030] =	vst.add.f32.msk $0xffff, v4  }
0x22b: {  	[tilespmem:s9+$0x40] =	vst.add.f32.msk $0xffff, v5  }
0x22c: {  	[tilespmem:s9+$0x2040] =	vst.add.f32.msk $0xffff, v5  }
0x22d: {  	[tilespmem:s9+$0x4040] =	vst.add.f32.msk $0xffff, v5  }
0x22e: {  	[tilespmem:s9+$0x6040] =	vst.add.f32.msk $0xffff, v5  }
0x22f: {  	[tilespmem:s9+$0x50] =	vst.add.f32.msk $0xffff, v6  }
0x230: {  	[tilespmem:s9+$0x2050] =	vst.add.f32.msk $0xffff, v6  }
0x231: {  	[tilespmem:s9+$0x4050] =	vst.add.f32.msk $0xffff, v6  }
0x232: {  	[tilespmem:s9+$0x6050] =	vst.add.f32.msk $0xffff, v6  }
0x233: {  	[tilespmem:s9+$0x60] =	vst.add.f32.msk $0xffff, v7  }
.Ltmp7:
0x234: {  	[tilespmem:s9+$0x2060] =	vst.add.f32.msk $0xffff, v7;
	(pc) =	sbr.rel @p0 .LBB2_17-.Ltmp7, $4  }
0x235: {  	[tilespmem:s9+$0x4060] =	vst.add.f32.msk $0xffff, v7  }
0x236: {  	[tilespmem:s9+$0x6060] =	vst.add.f32.msk $0xffff, v7  }
0x237: {  	[tilespmem:s9+$0x70] =	vst.add.f32.msk $0xffff, v0  }
0x238: {  	s15 =	sadd.s32 $0x1000, s15;
	[tilespmem:s9+$0x2070] =	vst.add.f32.msk $0xffff, v0  }
0x239: {  	s7 =	sadd.s32 $0x1, s7  }
0x23a: {  	p0 =	sne.s32 s7, $0x8  }
.Ltmp8:
0x23b: {  	_ = 	snop;
	(pc) =	sbr.rel @p0 .LBB2_16-.Ltmp8, $2  }
0x23c: {  	_ =	sdelay $0x2  }
0x23d: {  	[tilespmem:s9+$0x4070] =	vst.add.f32.msk $0xffff, v0;
	s6 =	sadd.s32 $0x200, s6  }
0x23e: {  	s6 =	simm.s32 $0x0;
	s7 =	rddreg [dreg:$0x11]  }
0x23f: {  	[hbm4b:s7+s6] =	stream.linear.scatter [tilespmem:s6], [sflag:$0x4], $0x2000, $0x38;
	[tilespmem:$0x1E000] =	vst v63  }
0x240: {  	s23 =	rddreg [dreg:$0xf]  }
0x241: {  	[hbm4b:s23+s6] =	stream.linear.scatter [tilespmem:s2], [sflag:$0x4], $0x2000, $0x38;
	[tilespmem:$0x1E000] =	vst v63  }
0x242: {  	s29 =	rddreg [dreg:$0x10]  }
0x243: {  	[hbm4b:s29+s6] =	stream.linear.scatter [tilespmem:s0], [sflag:$0x4], $0x2000, $0x38;
	[tilespmem:$0x1E000] =	vst v63  }
0x244: {  	s31 =	rddreg [dreg:$0x12]  }
0x245: {  	[hbm4b:s31+s6] =	stream.linear.scatter [tilespmem:s8], [sflag:$0x4], $0x2000, $0x38;
	[tilespmem:$0x1E000] =	vst v63  }
0x246: {  	_ =	swait.ge [sflag:s24], $0x2000  }
0x247: {  	[sflag:s24] =	ssyncset.done $0x0  }
0x248: {  	[sflag:s24] =	ssyncadd.s32 $0xFFFFE000  }
0x249: {  	_ =	swait.ge [sflag:s24], $0x2000  }
0x24a: {  	[sflag:s24] =	ssyncset.done $0x0  }
0x24b: {  	[sflag:s24] =	ssyncadd.s32 $0xFFFFE000  }
0x24c: {  	_ =	swait.ge [sflag:s24], $0x2000  }
0x24d: {  	[sflag:s24] =	ssyncset.done $0x0  }
0x24e: {  	[sflag:s24] =	ssyncadd.s32 $0xFFFFE000  }
0x24f: {  	_ =	swait.ge [sflag:s24], $0x2000  }
0x250: {  	[sflag:s24] =	ssyncset.done $0x0  }
0x251: {  	[sflag:s24] =	ssyncadd.s32 $0xFFFFE000  }
0x252: {  	_ =	swait.ge [sflag:s24], $0x2000  }
0x253: {  	[sflag:s24] =	ssyncset.done $0x0  }
0x254: {  	[sflag:s24] =	ssyncadd.s32 $0xFFFFE000  }
0x255: {  	_ =	swait.ge [sflag:s25], $0x2000  }
0x256: {  	[sflag:s25] =	ssyncset.done $0x0  }
0x257: {  	[sflag:s25] =	ssyncadd.s32 $0xFFFFE000  }
0x258: {  	_ =	swait.ge [sflag:s25], $0x2000  }
0x259: {  	[sflag:s25] =	ssyncset.done $0x0  }
0x25a: {  	[sflag:s25] =	ssyncadd.s32 $0xFFFFE000  }
0x25b: {  	_ =	swait.ge [sflag:s25], $0x2000  }
0x25c: {  	[sflag:s25] =	ssyncset.done $0x0  }
0x25d: {  	[sflag:s25] =	ssyncadd.s32 $0xFFFFE000  }
0x25e: {  	_ =	swait.ge [sflag:s25], $0x2000  }
0x25f: {  	[sflag:s25] =	ssyncset.done $0x0  }
0x260: {  	s7 =	simm.s32 $0x0;
	[sflag:s25] =	ssyncadd.s32 $0xFFFFE000  }
.LBB2_20:
0x261: {  	s9 =	sshra.s32 s6, $0x2  }
0x262: {  	v0 =	vld [tilespmem:s9+$0x1A070]  }
0x263: {  	v1 =	vld [tilespmem:s9+$0x1A000]  }
0x264: {  	v2 =	vld [tilespmem:s9+$0x1A010]  }
0x265: {  	v3 =	vld [tilespmem:s9+$0x1A020]  }
0x266: {  	v4 =	vld [tilespmem:s9+$0x1A030]  }
0x267: {  	v5 =	vld [tilespmem:s9+$0x1A040]  }
0x268: {  	v6 =	vld [tilespmem:s9+$0x1A050]  }
0x269: {  	v7 =	vld [tilespmem:s9+$0x1A060]  }
0x26a: {  	[tilespmem:s9+$0xE070] =	vst.add.f32.msk $0xffff, v0  }
0x26b: {  	[tilespmem:s9+$0x8000] =	vst.add.f32.msk $0xffff, v1  }
0x26c: {  	[tilespmem:s9+$0xA000] =	vst.add.f32.msk $0xffff, v1  }
0x26d: {  	[tilespmem:s9+$0xC000] =	vst.add.f32.msk $0xffff, v1  }
0x26e: {  	[tilespmem:s9+$0xE000] =	vst.add.f32.msk $0xffff, v1  }
0x26f: {  	[tilespmem:s9+$0x8010] =	vst.add.f32.msk $0xffff, v2  }
0x270: {  	[tilespmem:s9+$0xA010] =	vst.add.f32.msk $0xffff, v2  }
0x271: {  	[tilespmem:s9+$0xC010] =	vst.add.f32.msk $0xffff, v2  }
0x272: {  	[tilespmem:s9+$0xE010] =	vst.add.f32.msk $0xffff, v2  }
0x273: {  	[tilespmem:s9+$0x8020] =	vst.add.f32.msk $0xffff, v3  }
0x274: {  	[tilespmem:s9+$0xA020] =	vst.add.f32.msk $0xffff, v3  }
0x275: {  	[tilespmem:s9+$0xC020] =	vst.add.f32.msk $0xffff, v3  }
0x276: {  	[tilespmem:s9+$0xE020] =	vst.add.f32.msk $0xffff, v3  }
0x277: {  	[tilespmem:s9+$0x8030] =	vst.add.f32.msk $0xffff, v4  }
0x278: {  	[tilespmem:s9+$0xA030] =	vst.add.f32.msk $0xffff, v4  }
0x279: {  	[tilespmem:s9+$0xC030] =	vst.add.f32.msk $0xffff, v4  }
0x27a: {  	[tilespmem:s9+$0xE030] =	vst.add.f32.msk $0xffff, v4  }
0x27b: {  	[tilespmem:s9+$0x8040] =	vst.add.f32.msk $0xffff, v5  }
0x27c: {  	[tilespmem:s9+$0xA040] =	vst.add.f32.msk $0xffff, v5  }
0x27d: {  	[tilespmem:s9+$0xC040] =	vst.add.f32.msk $0xffff, v5  }
0x27e: {  	[tilespmem:s9+$0xE040] =	vst.add.f32.msk $0xffff, v5  }
0x27f: {  	[tilespmem:s9+$0x8050] =	vst.add.f32.msk $0xffff, v6  }
0x280: {  	[tilespmem:s9+$0xA050] =	vst.add.f32.msk $0xffff, v6  }
0x281: {  	[tilespmem:s9+$0xC050] =	vst.add.f32.msk $0xffff, v6  }
0x282: {  	[tilespmem:s9+$0xE050] =	vst.add.f32.msk $0xffff, v6  }
0x283: {  	[tilespmem:s9+$0x8060] =	vst.add.f32.msk $0xffff, v7  }
0x284: {  	[tilespmem:s9+$0xA060] =	vst.add.f32.msk $0xffff, v7  }
0x285: {  	[tilespmem:s9+$0xC060] =	vst.add.f32.msk $0xffff, v7  }
0x286: {  	[tilespmem:s9+$0xE060] =	vst.add.f32.msk $0xffff, v7  }
0x287: {  	[tilespmem:s9+$0x8070] =	vst.add.f32.msk $0xffff, v0  }
0x288: {  	s14 =	simm.s32 $0x0;
	s15 =	sadd.s32 $0x1000, s6;
	[tilespmem:s9+$0xA070] =	vst.add.f32.msk $0xffff, v0  }
.LBB2_21:
0x289: {  	s14 =	sadd.s32 $0x8, s14;
	[tilespmem:s9+$0xC070] =	vst.add.f32.msk $0xffff, v0;
	s9 =	sshra.s32 s15, $0x2  }
0x28a: {  	v0 =	vld [tilespmem:s9+$0x1A070];
	p0 =	slt.u32 s14, $0x38  }
0x28b: {  	v1 =	vld [tilespmem:s9+$0x1A000]  }
0x28c: {  	v2 =	vld [tilespmem:s9+$0x1A010]  }
0x28d: {  	v3 =	vld [tilespmem:s9+$0x1A020]  }
0x28e: {  	v4 =	vld [tilespmem:s9+$0x1A030]  }
0x28f: {  	[tilespmem:s9+$0xE070] =	vst.add.f32.msk $0xffff, v0  }
0x290: {  	v5 =	vld [tilespmem:s9+$0x1A040]  }
0x291: {  	v6 =	vld [tilespmem:s9+$0x1A050]  }
0x292: {  	v7 =	vld [tilespmem:s9+$0x1A060]  }
0x293: {  	[tilespmem:s9+$0x8000] =	vst.add.f32.msk $0xffff, v1  }
0x294: {  	[tilespmem:s9+$0xA000] =	vst.add.f32.msk $0xffff, v1  }
0x295: {  	[tilespmem:s9+$0xC000] =	vst.add.f32.msk $0xffff, v1  }
0x296: {  	[tilespmem:s9+$0xE000] =	vst.add.f32.msk $0xffff, v1  }
0x297: {  	[tilespmem:s9+$0x8010] =	vst.add.f32.msk $0xffff, v2  }
0x298: {  	[tilespmem:s9+$0xA010] =	vst.add.f32.msk $0xffff, v2  }
0x299: {  	[tilespmem:s9+$0xC010] =	vst.add.f32.msk $0xffff, v2  }
0x29a: {  	[tilespmem:s9+$0xE010] =	vst.add.f32.msk $0xffff, v2  }
0x29b: {  	[tilespmem:s9+$0x8020] =	vst.add.f32.msk $0xffff, v3  }
0x29c: {  	[tilespmem:s9+$0xA020] =	vst.add.f32.msk $0xffff, v3  }
0x29d: {  	[tilespmem:s9+$0xC020] =	vst.add.f32.msk $0xffff, v3  }
0x29e: {  	[tilespmem:s9+$0xE020] =	vst.add.f32.msk $0xffff, v3  }
0x29f: {  	[tilespmem:s9+$0x8030] =	vst.add.f32.msk $0xffff, v4  }
0x2a0: {  	[tilespmem:s9+$0xA030] =	vst.add.f32.msk $0xffff, v4  }
0x2a1: {  	[tilespmem:s9+$0xC030] =	vst.add.f32.msk $0xffff, v4  }
0x2a2: {  	[tilespmem:s9+$0xE030] =	vst.add.f32.msk $0xffff, v4  }
0x2a3: {  	[tilespmem:s9+$0x8040] =	vst.add.f32.msk $0xffff, v5  }
0x2a4: {  	[tilespmem:s9+$0xA040] =	vst.add.f32.msk $0xffff, v5  }
0x2a5: {  	[tilespmem:s9+$0xC040] =	vst.add.f32.msk $0xffff, v5  }
0x2a6: {  	[tilespmem:s9+$0xE040] =	vst.add.f32.msk $0xffff, v5  }
0x2a7: {  	[tilespmem:s9+$0x8050] =	vst.add.f32.msk $0xffff, v6  }
0x2a8: {  	[tilespmem:s9+$0xA050] =	vst.add.f32.msk $0xffff, v6  }
0x2a9: {  	[tilespmem:s9+$0xC050] =	vst.add.f32.msk $0xffff, v6  }
0x2aa: {  	[tilespmem:s9+$0xE050] =	vst.add.f32.msk $0xffff, v6  }
0x2ab: {  	[tilespmem:s9+$0x8060] =	vst.add.f32.msk $0xffff, v7  }
.Ltmp9:
0x2ac: {  	[tilespmem:s9+$0xA060] =	vst.add.f32.msk $0xffff, v7;
	(pc) =	sbr.rel @p0 .LBB2_21-.Ltmp9, $4  }
0x2ad: {  	[tilespmem:s9+$0xC060] =	vst.add.f32.msk $0xffff, v7  }
0x2ae: {  	[tilespmem:s9+$0xE060] =	vst.add.f32.msk $0xffff, v7  }
0x2af: {  	[tilespmem:s9+$0x8070] =	vst.add.f32.msk $0xffff, v0  }
0x2b0: {  	s15 =	sadd.s32 $0x1000, s15;
	[tilespmem:s9+$0xA070] =	vst.add.f32.msk $0xffff, v0  }
0x2b1: {  	s7 =	sadd.s32 $0x1, s7  }
0x2b2: {  	p0 =	sne.s32 s7, $0x8  }
.Ltmp10:
0x2b3: {  	_ = 	snop;
	(pc) =	sbr.rel @p0 .LBB2_20-.Ltmp10, $2  }
0x2b4: {  	_ =	sdelay $0x2  }
0x2b5: {  	[tilespmem:s9+$0xC070] =	vst.add.f32.msk $0xffff, v0;
	s6 =	sadd.s32 $0x200, s6  }
0x2b6: {  	s6 =	rddreg [dreg:$0x14]  }
0x2b7: {  	[hbm4b:s6+s5] =	stream.linear.scatter [tilespmem:s10], [sflag:$0x5], $0x2000, $0x38;
	[tilespmem:$0x1E000] =	vst v63  }
0x2b8: {  	s21 =	rddreg [dreg:$0x13]  }
0x2b9: {  	[hbm4b:s21+s5] =	stream.linear.scatter [tilespmem:s11], [sflag:$0x5], $0x2000, $0x38;
	[tilespmem:$0x1E000] =	vst v63  }
0x2ba: {  	s23 =	rddreg [dreg:$0x15]  }
0x2bb: {  	[hbm4b:s23+s5] =	stream.linear.scatter [tilespmem:s12], [sflag:$0x5], $0x2000, $0x38;
	[tilespmem:$0x1E000] =	vst v63  }
0x2bc: {  	s29 =	rddreg [dreg:$0x16]  }
0x2bd: {  	[hbm4b:s29+s5] =	stream.linear.scatter [tilespmem:s13], [sflag:$0x5], $0x2000, $0x38;
	[tilespmem:$0x1E000] =	vst v63  }
0x2be: {  	_ =	swait.ge [sflag:s28], $0x2000  }
0x2bf: {  	[sflag:s28] =	ssyncset.done $0x0  }
0x2c0: {  	[sflag:s28] =	ssyncadd.s32 $0xFFFFE000  }
0x2c1: {  	_ =	swait.ge [sflag:s28], $0x2000  }
0x2c2: {  	[sflag:s28] =	ssyncset.done $0x0  }
0x2c3: {  	[sflag:s28] =	ssyncadd.s32 $0xFFFFE000  }
0x2c4: {  	_ =	swait.ge [sflag:s28], $0x2000  }
0x2c5: {  	[sflag:s28] =	ssyncset.done $0x0  }
0x2c6: {  	[sflag:s28] =	ssyncadd.s32 $0xFFFFE000  }
0x2c7: {  	_ =	swait.ge [sflag:s28], $0x2000  }
0x2c8: {  	s7 =	rddreg [dreg:$0x1c]  }
0x2c9: {  	s31 =	rddreg [dreg:$0x17];
	s7 =	sadd.s32 $0x1, s7  }
0x2ca: {  	p0 =	sne.s32 s7, s31  }
.Ltmp11:
0x2cb: {  	_ = 	snop;
	(pc) =	sbr.rel @p0 .LBB2_1-.Ltmp11, $3  }
0x2cc: {  	_ =	sdelay $0x1  }
0x2cd: {  	[sflag:s28] =	ssyncset.done $0x0  }
0x2ce: {  	[sflag:s28] =	ssyncadd.s32 $0xFFFFE000  }
0x2cf: {  	_ =	sfence.sel $0x180000  }
0x2d0: {  	[bflag:$0x0] =	sbarrier.arrive $0xFFFF  }
0x2d1: {  	_ =	strace $0x90000047  }
0x2d2: {  	s0 =	stileid.u32;
	[bflag:$0x2] =	sbarrier.arrive $0xFFFF  }
0x2d3: {  	p0 =	sne.s32 s0, $0x0;
	s0 =	rddreg [dreg:$0x3]  }
0x2d4: {  	s0 =	sadd.s32 @!p0 $0x100000, s0  }
0x2d5: {  	[sflag:s0] =	ssyncadd.tile.s32 @!p0 $0x1;
	_ =	shalt  }
.Lfunc_end2:
_tile_overlayer_lowered:
.L_overlay_start_2:
0x2d6: {  	(tag) =	ssettag $0x2  }
0x2d7: {  	s0 =	rddreg [dreg:$0x0];
	s2 =	stileid.u32  }
0x2d8: {  	s1 =	rddreg [dreg:$0x1];
	p0 =	sne.s32 s2, $0x0  }
0x2d9: {  	s3 =	rddreg [dreg:$0x2];
	[bflag:$0x3] =	sbarrier.arrive $0xFFFF;
	s2 =	simm.s32 @!p0 $0x1C07  }
0x2da: {  	[timem:s3], [sflag:s2] =	dma.local @!p0 [hbm:s0], s1  }
0x2db: {  	s0 =	simm.s32 @!p0 $0x7  }
0x2dc: {  	_ =	swait.ge @!p0 [sflag:s0], s1  }
0x2dd: {  	s1 =	ssub.s32 @!p0 $0x0, s1;
	[sflag:s0] =	ssyncset.done @!p0 $0x0  }
0x2de: {  	[sflag:s0] =	ssyncadd.s32 @!p0 s1  }
0x2df: {  	[bflag:$0x3] =	sbarrier.arrive $0xFFFF  }
0x2e0: {  	_ =	shalt  }

</sc_bundles>
